<compile_context>
chip_gen: v7x
topology: tpu7x:2x2x1
jax: 0.10.2.dev20260603
libtpu: 0.0.44.dev20260713+nightly
codegen_flags: <defaults>
</compile_context>

<pallas_src>
import jax
import jax.numpy as jnp
from jax import lax
from jax.experimental import pallas as pl
from jax.experimental.pallas import tpu as pltpu
from jax.experimental.pallas import tpu_sc as plsc

N = 10000
E = 320000
D_IN = 128
D_HID = 256
D_OUT = 128

NC = 2
NS = 16
NW = NC * NS
CH = 128
NCH_W = 80
EP = NW * NCH_W * CH
PAD = EP - E
ROWS = EP // CH
NTRASH = 112
NPAD = N + NTRASH
ZR = NPAD // NS
CW = 8


HB = NCH_W // 2


def _run_window(xp_hbm, src_hbm, dst_hbm, acc_sh,
                src_v, dst_v, rows_v, gsem0, gsem1, ssem, row0):
    pltpu.sync_copy(src_hbm.at[pl.ds(row0, HB)], src_v)
    pltpu.sync_copy(dst_hbm.at[pl.ds(row0, HB)], dst_v)


    pltpu.async_copy(xp_hbm.at[src_v.at[0]], rows_v.at[0], gsem0)
    pltpu.async_copy(xp_hbm.at[src_v.at[1]], rows_v.at[1], gsem1)

    def body(g, carry):
        j = 2 * g
        pltpu.make_async_copy(xp_hbm.at[src_v.at[j]], rows_v.at[0],
                              gsem0).wait()
        pltpu.async_copy(rows_v.at[0], acc_sh.at[dst_v.at[j]], ssem,
                         add=True).wait()
        pltpu.async_copy(xp_hbm.at[src_v.at[j + 2]], rows_v.at[0], gsem0)
        pltpu.make_async_copy(xp_hbm.at[src_v.at[j + 1]], rows_v.at[1],
                              gsem1).wait()
        pltpu.async_copy(rows_v.at[1], acc_sh.at[dst_v.at[j + 1]], ssem,
                         add=True).wait()
        pltpu.async_copy(xp_hbm.at[src_v.at[j + 3]], rows_v.at[1], gsem1)
        return carry

    lax.fori_loop(0, HB // 2 - 1, body, 0)
    pltpu.make_async_copy(xp_hbm.at[src_v.at[HB - 2]], rows_v.at[0],
                          gsem0).wait()
    pltpu.async_copy(rows_v.at[0], acc_sh.at[dst_v.at[HB - 2]], ssem,
                     add=True).wait()
    pltpu.make_async_copy(xp_hbm.at[src_v.at[HB - 1]], rows_v.at[1],
                          gsem1).wait()
    pltpu.async_copy(rows_v.at[1], acc_sh.at[dst_v.at[HB - 1]], ssem,
                     add=True).wait()


def _seg_body(xp_hbm, src_hbm, dst_hbm, zeros_hbm, out_hbm,
              acc_sh, src_v, dst_v, rows_v, gsem0, gsem1, ssem):
    c = lax.axis_index("c")
    s = lax.axis_index("s")
    wid = c * NS + s
    pltpu.sync_copy(zeros_hbm, acc_sh.at[pl.ds(s * ZR, ZR)])
    plsc.subcore_barrier()
    _run_window(xp_hbm, src_hbm, dst_hbm, acc_sh,
                src_v, dst_v, rows_v, gsem0, gsem1, ssem, wid * NCH_W)
    _run_window(xp_hbm, src_hbm, dst_hbm, acc_sh,
                src_v, dst_v, rows_v, gsem0, gsem1, ssem, wid * NCH_W + HB)
    plsc.subcore_barrier()
    pltpu.sync_copy(acc_sh.at[pl.ds(s * ZR, ZR)], out_hbm.at[wid])


def _cnt_body(dst_hbm, zeros_hbm, ones_hbm, out_hbm,
              acc_sh, dst_v, ones_v, csem0, csem1):
    c = lax.axis_index("c")
    s = lax.axis_index("s")
    wid = c * NS + s
    pltpu.sync_copy(zeros_hbm, acc_sh.at[pl.ds(s * ZR, ZR)])
    pltpu.sync_copy(ones_hbm, ones_v)
    pltpu.sync_copy(dst_hbm.at[pl.ds(wid * NCH_W, NCH_W)], dst_v)
    plsc.subcore_barrier()

    def body(g, carry):
        j = 2 * g
        sd0 = pltpu.async_copy(ones_v, acc_sh.at[dst_v.at[j]], csem0,
                               add=True)
        sd1 = pltpu.async_copy(ones_v, acc_sh.at[dst_v.at[j + 1]], csem1,
                               add=True)
        sd0.wait()
        sd1.wait()
        return carry

    lax.fori_loop(0, NCH_W // 2, body, 0)
    plsc.subcore_barrier()
    pltpu.sync_copy(acc_sh.at[pl.ds(s * ZR, ZR)], out_hbm.at[wid])


def _make_sc_calls():
    mesh = plsc.VectorSubcoreMesh(core_axis_name="c", subcore_axis_name="s")
    seg = pl.kernel(
        _seg_body,
        out_type=jax.ShapeDtypeStruct((NW, ZR, D_IN), jnp.float32),
        mesh=mesh,
        scratch_types=[
            pltpu.VMEM_SHARED((NPAD, D_IN), jnp.float32),
            pltpu.VMEM((HB, CH), jnp.int32),
            pltpu.VMEM((HB, CH), jnp.int32),
            pltpu.VMEM((2, CH, D_IN), jnp.float32),
            pltpu.SemaphoreType.DMA,
            pltpu.SemaphoreType.DMA,
            pltpu.SemaphoreType.DMA,
        ],
    )
    cnt = pl.kernel(
        _cnt_body,
        out_type=jax.ShapeDtypeStruct((NW, ZR, CW), jnp.float32),
        mesh=mesh,
        scratch_types=[
            pltpu.VMEM_SHARED((NPAD, CW), jnp.float32),
            pltpu.VMEM((NCH_W, CH), jnp.int32),
            pltpu.VMEM((CH, CW), jnp.float32),
            pltpu.SemaphoreType.DMA,
            pltpu.SemaphoreType.DMA,
        ],
    )
    return seg, cnt


def _indeg(cnt_ref):
    return cnt_ref[0, 0:N, 0:1] + cnt_ref[1, 0:N, 0:1]


def _prescale_body(x_ref, cnt_ref, xp_ref):
    deg = _indeg(cnt_ref) + 1.0
    dinv = lax.rsqrt(deg)
    xp_ref[...] = jnp.concatenate(
        [x_ref[...] * dinv, jnp.zeros((NTRASH, D_IN), jnp.float32)], axis=0)


def _dense_body(sp_ref, xp_ref, cnt_ref, w1_ref, b1_ref, w2_ref, h2_ref):
    indeg = _indeg(cnt_ref)
    deg = indeg + 1.0
    dinv = lax.rsqrt(deg)
    s = sp_ref[0, 0:N, :] + sp_ref[1, 0:N, :]
    xp = xp_ref[0:N, :]
    agg1 = (s + xp) * (dinv / deg)
    xi = lax.dot_general(agg1, w1_ref[...], (((1,), (1,)), ((), ())),
                         preferred_element_type=jnp.float32)
    xi = xi + b1_ref[...][None, :]
    xi = jnp.where(xi >= 0.0, xi, 0.01 * xi)
    mu = jnp.mean(xi, axis=0, keepdims=True)
    var = jnp.mean((xi - mu) ** 2, axis=0, keepdims=True)
    xin = (xi - mu) * lax.rsqrt(var + 1e-5)
    h2 = lax.dot_general(xin, w2_ref[...], (((1,), (1,)), ((), ())),
                         preferred_element_type=jnp.float32)
    h2_ref[...] = jnp.concatenate(
        [h2, jnp.zeros((NTRASH, D_OUT), jnp.float32)], axis=0)


def _final_body(s2_ref, cnt_ref, out_ref):
    indeg = _indeg(cnt_ref)
    inv2 = 1.0 / jnp.maximum(indeg, 1.0)
    out_ref[...] = jax.nn.sigmoid((s2_ref[0, 0:N, :] + s2_ref[1, 0:N, :]) * inv2)


def kernel(x, edge_index, W1, b1, W2):
    src = edge_index[0].astype(jnp.int32)
    dst = edge_index[1].astype(jnp.int32)
    pad_fill = N + (jnp.arange(PAD, dtype=jnp.int32) % NTRASH)
    src_p = jnp.concatenate([src, pad_fill]).reshape(ROWS, CH)
    dst_p = jnp.concatenate([dst, pad_fill]).reshape(ROWS, CH)
    zeros_d = jnp.zeros((ZR, D_IN), jnp.float32)
    zeros_c = jnp.zeros((ZR, CW), jnp.float32)
    ones_c = jnp.ones((CH, CW), jnp.float32)

    seg, cnt_call = _make_sc_calls()

    cnt = cnt_call(dst_p, zeros_c, ones_c).reshape(NC, NPAD, CW)

    xp_pad = pl.pallas_call(
        _prescale_body,
        out_shape=jax.ShapeDtypeStruct((NPAD, D_IN), jnp.float32),
    )(x, cnt)

    sp = seg(xp_pad, src_p, dst_p, zeros_d).reshape(NC, NPAD, D_IN)

    h2_pad = pl.pallas_call(
        _dense_body,
        out_shape=jax.ShapeDtypeStruct((NPAD, D_OUT), jnp.float32),
    )(sp, xp_pad, cnt, W1, b1, W2)

    s2 = seg(h2_pad, src_p, dst_p, zeros_d).reshape(NC, NPAD, D_OUT)

    out = pl.pallas_call(
        _final_body,
        out_shape=jax.ShapeDtypeStruct((N, D_OUT), jnp.float32),
    )(s2, cnt)
    return out

# --- scband reference (transcript-rebuilt; emitter-appended) ---
"""Pipeline reference for scband-nocdnet-60894046323092 (READ-ONLY COPY).

The authoritative reference and input builder live on the scoring server;
editing this copy changes nothing except your own understanding.
"""

import jax, jax.numpy as jnp
import numpy as np

N = 10000
E = 320000
D_IN = 128
D_HID = 256
D_OUT = 128


def setup_inputs(seed: int = 0) -> dict:
    key = jax.random.key(seed)
    k1, k2, k3, k4 = jax.random.split(key, 4)
    x = jax.random.normal(k1, (N, D_IN), dtype=jnp.float32)
    edge_index = jax.random.randint(k2, (2, E), 0, N, dtype=jnp.int64)
    # xavier-uniform-like init for linear weights (stored as [out, in] like torch)
    lim1 = float(np.sqrt(6.0 / (D_IN + D_HID)))
    W1 = jax.random.uniform(k3, (D_HID, D_IN), dtype=jnp.float32, minval=-lim1, maxval=lim1)
    b1 = jnp.zeros((D_HID,), dtype=jnp.float32)
    lim2 = float(np.sqrt(6.0 / (D_HID + D_OUT)))
    W2 = jax.random.uniform(k4, (D_OUT, D_HID), dtype=jnp.float32, minval=-lim2, maxval=lim2)
    return {"x": x, "edge_index": edge_index, "W1": W1, "b1": b1, "W2": W2}


def _gcn_norm_mean(h, src, dst, n):
    # GCNConv normalize=True: add self-loops, symmetric norm, then aggr='mean' over dst
    loop = jnp.arange(n, dtype=src.dtype)
    src_f = jnp.concatenate([src, loop])
    dst_f = jnp.concatenate([dst, loop])
    ew = jnp.ones((src_f.shape[0],), dtype=h.dtype)
    deg = jnp.zeros((n,), dtype=h.dtype).at[dst_f].add(ew)
    dinv = jnp.where(deg > 0, deg ** -0.5, 0.0)
    norm = dinv[src_f] * dinv[dst_f]
    msg = norm[:, None] * jnp.take(h, src_f, axis=0)
    sums = jnp.zeros((n, h.shape[1]), dtype=h.dtype).at[dst_f].add(msg)
    cnt = jnp.zeros((n,), dtype=h.dtype).at[dst_f].add(1.0)
    return sums / jnp.clip(cnt, 1.0)[:, None]


def _plain_mean(h, src, dst, n):
    # GCNConv normalize=False: no self-loops, unweighted messages, aggr='mean'
    msg = jnp.take(h, src, axis=0)
    sums = jnp.zeros((n, h.shape[1]), dtype=h.dtype).at[dst].add(msg)
    cnt = jnp.zeros((n,), dtype=h.dtype).at[dst].add(1.0)
    return sums / jnp.clip(cnt, 1.0)[:, None]


def reference(x, edge_index, W1, b1, W2):
    src = edge_index[0]
    dst = edge_index[1]
    n = x.shape[0]
    # layer 1: GCNConv(128 -> 256, normalize=True, bias=True, aggr='mean')
    h = x @ W1.T
    xi = _gcn_norm_mean(h, src, dst, n) + b1[None, :]
    # LeakyReLU (default negative_slope=0.01)
    xi = jax.nn.leaky_relu(xi, negative_slope=0.01)
    # BatchNorm1d(affine=False) using batch statistics (biased var), eps=1e-5
    mu = jnp.mean(xi, axis=0, keepdims=True)
    var = jnp.mean((xi - mu) ** 2, axis=0, keepdims=True)
    xi = (xi - mu) / jnp.sqrt(var + 1e-5)
    # dropout is identity in eval mode
    # layer 2: GCNConv(256 -> 128, normalize=False, bias=False, aggr='mean')
    h2 = xi @ W2.T
    out = _plain_mean(h2, src, dst, n)
    return jax.nn.sigmoid(out)

if __name__ == "__main__":
    import jax
    _d = setup_inputs()
    print(jax.jit(kernel)(*tuple(_d.values())))

</pallas_src>

<mosaic_0001>
#map = affine_map<(d0, d1) -> (0, 0)>
#map1 = affine_map<(d0, d1) -> (0, 0, 0)>
module attributes {stable_mosaic.version = 14 : i64} {
  func.func @_cnt_body(%arg0: i32, %arg1: i32, %arg2: memref<2560x128xi32, #tpu.memory_space<hbm>>, %arg3: memref<632x8xf32, #tpu.memory_space<hbm>>, %arg4: memref<128x8xf32, #tpu.memory_space<hbm>>, %arg5: memref<32x632x8xf32, #tpu.memory_space<hbm>>, %arg6: memref<10112x8xf32, #tpu.memory_space<vmem_shared>>, %arg7: memref<80x128xi32, #tpu.memory_space<vmem>>, %arg8: memref<128x8xf32, #tpu.memory_space<vmem>>, %arg9: memref<!tpu.dma_semaphore, #tpu.memory_space<semaphore_mem>>, %arg10: memref<!tpu.dma_semaphore, #tpu.memory_space<semaphore_mem>>) attributes {dimension_semantics = [#tpu.dimension_semantics<core_parallel>, #tpu.dimension_semantics<subcore_parallel>], iteration_bounds = array<i64: 2, 16>, scalar_prefetch = 0 : i64, scratch_operands = 5 : i64, tpu.core_type = #tpu.core_type<sc_vector_subcore>, window_params = [{transform_indices = #map}, {transform_indices = #map}, {transform_indices = #map}, {transform_indices = #map1}]} {
    %mul3A = arith.constant 16 : i32
    %mul3A_0 = arith.muli %arg0, %mul3A : i32
    %add3A = arith.addi %mul3A_0, %arg1 : i32
    %mul3A_1 = arith.constant 632 : i32
    %mul3A_2 = arith.muli %arg1, %mul3A_1 : i32
    "tpu.region"() ({
      %run_scoped3A = tpu.sem_alloc : memref<!tpu.dma_semaphore, #tpu.memory_space<semaphore_mem>>
      %dma_start3A = arith.constant 0 : i32
      %dma_start3A_13 = tpu.memref_slice %arg6[%mul3A_2, %dma_start3A] : memref<10112x8xf32, #tpu.memory_space<vmem_shared>> -> memref<632x8xf32, #tpu.memory_space<vmem_shared>>
      tpu.enqueue_dma source(%arg3 : memref<632x8xf32, #tpu.memory_space<hbm>>) target(%dma_start3A_13 : memref<632x8xf32, #tpu.memory_space<vmem_shared>>) target_semaphore(%run_scoped3A : memref<!tpu.dma_semaphore, #tpu.memory_space<semaphore_mem>>)
      %dma_wait3A = arith.constant 0 : i32
      %dma_wait3A_14 = tpu.memref_slice %arg6[%mul3A_2, %dma_wait3A] : memref<10112x8xf32, #tpu.memory_space<vmem_shared>> -> memref<632x8xf32, #tpu.memory_space<vmem_shared>>
      tpu.wait_dma2 semaphore(%run_scoped3A : memref<!tpu.dma_semaphore, #tpu.memory_space<semaphore_mem>>) src(%arg3 : memref<632x8xf32, #tpu.memory_space<hbm>>) dst(%dma_wait3A_14 : memref<632x8xf32, #tpu.memory_space<vmem_shared>>)
      tpu.yield
    }) : () -> ()
    "tpu.region"() ({
      %run_scoped3A = tpu.sem_alloc : memref<!tpu.dma_semaphore, #tpu.memory_space<semaphore_mem>>
      tpu.enqueue_dma source(%arg4 : memref<128x8xf32, #tpu.memory_space<hbm>>) target(%arg8 : memref<128x8xf32, #tpu.memory_space<vmem>>) target_semaphore(%run_scoped3A : memref<!tpu.dma_semaphore, #tpu.memory_space<semaphore_mem>>)
      tpu.wait_dma2 semaphore(%run_scoped3A : memref<!tpu.dma_semaphore, #tpu.memory_space<semaphore_mem>>) src(%arg4 : memref<128x8xf32, #tpu.memory_space<hbm>>) dst(%arg8 : memref<128x8xf32, #tpu.memory_space<vmem>>)
      tpu.yield
    }) : () -> ()
    %mul3A_3 = arith.constant 80 : i32
    %mul3A_4 = arith.muli %add3A, %mul3A_3 : i32
    "tpu.region"() ({
      %run_scoped3A = tpu.sem_alloc : memref<!tpu.dma_semaphore, #tpu.memory_space<semaphore_mem>>
      %dma_start3A = arith.constant 0 : i32
      %dma_start3A_13 = tpu.memref_slice %arg2[%mul3A_4, %dma_start3A] : memref<2560x128xi32, #tpu.memory_space<hbm>> -> memref<80x128xi32, #tpu.memory_space<hbm>>
      %dma_start3A_14 = arith.constant 0 : i32
      %dma_start3A_15 = tpu.memref_slice %arg2[%mul3A_4, %dma_start3A_14] : memref<2560x128xi32, #tpu.memory_space<hbm>> -> memref<80x128xi32, #tpu.memory_space<hbm>>
      tpu.enqueue_dma source(%dma_start3A_15 : memref<80x128xi32, #tpu.memory_space<hbm>>) target(%arg7 : memref<80x128xi32, #tpu.memory_space<vmem>>) target_semaphore(%run_scoped3A : memref<!tpu.dma_semaphore, #tpu.memory_space<semaphore_mem>>)
      %dma_wait3A = arith.constant 0 : i32
      %dma_wait3A_16 = tpu.memref_slice %arg2[%mul3A_4, %dma_wait3A] : memref<2560x128xi32, #tpu.memory_space<hbm>> -> memref<80x128xi32, #tpu.memory_space<hbm>>
      %dma_wait3A_17 = arith.constant 0 : i32
      %dma_wait3A_18 = tpu.memref_slice %arg2[%mul3A_4, %dma_wait3A_17] : memref<2560x128xi32, #tpu.memory_space<hbm>> -> memref<80x128xi32, #tpu.memory_space<hbm>>
      tpu.wait_dma2 semaphore(%run_scoped3A : memref<!tpu.dma_semaphore, #tpu.memory_space<semaphore_mem>>) src(%dma_wait3A_18 : memref<80x128xi32, #tpu.memory_space<hbm>>) dst(%arg7 : memref<80x128xi32, #tpu.memory_space<vmem>>)
      tpu.yield
    }) : () -> ()
    %barrier3A = arith.constant 0 : index
    tpu.barrier barrier_id(%barrier3A)
    %scan3A = arith.constant 0 : i32
    %scan3A_5 = arith.constant 0 : i32
    %scan3A_6 = arith.constant 40 : i32
    %scan3A_7 = arith.addi %scan3A_5, %scan3A_6 : i32
    %scan3A_8 = arith.constant 1 : i32
    scf.for %scan3A_13 = %scan3A_5 to %scan3A_7 step %scan3A_8  : i32 {
      %mul3A_14 = arith.constant 2 : i32
      %mul3A_15 = arith.muli %mul3A_14, %scan3A_13 : i32
      %dma_start3A = arith.constant 0 : i32
      %dma_start3A_16 = tpu.memref_slice %arg7[%mul3A_15, %dma_start3A] : memref<80x128xi32, #tpu.memory_space<vmem>> -> memref<1x128xi32, #tpu.memory_space<vmem>>
      %dma_start3A_17 = tpu.memref_squeeze %dma_start3A_16 : memref<1x128xi32, #tpu.memory_space<vmem>> -> memref<128xi32, #tpu.memory_space<vmem>>
      %dma_start3A_18 = arith.constant 0 : i32
      %dma_start3A_19 = arith.constant 0 : i32
      %dma_start3A_20 = tpu.memref_slice %arg6[%dma_start3A_18, %dma_start3A_19] : memref<10112x8xf32, #tpu.memory_space<vmem_shared>> -> memref<10112x8xf32, #tpu.memory_space<vmem_shared>>
      tpu.enqueue_indirect_dma source(%arg8 : memref<128x8xf32, #tpu.memory_space<vmem>>) target(%dma_start3A_20 : memref<10112x8xf32, #tpu.memory_space<vmem_shared>>) offsets(%dma_start3A_17 : memref<128xi32, #tpu.memory_space<vmem>>) semaphore(%arg9 : memref<!tpu.dma_semaphore, #tpu.memory_space<semaphore_mem>>) {add = true}
      %add3A_21 = arith.constant 1 : i32
      %add3A_22 = arith.addi %mul3A_15, %add3A_21 : i32
      %dma_start3A_23 = arith.constant 0 : i32
      %dma_start3A_24 = tpu.memref_slice %arg7[%add3A_22, %dma_start3A_23] : memref<80x128xi32, #tpu.memory_space<vmem>> -> memref<1x128xi32, #tpu.memory_space<vmem>>
      %dma_start3A_25 = tpu.memref_squeeze %dma_start3A_24 : memref<1x128xi32, #tpu.memory_space<vmem>> -> memref<128xi32, #tpu.memory_space<vmem>>
      %dma_start3A_26 = arith.constant 0 : i32
      %dma_start3A_27 = arith.constant 0 : i32
      %dma_start3A_28 = tpu.memref_slice %arg6[%dma_start3A_26, %dma_start3A_27] : memref<10112x8xf32, #tpu.memory_space<vmem_shared>> -> memref<10112x8xf32, #tpu.memory_space<vmem_shared>>
      tpu.enqueue_indirect_dma source(%arg8 : memref<128x8xf32, #tpu.memory_space<vmem>>) target(%dma_start3A_28 : memref<10112x8xf32, #tpu.memory_space<vmem_shared>>) offsets(%dma_start3A_25 : memref<128xi32, #tpu.memory_space<vmem>>) semaphore(%arg10 : memref<!tpu.dma_semaphore, #tpu.memory_space<semaphore_mem>>) {add = true}
      %dma_wait3A = arith.constant 0 : i32
      %dma_wait3A_29 = tpu.memref_slice %arg7[%mul3A_15, %dma_wait3A] : memref<80x128xi32, #tpu.memory_space<vmem>> -> memref<1x128xi32, #tpu.memory_space<vmem>>
      %dma_wait3A_30 = tpu.memref_squeeze %dma_wait3A_29 : memref<1x128xi32, #tpu.memory_space<vmem>> -> memref<128xi32, #tpu.memory_space<vmem>>
      %dma_wait3A_31 = arith.constant 0 : i32
      %dma_wait3A_32 = arith.constant 0 : i32
      %dma_wait3A_33 = tpu.memref_slice %arg6[%dma_wait3A_31, %dma_wait3A_32] : memref<10112x8xf32, #tpu.memory_space<vmem_shared>> -> memref<10112x8xf32, #tpu.memory_space<vmem_shared>>
      tpu.wait_indirect_dma semaphore(%arg9 : memref<!tpu.dma_semaphore, #tpu.memory_space<semaphore_mem>>) src(%arg8 : memref<128x8xf32, #tpu.memory_space<vmem>>) dst(%dma_wait3A_33 : memref<10112x8xf32, #tpu.memory_space<vmem_shared>>)
      %dma_wait3A_34 = arith.constant 0 : i32
      %dma_wait3A_35 = tpu.memref_slice %arg7[%add3A_22, %dma_wait3A_34] : memref<80x128xi32, #tpu.memory_space<vmem>> -> memref<1x128xi32, #tpu.memory_space<vmem>>
      %dma_wait3A_36 = tpu.memref_squeeze %dma_wait3A_35 : memref<1x128xi32, #tpu.memory_space<vmem>> -> memref<128xi32, #tpu.memory_space<vmem>>
      %dma_wait3A_37 = arith.constant 0 : i32
      %dma_wait3A_38 = arith.constant 0 : i32
      %dma_wait3A_39 = tpu.memref_slice %arg6[%dma_wait3A_37, %dma_wait3A_38] : memref<10112x8xf32, #tpu.memory_space<vmem_shared>> -> memref<10112x8xf32, #tpu.memory_space<vmem_shared>>
      tpu.wait_indirect_dma semaphore(%arg10 : memref<!tpu.dma_semaphore, #tpu.memory_space<semaphore_mem>>) src(%arg8 : memref<128x8xf32, #tpu.memory_space<vmem>>) dst(%dma_wait3A_39 : memref<10112x8xf32, #tpu.memory_space<vmem_shared>>)
    }
    %scan3A_9 = arith.constant 40 : i32
    %barrier3A_10 = arith.constant 0 : index
    tpu.barrier barrier_id(%barrier3A_10)
    %mul3A_11 = arith.constant 632 : i32
    %mul3A_12 = arith.muli %arg1, %mul3A_11 : i32
    "tpu.region"() ({
      %run_scoped3A = tpu.sem_alloc : memref<!tpu.dma_semaphore, #tpu.memory_space<semaphore_mem>>
      %dma_start3A = arith.constant 0 : i32
      %dma_start3A_13 = arith.constant 0 : i32
      %dma_start3A_14 = tpu.memref_slice %arg5[%add3A, %dma_start3A, %dma_start3A_13] : memref<32x632x8xf32, #tpu.memory_space<hbm>> -> memref<1x632x8xf32, #tpu.memory_space<hbm>>
      %dma_start3A_15 = tpu.memref_squeeze %dma_start3A_14 : memref<1x632x8xf32, #tpu.memory_space<hbm>> -> memref<632x8xf32, #tpu.memory_space<hbm>>
      %dma_start3A_16 = arith.constant 0 : i32
      %dma_start3A_17 = tpu.memref_slice %arg6[%mul3A_12, %dma_start3A_16] : memref<10112x8xf32, #tpu.memory_space<vmem_shared>> -> memref<632x8xf32, #tpu.memory_space<vmem_shared>>
      tpu.enqueue_dma source(%dma_start3A_17 : memref<632x8xf32, #tpu.memory_space<vmem_shared>>) target(%dma_start3A_15 : memref<632x8xf32, #tpu.memory_space<hbm>>) target_semaphore(%run_scoped3A : memref<!tpu.dma_semaphore, #tpu.memory_space<semaphore_mem>>)
      %dma_wait3A = arith.constant 0 : i32
      %dma_wait3A_18 = arith.constant 0 : i32
      %dma_wait3A_19 = tpu.memref_slice %arg5[%add3A, %dma_wait3A, %dma_wait3A_18] : memref<32x632x8xf32, #tpu.memory_space<hbm>> -> memref<1x632x8xf32, #tpu.memory_space<hbm>>
      %dma_wait3A_20 = tpu.memref_squeeze %dma_wait3A_19 : memref<1x632x8xf32, #tpu.memory_space<hbm>> -> memref<632x8xf32, #tpu.memory_space<hbm>>
      %dma_wait3A_21 = arith.constant 0 : i32
      %dma_wait3A_22 = tpu.memref_slice %arg6[%mul3A_12, %dma_wait3A_21] : memref<10112x8xf32, #tpu.memory_space<vmem_shared>> -> memref<632x8xf32, #tpu.memory_space<vmem_shared>>
      tpu.wait_dma2 semaphore(%run_scoped3A : memref<!tpu.dma_semaphore, #tpu.memory_space<semaphore_mem>>) src(%dma_wait3A_22 : memref<632x8xf32, #tpu.memory_space<vmem_shared>>) dst(%dma_wait3A_20 : memref<632x8xf32, #tpu.memory_space<hbm>>)
      tpu.yield
    }) : () -> ()
    return
  }
}

#map = affine_map<(d0, d1) -> (0, 0)>
#map1 = affine_map<(d0, d1) -> (0, 0, 0)>
module attributes {stable_mosaic.version = 14 : i64} {
  func.func @_seg_body(%arg0: i32, %arg1: i32, %arg2: memref<10112x128xf32, #tpu.memory_space<hbm>>, %arg3: memref<2560x128xi32, #tpu.memory_space<hbm>>, %arg4: memref<2560x128xi32, #tpu.memory_space<hbm>>, %arg5: memref<632x128xf32, #tpu.memory_space<hbm>>, %arg6: memref<32x632x128xf32, #tpu.memory_space<hbm>>, %arg7: memref<10112x128xf32, #tpu.memory_space<vmem_shared>>, %arg8: memref<40x128xi32, #tpu.memory_space<vmem>>, %arg9: memref<40x128xi32, #tpu.memory_space<vmem>>, %arg10: memref<2x128x128xf32, #tpu.memory_space<vmem>>, %arg11: memref<!tpu.dma_semaphore, #tpu.memory_space<semaphore_mem>>, %arg12: memref<!tpu.dma_semaphore, #tpu.memory_space<semaphore_mem>>, %arg13: memref<!tpu.dma_semaphore, #tpu.memory_space<semaphore_mem>>) attributes {dimension_semantics = [#tpu.dimension_semantics<core_parallel>, #tpu.dimension_semantics<subcore_parallel>], iteration_bounds = array<i64: 2, 16>, scalar_prefetch = 0 : i64, scratch_operands = 7 : i64, tpu.core_type = #tpu.core_type<sc_vector_subcore>, window_params = [{transform_indices = #map}, {transform_indices = #map}, {transform_indices = #map}, {transform_indices = #map}, {transform_indices = #map1}]} {
    %mul3A = arith.constant 16 : i32
    %mul3A_0 = arith.muli %arg0, %mul3A : i32
    %add3A = arith.addi %mul3A_0, %arg1 : i32
    %mul3A_1 = arith.constant 632 : i32
    %mul3A_2 = arith.muli %arg1, %mul3A_1 : i32
    "tpu.region"() ({
      %run_scoped3A = tpu.sem_alloc : memref<!tpu.dma_semaphore, #tpu.memory_space<semaphore_mem>>
      %dma_start3A_213 = arith.constant 0 : i32
      %dma_start3A_214 = tpu.memref_slice %arg7[%mul3A_2, %dma_start3A_213] : memref<10112x128xf32, #tpu.memory_space<vmem_shared>> -> memref<632x128xf32, #tpu.memory_space<vmem_shared>>
      tpu.enqueue_dma source(%arg5 : memref<632x128xf32, #tpu.memory_space<hbm>>) target(%dma_start3A_214 : memref<632x128xf32, #tpu.memory_space<vmem_shared>>) target_semaphore(%run_scoped3A : memref<!tpu.dma_semaphore, #tpu.memory_space<semaphore_mem>>)
      %dma_wait3A_215 = arith.constant 0 : i32
      %dma_wait3A_216 = tpu.memref_slice %arg7[%mul3A_2, %dma_wait3A_215] : memref<10112x128xf32, #tpu.memory_space<vmem_shared>> -> memref<632x128xf32, #tpu.memory_space<vmem_shared>>
      tpu.wait_dma2 semaphore(%run_scoped3A : memref<!tpu.dma_semaphore, #tpu.memory_space<semaphore_mem>>) src(%arg5 : memref<632x128xf32, #tpu.memory_space<hbm>>) dst(%dma_wait3A_216 : memref<632x128xf32, #tpu.memory_space<vmem_shared>>)
      tpu.yield
    }) : () -> ()
    %barrier3A = arith.constant 0 : index
    tpu.barrier barrier_id(%barrier3A)
    %mul3A_3 = arith.constant 80 : i32
    %mul3A_4 = arith.muli %add3A, %mul3A_3 : i32
    "tpu.region"() ({
      %run_scoped3A = tpu.sem_alloc : memref<!tpu.dma_semaphore, #tpu.memory_space<semaphore_mem>>
      %dma_start3A_213 = arith.constant 0 : i32
      %dma_start3A_214 = tpu.memref_slice %arg3[%mul3A_4, %dma_start3A_213] : memref<2560x128xi32, #tpu.memory_space<hbm>> -> memref<40x128xi32, #tpu.memory_space<hbm>>
      %dma_start3A_215 = arith.constant 0 : i32
      %dma_start3A_216 = tpu.memref_slice %arg3[%mul3A_4, %dma_start3A_215] : memref<2560x128xi32, #tpu.memory_space<hbm>> -> memref<40x128xi32, #tpu.memory_space<hbm>>
      tpu.enqueue_dma source(%dma_start3A_216 : memref<40x128xi32, #tpu.memory_space<hbm>>) target(%arg8 : memref<40x128xi32, #tpu.memory_space<vmem>>) target_semaphore(%run_scoped3A : memref<!tpu.dma_semaphore, #tpu.memory_space<semaphore_mem>>)
      %dma_wait3A_217 = arith.constant 0 : i32
      %dma_wait3A_218 = tpu.memref_slice %arg3[%mul3A_4, %dma_wait3A_217] : memref<2560x128xi32, #tpu.memory_space<hbm>> -> memref<40x128xi32, #tpu.memory_space<hbm>>
      %dma_wait3A_219 = arith.constant 0 : i32
      %dma_wait3A_220 = tpu.memref_slice %arg3[%mul3A_4, %dma_wait3A_219] : memref<2560x128xi32, #tpu.memory_space<hbm>> -> memref<40x128xi32, #tpu.memory_space<hbm>>
      tpu.wait_dma2 semaphore(%run_scoped3A : memref<!tpu.dma_semaphore, #tpu.memory_space<semaphore_mem>>) src(%dma_wait3A_220 : memref<40x128xi32, #tpu.memory_space<hbm>>) dst(%arg8 : memref<40x128xi32, #tpu.memory_space<vmem>>)
      tpu.yield
    }) : () -> ()
    "tpu.region"() ({
      %run_scoped3A = tpu.sem_alloc : memref<!tpu.dma_semaphore, #tpu.memory_space<semaphore_mem>>
      %dma_start3A_213 = arith.constant 0 : i32
      %dma_start3A_214 = tpu.memref_slice %arg4[%mul3A_4, %dma_start3A_213] : memref<2560x128xi32, #tpu.memory_space<hbm>> -> memref<40x128xi32, #tpu.memory_space<hbm>>
      %dma_start3A_215 = arith.constant 0 : i32
      %dma_start3A_216 = tpu.memref_slice %arg4[%mul3A_4, %dma_start3A_215] : memref<2560x128xi32, #tpu.memory_space<hbm>> -> memref<40x128xi32, #tpu.memory_space<hbm>>
      tpu.enqueue_dma source(%dma_start3A_216 : memref<40x128xi32, #tpu.memory_space<hbm>>) target(%arg9 : memref<40x128xi32, #tpu.memory_space<vmem>>) target_semaphore(%run_scoped3A : memref<!tpu.dma_semaphore, #tpu.memory_space<semaphore_mem>>)
      %dma_wait3A_217 = arith.constant 0 : i32
      %dma_wait3A_218 = tpu.memref_slice %arg4[%mul3A_4, %dma_wait3A_217] : memref<2560x128xi32, #tpu.memory_space<hbm>> -> memref<40x128xi32, #tpu.memory_space<hbm>>
      %dma_wait3A_219 = arith.constant 0 : i32
      %dma_wait3A_220 = tpu.memref_slice %arg4[%mul3A_4, %dma_wait3A_219] : memref<2560x128xi32, #tpu.memory_space<hbm>> -> memref<40x128xi32, #tpu.memory_space<hbm>>
      tpu.wait_dma2 semaphore(%run_scoped3A : memref<!tpu.dma_semaphore, #tpu.memory_space<semaphore_mem>>) src(%dma_wait3A_220 : memref<40x128xi32, #tpu.memory_space<hbm>>) dst(%arg9 : memref<40x128xi32, #tpu.memory_space<vmem>>)
      tpu.yield
    }) : () -> ()
    %dma_start3A = arith.constant 0 : i32
    %dma_start3A_5 = arith.constant 0 : i32
    %dma_start3A_6 = arith.constant 0 : i32
    %dma_start3A_7 = arith.constant 0 : i32
    %dma_start3A_8 = tpu.memref_slice %arg10[%dma_start3A_5, %dma_start3A_6, %dma_start3A_7] : memref<2x128x128xf32, #tpu.memory_space<vmem>> -> memref<1x128x128xf32, #tpu.memory_space<vmem>>
    %dma_start3A_9 = tpu.memref_squeeze %dma_start3A_8 : memref<1x128x128xf32, #tpu.memory_space<vmem>> -> memref<128x128xf32, #tpu.memory_space<vmem>>
    %dma_start3A_10 = arith.constant 0 : i32
    %dma_start3A_11 = tpu.memref_slice %arg8[%dma_start3A, %dma_start3A_10] : memref<40x128xi32, #tpu.memory_space<vmem>> -> memref<1x128xi32, #tpu.memory_space<vmem>>
    %dma_start3A_12 = tpu.memref_squeeze %dma_start3A_11 : memref<1x128xi32, #tpu.memory_space<vmem>> -> memref<128xi32, #tpu.memory_space<vmem>>
    %dma_start3A_13 = arith.constant 0 : i32
    %dma_start3A_14 = arith.constant 0 : i32
    %dma_start3A_15 = tpu.memref_slice %arg2[%dma_start3A_13, %dma_start3A_14] : memref<10112x128xf32, #tpu.memory_space<hbm>> -> memref<10112x128xf32, #tpu.memory_space<hbm>>
    tpu.enqueue_indirect_dma source(%dma_start3A_15 : memref<10112x128xf32, #tpu.memory_space<hbm>>) target(%dma_start3A_9 : memref<128x128xf32, #tpu.memory_space<vmem>>) offsets(%dma_start3A_12 : memref<128xi32, #tpu.memory_space<vmem>>) semaphore(%arg11 : memref<!tpu.dma_semaphore, #tpu.memory_space<semaphore_mem>>)
    %dma_start3A_16 = arith.constant 1 : i32
    %dma_start3A_17 = arith.constant 1 : i32
    %dma_start3A_18 = arith.constant 0 : i32
    %dma_start3A_19 = arith.constant 0 : i32
    %dma_start3A_20 = tpu.memref_slice %arg10[%dma_start3A_17, %dma_start3A_18, %dma_start3A_19] : memref<2x128x128xf32, #tpu.memory_space<vmem>> -> memref<1x128x128xf32, #tpu.memory_space<vmem>>
    %dma_start3A_21 = tpu.memref_squeeze %dma_start3A_20 : memref<1x128x128xf32, #tpu.memory_space<vmem>> -> memref<128x128xf32, #tpu.memory_space<vmem>>
    %dma_start3A_22 = arith.constant 0 : i32
    %dma_start3A_23 = tpu.memref_slice %arg8[%dma_start3A_16, %dma_start3A_22] : memref<40x128xi32, #tpu.memory_space<vmem>> -> memref<1x128xi32, #tpu.memory_space<vmem>>
    %dma_start3A_24 = tpu.memref_squeeze %dma_start3A_23 : memref<1x128xi32, #tpu.memory_space<vmem>> -> memref<128xi32, #tpu.memory_space<vmem>>
    %dma_start3A_25 = arith.constant 0 : i32
    %dma_start3A_26 = arith.constant 0 : i32
    %dma_start3A_27 = tpu.memref_slice %arg2[%dma_start3A_25, %dma_start3A_26] : memref<10112x128xf32, #tpu.memory_space<hbm>> -> memref<10112x128xf32, #tpu.memory_space<hbm>>
    tpu.enqueue_indirect_dma source(%dma_start3A_27 : memref<10112x128xf32, #tpu.memory_space<hbm>>) target(%dma_start3A_21 : memref<128x128xf32, #tpu.memory_space<vmem>>) offsets(%dma_start3A_24 : memref<128xi32, #tpu.memory_space<vmem>>) semaphore(%arg12 : memref<!tpu.dma_semaphore, #tpu.memory_space<semaphore_mem>>)
    %scan3A = arith.constant 0 : i32
    %scan3A_28 = arith.constant 0 : i32
    %scan3A_29 = arith.constant 19 : i32
    %scan3A_30 = arith.addi %scan3A_28, %scan3A_29 : i32
    %scan3A_31 = arith.constant 1 : i32
    scf.for %scan3A_213 = %scan3A_28 to %scan3A_30 step %scan3A_31  : i32 {
      %mul3A_214 = arith.constant 2 : i32
      %mul3A_215 = arith.muli %mul3A_214, %scan3A_213 : i32
      %dma_wait3A_216 = arith.constant 0 : i32
      %dma_wait3A_217 = arith.constant 0 : i32
      %dma_wait3A_218 = arith.constant 0 : i32
      %dma_wait3A_219 = tpu.memref_slice %arg10[%dma_wait3A_216, %dma_wait3A_217, %dma_wait3A_218] : memref<2x128x128xf32, #tpu.memory_space<vmem>> -> memref<1x128x128xf32, #tpu.memory_space<vmem>>
      %dma_wait3A_220 = tpu.memref_squeeze %dma_wait3A_219 : memref<1x128x128xf32, #tpu.memory_space<vmem>> -> memref<128x128xf32, #tpu.memory_space<vmem>>
      %dma_wait3A_221 = arith.constant 0 : i32
      %dma_wait3A_222 = tpu.memref_slice %arg8[%mul3A_215, %dma_wait3A_221] : memref<40x128xi32, #tpu.memory_space<vmem>> -> memref<1x128xi32, #tpu.memory_space<vmem>>
      %dma_wait3A_223 = tpu.memref_squeeze %dma_wait3A_222 : memref<1x128xi32, #tpu.memory_space<vmem>> -> memref<128xi32, #tpu.memory_space<vmem>>
      %dma_wait3A_224 = arith.constant 0 : i32
      %dma_wait3A_225 = arith.constant 0 : i32
      %dma_wait3A_226 = tpu.memref_slice %arg2[%dma_wait3A_224, %dma_wait3A_225] : memref<10112x128xf32, #tpu.memory_space<hbm>> -> memref<10112x128xf32, #tpu.memory_space<hbm>>
      tpu.wait_indirect_dma semaphore(%arg11 : memref<!tpu.dma_semaphore, #tpu.memory_space<semaphore_mem>>) src(%dma_wait3A_226 : memref<10112x128xf32, #tpu.memory_space<hbm>>) dst(%dma_wait3A_220 : memref<128x128xf32, #tpu.memory_space<vmem>>)
      %dma_start3A_227 = arith.constant 0 : i32
      %dma_start3A_228 = arith.constant 0 : i32
      %dma_start3A_229 = arith.constant 0 : i32
      %dma_start3A_230 = tpu.memref_slice %arg10[%dma_start3A_227, %dma_start3A_228, %dma_start3A_229] : memref<2x128x128xf32, #tpu.memory_space<vmem>> -> memref<1x128x128xf32, #tpu.memory_space<vmem>>
      %dma_start3A_231 = tpu.memref_squeeze %dma_start3A_230 : memref<1x128x128xf32, #tpu.memory_space<vmem>> -> memref<128x128xf32, #tpu.memory_space<vmem>>
      %dma_start3A_232 = arith.constant 0 : i32
      %dma_start3A_233 = tpu.memref_slice %arg9[%mul3A_215, %dma_start3A_232] : memref<40x128xi32, #tpu.memory_space<vmem>> -> memref<1x128xi32, #tpu.memory_space<vmem>>
      %dma_start3A_234 = tpu.memref_squeeze %dma_start3A_233 : memref<1x128xi32, #tpu.memory_space<vmem>> -> memref<128xi32, #tpu.memory_space<vmem>>
      %dma_start3A_235 = arith.constant 0 : i32
      %dma_start3A_236 = arith.constant 0 : i32
      %dma_start3A_237 = tpu.memref_slice %arg7[%dma_start3A_235, %dma_start3A_236] : memref<10112x128xf32, #tpu.memory_space<vmem_shared>> -> memref<10112x128xf32, #tpu.memory_space<vmem_shared>>
      tpu.enqueue_indirect_dma source(%dma_start3A_231 : memref<128x128xf32, #tpu.memory_space<vmem>>) target(%dma_start3A_237 : memref<10112x128xf32, #tpu.memory_space<vmem_shared>>) offsets(%dma_start3A_234 : memref<128xi32, #tpu.memory_space<vmem>>) semaphore(%arg13 : memref<!tpu.dma_semaphore, #tpu.memory_space<semaphore_mem>>) {add = true}
      %dma_wait3A_238 = arith.constant 0 : i32
      %dma_wait3A_239 = arith.constant 0 : i32
      %dma_wait3A_240 = arith.constant 0 : i32
      %dma_wait3A_241 = tpu.memref_slice %arg10[%dma_wait3A_238, %dma_wait3A_239, %dma_wait3A_240] : memref<2x128x128xf32, #tpu.memory_space<vmem>> -> memref<1x128x128xf32, #tpu.memory_space<vmem>>
      %dma_wait3A_242 = tpu.memref_squeeze %dma_wait3A_241 : memref<1x128x128xf32, #tpu.memory_space<vmem>> -> memref<128x128xf32, #tpu.memory_space<vmem>>
      %dma_wait3A_243 = arith.constant 0 : i32
      %dma_wait3A_244 = tpu.memref_slice %arg9[%mul3A_215, %dma_wait3A_243] : memref<40x128xi32, #tpu.memory_space<vmem>> -> memref<1x128xi32, #tpu.memory_space<vmem>>
      %dma_wait3A_245 = tpu.memref_squeeze %dma_wait3A_244 : memref<1x128xi32, #tpu.memory_space<vmem>> -> memref<128xi32, #tpu.memory_space<vmem>>
      %dma_wait3A_246 = arith.constant 0 : i32
      %dma_wait3A_247 = arith.constant 0 : i32
      %dma_wait3A_248 = tpu.memref_slice %arg7[%dma_wait3A_246, %dma_wait3A_247] : memref<10112x128xf32, #tpu.memory_space<vmem_shared>> -> memref<10112x128xf32, #tpu.memory_space<vmem_shared>>
      tpu.wait_indirect_dma semaphore(%arg13 : memref<!tpu.dma_semaphore, #tpu.memory_space<semaphore_mem>>) src(%dma_wait3A_242 : memref<128x128xf32, #tpu.memory_space<vmem>>) dst(%dma_wait3A_248 : memref<10112x128xf32, #tpu.memory_space<vmem_shared>>)
      %add3A_249 = arith.constant 2 : i32
      %add3A_250 = arith.addi %mul3A_215, %add3A_249 : i32
      %dma_start3A_251 = arith.constant 0 : i32
      %dma_start3A_252 = arith.constant 0 : i32
      %dma_start3A_253 = arith.constant 0 : i32
      %dma_start3A_254 = tpu.memref_slice %arg10[%dma_start3A_251, %dma_start3A_252, %dma_start3A_253] : memref<2x128x128xf32, #tpu.memory_space<vmem>> -> memref<1x128x128xf32, #tpu.memory_space<vmem>>
      %dma_start3A_255 = tpu.memref_squeeze %dma_start3A_254 : memref<1x128x128xf32, #tpu.memory_space<vmem>> -> memref<128x128xf32, #tpu.memory_space<vmem>>
      %dma_start3A_256 = arith.constant 0 : i32
      %dma_start3A_257 = tpu.memref_slice %arg8[%add3A_250, %dma_start3A_256] : memref<40x128xi32, #tpu.memory_space<vmem>> -> memref<1x128xi32, #tpu.memory_space<vmem>>
      %dma_start3A_258 = tpu.memref_squeeze %dma_start3A_257 : memref<1x128xi32, #tpu.memory_space<vmem>> -> memref<128xi32, #tpu.memory_space<vmem>>
      %dma_start3A_259 = arith.constant 0 : i32
      %dma_start3A_260 = arith.constant 0 : i32
      %dma_start3A_261 = tpu.memref_slice %arg2[%dma_start3A_259, %dma_start3A_260] : memref<10112x128xf32, #tpu.memory_space<hbm>> -> memref<10112x128xf32, #tpu.memory_space<hbm>>
      tpu.enqueue_indirect_dma source(%dma_start3A_261 : memref<10112x128xf32, #tpu.memory_space<hbm>>) target(%dma_start3A_255 : memref<128x128xf32, #tpu.memory_space<vmem>>) offsets(%dma_start3A_258 : memref<128xi32, #tpu.memory_space<vmem>>) semaphore(%arg11 : memref<!tpu.dma_semaphore, #tpu.memory_space<semaphore_mem>>)
      %add3A_262 = arith.constant 1 : i32
      %add3A_263 = arith.addi %mul3A_215, %add3A_262 : i32
      %dma_wait3A_264 = arith.constant 1 : i32
      %dma_wait3A_265 = arith.constant 0 : i32
      %dma_wait3A_266 = arith.constant 0 : i32
      %dma_wait3A_267 = tpu.memref_slice %arg10[%dma_wait3A_264, %dma_wait3A_265, %dma_wait3A_266] : memref<2x128x128xf32, #tpu.memory_space<vmem>> -> memref<1x128x128xf32, #tpu.memory_space<vmem>>
      %dma_wait3A_268 = tpu.memref_squeeze %dma_wait3A_267 : memref<1x128x128xf32, #tpu.memory_space<vmem>> -> memref<128x128xf32, #tpu.memory_space<vmem>>
      %dma_wait3A_269 = arith.constant 0 : i32
      %dma_wait3A_270 = tpu.memref_slice %arg8[%add3A_263, %dma_wait3A_269] : memref<40x128xi32, #tpu.memory_space<vmem>> -> memref<1x128xi32, #tpu.memory_space<vmem>>
      %dma_wait3A_271 = tpu.memref_squeeze %dma_wait3A_270 : memref<1x128xi32, #tpu.memory_space<vmem>> -> memref<128xi32, #tpu.memory_space<vmem>>
      %dma_wait3A_272 = arith.constant 0 : i32
      %dma_wait3A_273 = arith.constant 0 : i32
      %dma_wait3A_274 = tpu.memref_slice %arg2[%dma_wait3A_272, %dma_wait3A_273] : memref<10112x128xf32, #tpu.memory_space<hbm>> -> memref<10112x128xf32, #tpu.memory_space<hbm>>
      tpu.wait_indirect_dma semaphore(%arg12 : memref<!tpu.dma_semaphore, #tpu.memory_space<semaphore_mem>>) src(%dma_wait3A_274 : memref<10112x128xf32, #tpu.memory_space<hbm>>) dst(%dma_wait3A_268 : memref<128x128xf32, #tpu.memory_space<vmem>>)
      %add3A_275 = arith.constant 1 : i32
      %add3A_276 = arith.addi %mul3A_215, %add3A_275 : i32
      %dma_start3A_277 = arith.constant 1 : i32
      %dma_start3A_278 = arith.constant 0 : i32
      %dma_start3A_279 = arith.constant 0 : i32
      %dma_start3A_280 = tpu.memref_slice %arg10[%dma_start3A_277, %dma_start3A_278, %dma_start3A_279] : memref<2x128x128xf32, #tpu.memory_space<vmem>> -> memref<1x128x128xf32, #tpu.memory_space<vmem>>
      %dma_start3A_281 = tpu.memref_squeeze %dma_start3A_280 : memref<1x128x128xf32, #tpu.memory_space<vmem>> -> memref<128x128xf32, #tpu.memory_space<vmem>>
      %dma_start3A_282 = arith.constant 0 : i32
      %dma_start3A_283 = tpu.memref_slice %arg9[%add3A_276, %dma_start3A_282] : memref<40x128xi32, #tpu.memory_space<vmem>> -> memref<1x128xi32, #tpu.memory_space<vmem>>
      %dma_start3A_284 = tpu.memref_squeeze %dma_start3A_283 : memref<1x128xi32, #tpu.memory_space<vmem>> -> memref<128xi32, #tpu.memory_space<vmem>>
      %dma_start3A_285 = arith.constant 0 : i32
      %dma_start3A_286 = arith.constant 0 : i32
      %dma_start3A_287 = tpu.memref_slice %arg7[%dma_start3A_285, %dma_start3A_286] : memref<10112x128xf32, #tpu.memory_space<vmem_shared>> -> memref<10112x128xf32, #tpu.memory_space<vmem_shared>>
      tpu.enqueue_indirect_dma source(%dma_start3A_281 : memref<128x128xf32, #tpu.memory_space<vmem>>) target(%dma_start3A_287 : memref<10112x128xf32, #tpu.memory_space<vmem_shared>>) offsets(%dma_start3A_284 : memref<128xi32, #tpu.memory_space<vmem>>) semaphore(%arg13 : memref<!tpu.dma_semaphore, #tpu.memory_space<semaphore_mem>>) {add = true}
      %dma_wait3A_288 = arith.constant 1 : i32
      %dma_wait3A_289 = arith.constant 0 : i32
      %dma_wait3A_290 = arith.constant 0 : i32
      %dma_wait3A_291 = tpu.memref_slice %arg10[%dma_wait3A_288, %dma_wait3A_289, %dma_wait3A_290] : memref<2x128x128xf32, #tpu.memory_space<vmem>> -> memref<1x128x128xf32, #tpu.memory_space<vmem>>
      %dma_wait3A_292 = tpu.memref_squeeze %dma_wait3A_291 : memref<1x128x128xf32, #tpu.memory_space<vmem>> -> memref<128x128xf32, #tpu.memory_space<vmem>>
      %dma_wait3A_293 = arith.constant 0 : i32
      %dma_wait3A_294 = tpu.memref_slice %arg9[%add3A_276, %dma_wait3A_293] : memref<40x128xi32, #tpu.memory_space<vmem>> -> memref<1x128xi32, #tpu.memory_space<vmem>>
      %dma_wait3A_295 = tpu.memref_squeeze %dma_wait3A_294 : memref<1x128xi32, #tpu.memory_space<vmem>> -> memref<128xi32, #tpu.memory_space<vmem>>
      %dma_wait3A_296 = arith.constant 0 : i32
      %dma_wait3A_297 = arith.constant 0 : i32
      %dma_wait3A_298 = tpu.memref_slice %arg7[%dma_wait3A_296, %dma_wait3A_297] : memref<10112x128xf32, #tpu.memory_space<vmem_shared>> -> memref<10112x128xf32, #tpu.memory_space<vmem_shared>>
      tpu.wait_indirect_dma semaphore(%arg13 : memref<!tpu.dma_semaphore, #tpu.memory_space<semaphore_mem>>) src(%dma_wait3A_292 : memref<128x128xf32, #tpu.memory_space<vmem>>) dst(%dma_wait3A_298 : memref<10112x128xf32, #tpu.memory_space<vmem_shared>>)
      %add3A_299 = arith.constant 3 : i32
      %add3A_300 = arith.addi %mul3A_215, %add3A_299 : i32
      %dma_start3A_301 = arith.constant 1 : i32
      %dma_start3A_302 = arith.constant 0 : i32
      %dma_start3A_303 = arith.constant 0 : i32
      %dma_start3A_304 = tpu.memref_slice %arg10[%dma_start3A_301, %dma_start3A_302, %dma_start3A_303] : memref<2x128x128xf32, #tpu.memory_space<vmem>> -> memref<1x128x128xf32, #tpu.memory_space<vmem>>
      %dma_start3A_305 = tpu.memref_squeeze %dma_start3A_304 : memref<1x128x128xf32, #tpu.memory_space<vmem>> -> memref<128x128xf32, #tpu.memory_space<vmem>>
      %dma_start3A_306 = arith.constant 0 : i32
      %dma_start3A_307 = tpu.memref_slice %arg8[%add3A_300, %dma_start3A_306] : memref<40x128xi32, #tpu.memory_space<vmem>> -> memref<1x128xi32, #tpu.memory_space<vmem>>
      %dma_start3A_308 = tpu.memref_squeeze %dma_start3A_307 : memref<1x128xi32, #tpu.memory_space<vmem>> -> memref<128xi32, #tpu.memory_space<vmem>>
      %dma_start3A_309 = arith.constant 0 : i32
      %dma_start3A_310 = arith.constant 0 : i32
      %dma_start3A_311 = tpu.memref_slice %arg2[%dma_start3A_309, %dma_start3A_310] : memref<10112x128xf32, #tpu.memory_space<hbm>> -> memref<10112x128xf32, #tpu.memory_space<hbm>>
      tpu.enqueue_indirect_dma source(%dma_start3A_311 : memref<10112x128xf32, #tpu.memory_space<hbm>>) target(%dma_start3A_305 : memref<128x128xf32, #tpu.memory_space<vmem>>) offsets(%dma_start3A_308 : memref<128xi32, #tpu.memory_space<vmem>>) semaphore(%arg12 : memref<!tpu.dma_semaphore, #tpu.memory_space<semaphore_mem>>)
    }
    %scan3A_32 = arith.constant 19 : i32
    %dma_wait3A = arith.constant 38 : i32
    %dma_wait3A_33 = arith.constant 0 : i32
    %dma_wait3A_34 = arith.constant 0 : i32
    %dma_wait3A_35 = arith.constant 0 : i32
    %dma_wait3A_36 = tpu.memref_slice %arg10[%dma_wait3A_33, %dma_wait3A_34, %dma_wait3A_35] : memref<2x128x128xf32, #tpu.memory_space<vmem>> -> memref<1x128x128xf32, #tpu.memory_space<vmem>>
    %dma_wait3A_37 = tpu.memref_squeeze %dma_wait3A_36 : memref<1x128x128xf32, #tpu.memory_space<vmem>> -> memref<128x128xf32, #tpu.memory_space<vmem>>
    %dma_wait3A_38 = arith.constant 0 : i32
    %dma_wait3A_39 = tpu.memref_slice %arg8[%dma_wait3A, %dma_wait3A_38] : memref<40x128xi32, #tpu.memory_space<vmem>> -> memref<1x128xi32, #tpu.memory_space<vmem>>
    %dma_wait3A_40 = tpu.memref_squeeze %dma_wait3A_39 : memref<1x128xi32, #tpu.memory_space<vmem>> -> memref<128xi32, #tpu.memory_space<vmem>>
    %dma_wait3A_41 = arith.constant 0 : i32
    %dma_wait3A_42 = arith.constant 0 : i32
    %dma_wait3A_43 = tpu.memref_slice %arg2[%dma_wait3A_41, %dma_wait3A_42] : memref<10112x128xf32, #tpu.memory_space<hbm>> -> memref<10112x128xf32, #tpu.memory_space<hbm>>
    tpu.wait_indirect_dma semaphore(%arg11 : memref<!tpu.dma_semaphore, #tpu.memory_space<semaphore_mem>>) src(%dma_wait3A_43 : memref<10112x128xf32, #tpu.memory_space<hbm>>) dst(%dma_wait3A_37 : memref<128x128xf32, #tpu.memory_space<vmem>>)
    %dma_start3A_44 = arith.constant 0 : i32
    %dma_start3A_45 = arith.constant 38 : i32
    %dma_start3A_46 = arith.constant 0 : i32
    %dma_start3A_47 = arith.constant 0 : i32
    %dma_start3A_48 = tpu.memref_slice %arg10[%dma_start3A_44, %dma_start3A_46, %dma_start3A_47] : memref<2x128x128xf32, #tpu.memory_space<vmem>> -> memref<1x128x128xf32, #tpu.memory_space<vmem>>
    %dma_start3A_49 = tpu.memref_squeeze %dma_start3A_48 : memref<1x128x128xf32, #tpu.memory_space<vmem>> -> memref<128x128xf32, #tpu.memory_space<vmem>>
    %dma_start3A_50 = arith.constant 0 : i32
    %dma_start3A_51 = tpu.memref_slice %arg9[%dma_start3A_45, %dma_start3A_50] : memref<40x128xi32, #tpu.memory_space<vmem>> -> memref<1x128xi32, #tpu.memory_space<vmem>>
    %dma_start3A_52 = tpu.memref_squeeze %dma_start3A_51 : memref<1x128xi32, #tpu.memory_space<vmem>> -> memref<128xi32, #tpu.memory_space<vmem>>
    %dma_start3A_53 = arith.constant 0 : i32
    %dma_start3A_54 = arith.constant 0 : i32
    %dma_start3A_55 = tpu.memref_slice %arg7[%dma_start3A_53, %dma_start3A_54] : memref<10112x128xf32, #tpu.memory_space<vmem_shared>> -> memref<10112x128xf32, #tpu.memory_space<vmem_shared>>
    tpu.enqueue_indirect_dma source(%dma_start3A_49 : memref<128x128xf32, #tpu.memory_space<vmem>>) target(%dma_start3A_55 : memref<10112x128xf32, #tpu.memory_space<vmem_shared>>) offsets(%dma_start3A_52 : memref<128xi32, #tpu.memory_space<vmem>>) semaphore(%arg13 : memref<!tpu.dma_semaphore, #tpu.memory_space<semaphore_mem>>) {add = true}
    %dma_wait3A_56 = arith.constant 0 : i32
    %dma_wait3A_57 = arith.constant 38 : i32
    %dma_wait3A_58 = arith.constant 0 : i32
    %dma_wait3A_59 = arith.constant 0 : i32
    %dma_wait3A_60 = tpu.memref_slice %arg10[%dma_wait3A_56, %dma_wait3A_58, %dma_wait3A_59] : memref<2x128x128xf32, #tpu.memory_space<vmem>> -> memref<1x128x128xf32, #tpu.memory_space<vmem>>
    %dma_wait3A_61 = tpu.memref_squeeze %dma_wait3A_60 : memref<1x128x128xf32, #tpu.memory_space<vmem>> -> memref<128x128xf32, #tpu.memory_space<vmem>>
    %dma_wait3A_62 = arith.constant 0 : i32
    %dma_wait3A_63 = tpu.memref_slice %arg9[%dma_wait3A_57, %dma_wait3A_62] : memref<40x128xi32, #tpu.memory_space<vmem>> -> memref<1x128xi32, #tpu.memory_space<vmem>>
    %dma_wait3A_64 = tpu.memref_squeeze %dma_wait3A_63 : memref<1x128xi32, #tpu.memory_space<vmem>> -> memref<128xi32, #tpu.memory_space<vmem>>
    %dma_wait3A_65 = arith.constant 0 : i32
    %dma_wait3A_66 = arith.constant 0 : i32
    %dma_wait3A_67 = tpu.memref_slice %arg7[%dma_wait3A_65, %dma_wait3A_66] : memref<10112x128xf32, #tpu.memory_space<vmem_shared>> -> memref<10112x128xf32, #tpu.memory_space<vmem_shared>>
    tpu.wait_indirect_dma semaphore(%arg13 : memref<!tpu.dma_semaphore, #tpu.memory_space<semaphore_mem>>) src(%dma_wait3A_61 : memref<128x128xf32, #tpu.memory_space<vmem>>) dst(%dma_wait3A_67 : memref<10112x128xf32, #tpu.memory_space<vmem_shared>>)
    %dma_wait3A_68 = arith.constant 39 : i32
    %dma_wait3A_69 = arith.constant 1 : i32
    %dma_wait3A_70 = arith.constant 0 : i32
    %dma_wait3A_71 = arith.constant 0 : i32
    %dma_wait3A_72 = tpu.memref_slice %arg10[%dma_wait3A_69, %dma_wait3A_70, %dma_wait3A_71] : memref<2x128x128xf32, #tpu.memory_space<vmem>> -> memref<1x128x128xf32, #tpu.memory_space<vmem>>
    %dma_wait3A_73 = tpu.memref_squeeze %dma_wait3A_72 : memref<1x128x128xf32, #tpu.memory_space<vmem>> -> memref<128x128xf32, #tpu.memory_space<vmem>>
    %dma_wait3A_74 = arith.constant 0 : i32
    %dma_wait3A_75 = tpu.memref_slice %arg8[%dma_wait3A_68, %dma_wait3A_74] : memref<40x128xi32, #tpu.memory_space<vmem>> -> memref<1x128xi32, #tpu.memory_space<vmem>>
    %dma_wait3A_76 = tpu.memref_squeeze %dma_wait3A_75 : memref<1x128xi32, #tpu.memory_space<vmem>> -> memref<128xi32, #tpu.memory_space<vmem>>
    %dma_wait3A_77 = arith.constant 0 : i32
    %dma_wait3A_78 = arith.constant 0 : i32
    %dma_wait3A_79 = tpu.memref_slice %arg2[%dma_wait3A_77, %dma_wait3A_78] : memref<10112x128xf32, #tpu.memory_space<hbm>> -> memref<10112x128xf32, #tpu.memory_space<hbm>>
    tpu.wait_indirect_dma semaphore(%arg12 : memref<!tpu.dma_semaphore, #tpu.memory_space<semaphore_mem>>) src(%dma_wait3A_79 : memref<10112x128xf32, #tpu.memory_space<hbm>>) dst(%dma_wait3A_73 : memref<128x128xf32, #tpu.memory_space<vmem>>)
    %dma_start3A_80 = arith.constant 1 : i32
    %dma_start3A_81 = arith.constant 39 : i32
    %dma_start3A_82 = arith.constant 0 : i32
    %dma_start3A_83 = arith.constant 0 : i32
    %dma_start3A_84 = tpu.memref_slice %arg10[%dma_start3A_80, %dma_start3A_82, %dma_start3A_83] : memref<2x128x128xf32, #tpu.memory_space<vmem>> -> memref<1x128x128xf32, #tpu.memory_space<vmem>>
    %dma_start3A_85 = tpu.memref_squeeze %dma_start3A_84 : memref<1x128x128xf32, #tpu.memory_space<vmem>> -> memref<128x128xf32, #tpu.memory_space<vmem>>
    %dma_start3A_86 = arith.constant 0 : i32
    %dma_start3A_87 = tpu.memref_slice %arg9[%dma_start3A_81, %dma_start3A_86] : memref<40x128xi32, #tpu.memory_space<vmem>> -> memref<1x128xi32, #tpu.memory_space<vmem>>
    %dma_start3A_88 = tpu.memref_squeeze %dma_start3A_87 : memref<1x128xi32, #tpu.memory_space<vmem>> -> memref<128xi32, #tpu.memory_space<vmem>>
    %dma_start3A_89 = arith.constant 0 : i32
    %dma_start3A_90 = arith.constant 0 : i32
    %dma_start3A_91 = tpu.memref_slice %arg7[%dma_start3A_89, %dma_start3A_90] : memref<10112x128xf32, #tpu.memory_space<vmem_shared>> -> memref<10112x128xf32, #tpu.memory_space<vmem_shared>>
    tpu.enqueue_indirect_dma source(%dma_start3A_85 : memref<128x128xf32, #tpu.memory_space<vmem>>) target(%dma_start3A_91 : memref<10112x128xf32, #tpu.memory_space<vmem_shared>>) offsets(%dma_start3A_88 : memref<128xi32, #tpu.memory_space<vmem>>) semaphore(%arg13 : memref<!tpu.dma_semaphore, #tpu.memory_space<semaphore_mem>>) {add = true}
    %dma_wait3A_92 = arith.constant 1 : i32
    %dma_wait3A_93 = arith.constant 39 : i32
    %dma_wait3A_94 = arith.constant 0 : i32
    %dma_wait3A_95 = arith.constant 0 : i32
    %dma_wait3A_96 = tpu.memref_slice %arg10[%dma_wait3A_92, %dma_wait3A_94, %dma_wait3A_95] : memref<2x128x128xf32, #tpu.memory_space<vmem>> -> memref<1x128x128xf32, #tpu.memory_space<vmem>>
    %dma_wait3A_97 = tpu.memref_squeeze %dma_wait3A_96 : memref<1x128x128xf32, #tpu.memory_space<vmem>> -> memref<128x128xf32, #tpu.memory_space<vmem>>
    %dma_wait3A_98 = arith.constant 0 : i32
    %dma_wait3A_99 = tpu.memref_slice %arg9[%dma_wait3A_93, %dma_wait3A_98] : memref<40x128xi32, #tpu.memory_space<vmem>> -> memref<1x128xi32, #tpu.memory_space<vmem>>
    %dma_wait3A_100 = tpu.memref_squeeze %dma_wait3A_99 : memref<1x128xi32, #tpu.memory_space<vmem>> -> memref<128xi32, #tpu.memory_space<vmem>>
    %dma_wait3A_101 = arith.constant 0 : i32
    %dma_wait3A_102 = arith.constant 0 : i32
    %dma_wait3A_103 = tpu.memref_slice %arg7[%dma_wait3A_101, %dma_wait3A_102] : memref<10112x128xf32, #tpu.memory_space<vmem_shared>> -> memref<10112x128xf32, #tpu.memory_space<vmem_shared>>
    tpu.wait_indirect_dma semaphore(%arg13 : memref<!tpu.dma_semaphore, #tpu.memory_space<semaphore_mem>>) src(%dma_wait3A_97 : memref<128x128xf32, #tpu.memory_space<vmem>>) dst(%dma_wait3A_103 : memref<10112x128xf32, #tpu.memory_space<vmem_shared>>)
    %mul3A_104 = arith.constant 80 : i32
    %mul3A_105 = arith.muli %add3A, %mul3A_104 : i32
    %add3A_106 = arith.constant 40 : i32
    %add3A_107 = arith.addi %mul3A_105, %add3A_106 : i32
    "tpu.region"() ({
      %run_scoped3A = tpu.sem_alloc : memref<!tpu.dma_semaphore, #tpu.memory_space<semaphore_mem>>
      %dma_start3A_213 = arith.constant 0 : i32
      %dma_start3A_214 = tpu.memref_slice %arg3[%add3A_107, %dma_start3A_213] : memref<2560x128xi32, #tpu.memory_space<hbm>> -> memref<40x128xi32, #tpu.memory_space<hbm>>
      %dma_start3A_215 = arith.constant 0 : i32
      %dma_start3A_216 = tpu.memref_slice %arg3[%add3A_107, %dma_start3A_215] : memref<2560x128xi32, #tpu.memory_space<hbm>> -> memref<40x128xi32, #tpu.memory_space<hbm>>
      tpu.enqueue_dma source(%dma_start3A_216 : memref<40x128xi32, #tpu.memory_space<hbm>>) target(%arg8 : memref<40x128xi32, #tpu.memory_space<vmem>>) target_semaphore(%run_scoped3A : memref<!tpu.dma_semaphore, #tpu.memory_space<semaphore_mem>>)
      %dma_wait3A_217 = arith.constant 0 : i32
      %dma_wait3A_218 = tpu.memref_slice %arg3[%add3A_107, %dma_wait3A_217] : memref<2560x128xi32, #tpu.memory_space<hbm>> -> memref<40x128xi32, #tpu.memory_space<hbm>>
      %dma_wait3A_219 = arith.constant 0 : i32
      %dma_wait3A_220 = tpu.memref_slice %arg3[%add3A_107, %dma_wait3A_219] : memref<2560x128xi32, #tpu.memory_space<hbm>> -> memref<40x128xi32, #tpu.memory_space<hbm>>
      tpu.wait_dma2 semaphore(%run_scoped3A : memref<!tpu.dma_semaphore, #tpu.memory_space<semaphore_mem>>) src(%dma_wait3A_220 : memref<40x128xi32, #tpu.memory_space<hbm>>) dst(%arg8 : memref<40x128xi32, #tpu.memory_space<vmem>>)
      tpu.yield
    }) : () -> ()
    "tpu.region"() ({
      %run_scoped3A = tpu.sem_alloc : memref<!tpu.dma_semaphore, #tpu.memory_space<semaphore_mem>>
      %dma_start3A_213 = arith.constant 0 : i32
      %dma_start3A_214 = tpu.memref_slice %arg4[%add3A_107, %dma_start3A_213] : memref<2560x128xi32, #tpu.memory_space<hbm>> -> memref<40x128xi32, #tpu.memory_space<hbm>>
      %dma_start3A_215 = arith.constant 0 : i32
      %dma_start3A_216 = tpu.memref_slice %arg4[%add3A_107, %dma_start3A_215] : memref<2560x128xi32, #tpu.memory_space<hbm>> -> memref<40x128xi32, #tpu.memory_space<hbm>>
      tpu.enqueue_dma source(%dma_start3A_216 : memref<40x128xi32, #tpu.memory_space<hbm>>) target(%arg9 : memref<40x128xi32, #tpu.memory_space<vmem>>) target_semaphore(%run_scoped3A : memref<!tpu.dma_semaphore, #tpu.memory_space<semaphore_mem>>)
      %dma_wait3A_217 = arith.constant 0 : i32
      %dma_wait3A_218 = tpu.memref_slice %arg4[%add3A_107, %dma_wait3A_217] : memref<2560x128xi32, #tpu.memory_space<hbm>> -> memref<40x128xi32, #tpu.memory_space<hbm>>
      %dma_wait3A_219 = arith.constant 0 : i32
      %dma_wait3A_220 = tpu.memref_slice %arg4[%add3A_107, %dma_wait3A_219] : memref<2560x128xi32, #tpu.memory_space<hbm>> -> memref<40x128xi32, #tpu.memory_space<hbm>>
      tpu.wait_dma2 semaphore(%run_scoped3A : memref<!tpu.dma_semaphore, #tpu.memory_space<semaphore_mem>>) src(%dma_wait3A_220 : memref<40x128xi32, #tpu.memory_space<hbm>>) dst(%arg9 : memref<40x128xi32, #tpu.memory_space<vmem>>)
      tpu.yield
    }) : () -> ()
    %dma_start3A_108 = arith.constant 0 : i32
    %dma_start3A_109 = arith.constant 0 : i32
    %dma_start3A_110 = arith.constant 0 : i32
    %dma_start3A_111 = arith.constant 0 : i32
    %dma_start3A_112 = tpu.memref_slice %arg10[%dma_start3A_109, %dma_start3A_110, %dma_start3A_111] : memref<2x128x128xf32, #tpu.memory_space<vmem>> -> memref<1x128x128xf32, #tpu.memory_space<vmem>>
    %dma_start3A_113 = tpu.memref_squeeze %dma_start3A_112 : memref<1x128x128xf32, #tpu.memory_space<vmem>> -> memref<128x128xf32, #tpu.memory_space<vmem>>
    %dma_start3A_114 = arith.constant 0 : i32
    %dma_start3A_115 = tpu.memref_slice %arg8[%dma_start3A_108, %dma_start3A_114] : memref<40x128xi32, #tpu.memory_space<vmem>> -> memref<1x128xi32, #tpu.memory_space<vmem>>
    %dma_start3A_116 = tpu.memref_squeeze %dma_start3A_115 : memref<1x128xi32, #tpu.memory_space<vmem>> -> memref<128xi32, #tpu.memory_space<vmem>>
    %dma_start3A_117 = arith.constant 0 : i32
    %dma_start3A_118 = arith.constant 0 : i32
    %dma_start3A_119 = tpu.memref_slice %arg2[%dma_start3A_117, %dma_start3A_118] : memref<10112x128xf32, #tpu.memory_space<hbm>> -> memref<10112x128xf32, #tpu.memory_space<hbm>>
    tpu.enqueue_indirect_dma source(%dma_start3A_119 : memref<10112x128xf32, #tpu.memory_space<hbm>>) target(%dma_start3A_113 : memref<128x128xf32, #tpu.memory_space<vmem>>) offsets(%dma_start3A_116 : memref<128xi32, #tpu.memory_space<vmem>>) semaphore(%arg11 : memref<!tpu.dma_semaphore, #tpu.memory_space<semaphore_mem>>)
    %dma_start3A_120 = arith.constant 1 : i32
    %dma_start3A_121 = arith.constant 1 : i32
    %dma_start3A_122 = arith.constant 0 : i32
    %dma_start3A_123 = arith.constant 0 : i32
    %dma_start3A_124 = tpu.memref_slice %arg10[%dma_start3A_121, %dma_start3A_122, %dma_start3A_123] : memref<2x128x128xf32, #tpu.memory_space<vmem>> -> memref<1x128x128xf32, #tpu.memory_space<vmem>>
    %dma_start3A_125 = tpu.memref_squeeze %dma_start3A_124 : memref<1x128x128xf32, #tpu.memory_space<vmem>> -> memref<128x128xf32, #tpu.memory_space<vmem>>
    %dma_start3A_126 = arith.constant 0 : i32
    %dma_start3A_127 = tpu.memref_slice %arg8[%dma_start3A_120, %dma_start3A_126] : memref<40x128xi32, #tpu.memory_space<vmem>> -> memref<1x128xi32, #tpu.memory_space<vmem>>
    %dma_start3A_128 = tpu.memref_squeeze %dma_start3A_127 : memref<1x128xi32, #tpu.memory_space<vmem>> -> memref<128xi32, #tpu.memory_space<vmem>>
    %dma_start3A_129 = arith.constant 0 : i32
    %dma_start3A_130 = arith.constant 0 : i32
    %dma_start3A_131 = tpu.memref_slice %arg2[%dma_start3A_129, %dma_start3A_130] : memref<10112x128xf32, #tpu.memory_space<hbm>> -> memref<10112x128xf32, #tpu.memory_space<hbm>>
    tpu.enqueue_indirect_dma source(%dma_start3A_131 : memref<10112x128xf32, #tpu.memory_space<hbm>>) target(%dma_start3A_125 : memref<128x128xf32, #tpu.memory_space<vmem>>) offsets(%dma_start3A_128 : memref<128xi32, #tpu.memory_space<vmem>>) semaphore(%arg12 : memref<!tpu.dma_semaphore, #tpu.memory_space<semaphore_mem>>)
    %scan3A_132 = arith.constant 0 : i32
    %scan3A_133 = arith.constant 0 : i32
    %scan3A_134 = arith.constant 19 : i32
    %scan3A_135 = arith.addi %scan3A_133, %scan3A_134 : i32
    %scan3A_136 = arith.constant 1 : i32
    scf.for %scan3A_213 = %scan3A_133 to %scan3A_135 step %scan3A_136  : i32 {
      %mul3A_214 = arith.constant 2 : i32
      %mul3A_215 = arith.muli %mul3A_214, %scan3A_213 : i32
      %dma_wait3A_216 = arith.constant 0 : i32
      %dma_wait3A_217 = arith.constant 0 : i32
      %dma_wait3A_218 = arith.constant 0 : i32
      %dma_wait3A_219 = tpu.memref_slice %arg10[%dma_wait3A_216, %dma_wait3A_217, %dma_wait3A_218] : memref<2x128x128xf32, #tpu.memory_space<vmem>> -> memref<1x128x128xf32, #tpu.memory_space<vmem>>
      %dma_wait3A_220 = tpu.memref_squeeze %dma_wait3A_219 : memref<1x128x128xf32, #tpu.memory_space<vmem>> -> memref<128x128xf32, #tpu.memory_space<vmem>>
      %dma_wait3A_221 = arith.constant 0 : i32
      %dma_wait3A_222 = tpu.memref_slice %arg8[%mul3A_215, %dma_wait3A_221] : memref<40x128xi32, #tpu.memory_space<vmem>> -> memref<1x128xi32, #tpu.memory_space<vmem>>
      %dma_wait3A_223 = tpu.memref_squeeze %dma_wait3A_222 : memref<1x128xi32, #tpu.memory_space<vmem>> -> memref<128xi32, #tpu.memory_space<vmem>>
      %dma_wait3A_224 = arith.constant 0 : i32
      %dma_wait3A_225 = arith.constant 0 : i32
      %dma_wait3A_226 = tpu.memref_slice %arg2[%dma_wait3A_224, %dma_wait3A_225] : memref<10112x128xf32, #tpu.memory_space<hbm>> -> memref<10112x128xf32, #tpu.memory_space<hbm>>
      tpu.wait_indirect_dma semaphore(%arg11 : memref<!tpu.dma_semaphore, #tpu.memory_space<semaphore_mem>>) src(%dma_wait3A_226 : memref<10112x128xf32, #tpu.memory_space<hbm>>) dst(%dma_wait3A_220 : memref<128x128xf32, #tpu.memory_space<vmem>>)
      %dma_start3A_227 = arith.constant 0 : i32
      %dma_start3A_228 = arith.constant 0 : i32
      %dma_start3A_229 = arith.constant 0 : i32
      %dma_start3A_230 = tpu.memref_slice %arg10[%dma_start3A_227, %dma_start3A_228, %dma_start3A_229] : memref<2x128x128xf32, #tpu.memory_space<vmem>> -> memref<1x128x128xf32, #tpu.memory_space<vmem>>
      %dma_start3A_231 = tpu.memref_squeeze %dma_start3A_230 : memref<1x128x128xf32, #tpu.memory_space<vmem>> -> memref<128x128xf32, #tpu.memory_space<vmem>>
      %dma_start3A_232 = arith.constant 0 : i32
      %dma_start3A_233 = tpu.memref_slice %arg9[%mul3A_215, %dma_start3A_232] : memref<40x128xi32, #tpu.memory_space<vmem>> -> memref<1x128xi32, #tpu.memory_space<vmem>>
      %dma_start3A_234 = tpu.memref_squeeze %dma_start3A_233 : memref<1x128xi32, #tpu.memory_space<vmem>> -> memref<128xi32, #tpu.memory_space<vmem>>
      %dma_start3A_235 = arith.constant 0 : i32
      %dma_start3A_236 = arith.constant 0 : i32
      %dma_start3A_237 = tpu.memref_slice %arg7[%dma_start3A_235, %dma_start3A_236] : memref<10112x128xf32, #tpu.memory_space<vmem_shared>> -> memref<10112x128xf32, #tpu.memory_space<vmem_shared>>
      tpu.enqueue_indirect_dma source(%dma_start3A_231 : memref<128x128xf32, #tpu.memory_space<vmem>>) target(%dma_start3A_237 : memref<10112x128xf32, #tpu.memory_space<vmem_shared>>) offsets(%dma_start3A_234 : memref<128xi32, #tpu.memory_space<vmem>>) semaphore(%arg13 : memref<!tpu.dma_semaphore, #tpu.memory_space<semaphore_mem>>) {add = true}
      %dma_wait3A_238 = arith.constant 0 : i32
      %dma_wait3A_239 = arith.constant 0 : i32
      %dma_wait3A_240 = arith.constant 0 : i32
      %dma_wait3A_241 = tpu.memref_slice %arg10[%dma_wait3A_238, %dma_wait3A_239, %dma_wait3A_240] : memref<2x128x128xf32, #tpu.memory_space<vmem>> -> memref<1x128x128xf32, #tpu.memory_space<vmem>>
      %dma_wait3A_242 = tpu.memref_squeeze %dma_wait3A_241 : memref<1x128x128xf32, #tpu.memory_space<vmem>> -> memref<128x128xf32, #tpu.memory_space<vmem>>
      %dma_wait3A_243 = arith.constant 0 : i32
      %dma_wait3A_244 = tpu.memref_slice %arg9[%mul3A_215, %dma_wait3A_243] : memref<40x128xi32, #tpu.memory_space<vmem>> -> memref<1x128xi32, #tpu.memory_space<vmem>>
      %dma_wait3A_245 = tpu.memref_squeeze %dma_wait3A_244 : memref<1x128xi32, #tpu.memory_space<vmem>> -> memref<128xi32, #tpu.memory_space<vmem>>
      %dma_wait3A_246 = arith.constant 0 : i32
      %dma_wait3A_247 = arith.constant 0 : i32
      %dma_wait3A_248 = tpu.memref_slice %arg7[%dma_wait3A_246, %dma_wait3A_247] : memref<10112x128xf32, #tpu.memory_space<vmem_shared>> -> memref<10112x128xf32, #tpu.memory_space<vmem_shared>>
      tpu.wait_indirect_dma semaphore(%arg13 : memref<!tpu.dma_semaphore, #tpu.memory_space<semaphore_mem>>) src(%dma_wait3A_242 : memref<128x128xf32, #tpu.memory_space<vmem>>) dst(%dma_wait3A_248 : memref<10112x128xf32, #tpu.memory_space<vmem_shared>>)
      %add3A_249 = arith.constant 2 : i32
      %add3A_250 = arith.addi %mul3A_215, %add3A_249 : i32
      %dma_start3A_251 = arith.constant 0 : i32
      %dma_start3A_252 = arith.constant 0 : i32
      %dma_start3A_253 = arith.constant 0 : i32
      %dma_start3A_254 = tpu.memref_slice %arg10[%dma_start3A_251, %dma_start3A_252, %dma_start3A_253] : memref<2x128x128xf32, #tpu.memory_space<vmem>> -> memref<1x128x128xf32, #tpu.memory_space<vmem>>
      %dma_start3A_255 = tpu.memref_squeeze %dma_start3A_254 : memref<1x128x128xf32, #tpu.memory_space<vmem>> -> memref<128x128xf32, #tpu.memory_space<vmem>>
      %dma_start3A_256 = arith.constant 0 : i32
      %dma_start3A_257 = tpu.memref_slice %arg8[%add3A_250, %dma_start3A_256] : memref<40x128xi32, #tpu.memory_space<vmem>> -> memref<1x128xi32, #tpu.memory_space<vmem>>
      %dma_start3A_258 = tpu.memref_squeeze %dma_start3A_257 : memref<1x128xi32, #tpu.memory_space<vmem>> -> memref<128xi32, #tpu.memory_space<vmem>>
      %dma_start3A_259 = arith.constant 0 : i32
      %dma_start3A_260 = arith.constant 0 : i32
      %dma_start3A_261 = tpu.memref_slice %arg2[%dma_start3A_259, %dma_start3A_260] : memref<10112x128xf32, #tpu.memory_space<hbm>> -> memref<10112x128xf32, #tpu.memory_space<hbm>>
      tpu.enqueue_indirect_dma source(%dma_start3A_261 : memref<10112x128xf32, #tpu.memory_space<hbm>>) target(%dma_start3A_255 : memref<128x128xf32, #tpu.memory_space<vmem>>) offsets(%dma_start3A_258 : memref<128xi32, #tpu.memory_space<vmem>>) semaphore(%arg11 : memref<!tpu.dma_semaphore, #tpu.memory_space<semaphore_mem>>)
      %add3A_262 = arith.constant 1 : i32
      %add3A_263 = arith.addi %mul3A_215, %add3A_262 : i32
      %dma_wait3A_264 = arith.constant 1 : i32
      %dma_wait3A_265 = arith.constant 0 : i32
      %dma_wait3A_266 = arith.constant 0 : i32
      %dma_wait3A_267 = tpu.memref_slice %arg10[%dma_wait3A_264, %dma_wait3A_265, %dma_wait3A_266] : memref<2x128x128xf32, #tpu.memory_space<vmem>> -> memref<1x128x128xf32, #tpu.memory_space<vmem>>
      %dma_wait3A_268 = tpu.memref_squeeze %dma_wait3A_267 : memref<1x128x128xf32, #tpu.memory_space<vmem>> -> memref<128x128xf32, #tpu.memory_space<vmem>>
      %dma_wait3A_269 = arith.constant 0 : i32
      %dma_wait3A_270 = tpu.memref_slice %arg8[%add3A_263, %dma_wait3A_269] : memref<40x128xi32, #tpu.memory_space<vmem>> -> memref<1x128xi32, #tpu.memory_space<vmem>>
      %dma_wait3A_271 = tpu.memref_squeeze %dma_wait3A_270 : memref<1x128xi32, #tpu.memory_space<vmem>> -> memref<128xi32, #tpu.memory_space<vmem>>
      %dma_wait3A_272 = arith.constant 0 : i32
      %dma_wait3A_273 = arith.constant 0 : i32
      %dma_wait3A_274 = tpu.memref_slice %arg2[%dma_wait3A_272, %dma_wait3A_273] : memref<10112x128xf32, #tpu.memory_space<hbm>> -> memref<10112x128xf32, #tpu.memory_space<hbm>>
      tpu.wait_indirect_dma semaphore(%arg12 : memref<!tpu.dma_semaphore, #tpu.memory_space<semaphore_mem>>) src(%dma_wait3A_274 : memref<10112x128xf32, #tpu.memory_space<hbm>>) dst(%dma_wait3A_268 : memref<128x128xf32, #tpu.memory_space<vmem>>)
      %add3A_275 = arith.constant 1 : i32
      %add3A_276 = arith.addi %mul3A_215, %add3A_275 : i32
      %dma_start3A_277 = arith.constant 1 : i32
      %dma_start3A_278 = arith.constant 0 : i32
      %dma_start3A_279 = arith.constant 0 : i32
      %dma_start3A_280 = tpu.memref_slice %arg10[%dma_start3A_277, %dma_start3A_278, %dma_start3A_279] : memref<2x128x128xf32, #tpu.memory_space<vmem>> -> memref<1x128x128xf32, #tpu.memory_space<vmem>>
      %dma_start3A_281 = tpu.memref_squeeze %dma_start3A_280 : memref<1x128x128xf32, #tpu.memory_space<vmem>> -> memref<128x128xf32, #tpu.memory_space<vmem>>
      %dma_start3A_282 = arith.constant 0 : i32
      %dma_start3A_283 = tpu.memref_slice %arg9[%add3A_276, %dma_start3A_282] : memref<40x128xi32, #tpu.memory_space<vmem>> -> memref<1x128xi32, #tpu.memory_space<vmem>>
      %dma_start3A_284 = tpu.memref_squeeze %dma_start3A_283 : memref<1x128xi32, #tpu.memory_space<vmem>> -> memref<128xi32, #tpu.memory_space<vmem>>
      %dma_start3A_285 = arith.constant 0 : i32
      %dma_start3A_286 = arith.constant 0 : i32
      %dma_start3A_287 = tpu.memref_slice %arg7[%dma_start3A_285, %dma_start3A_286] : memref<10112x128xf32, #tpu.memory_space<vmem_shared>> -> memref<10112x128xf32, #tpu.memory_space<vmem_shared>>
      tpu.enqueue_indirect_dma source(%dma_start3A_281 : memref<128x128xf32, #tpu.memory_space<vmem>>) target(%dma_start3A_287 : memref<10112x128xf32, #tpu.memory_space<vmem_shared>>) offsets(%dma_start3A_284 : memref<128xi32, #tpu.memory_space<vmem>>) semaphore(%arg13 : memref<!tpu.dma_semaphore, #tpu.memory_space<semaphore_mem>>) {add = true}
      %dma_wait3A_288 = arith.constant 1 : i32
      %dma_wait3A_289 = arith.constant 0 : i32
      %dma_wait3A_290 = arith.constant 0 : i32
      %dma_wait3A_291 = tpu.memref_slice %arg10[%dma_wait3A_288, %dma_wait3A_289, %dma_wait3A_290] : memref<2x128x128xf32, #tpu.memory_space<vmem>> -> memref<1x128x128xf32, #tpu.memory_space<vmem>>
      %dma_wait3A_292 = tpu.memref_squeeze %dma_wait3A_291 : memref<1x128x128xf32, #tpu.memory_space<vmem>> -> memref<128x128xf32, #tpu.memory_space<vmem>>
      %dma_wait3A_293 = arith.constant 0 : i32
      %dma_wait3A_294 = tpu.memref_slice %arg9[%add3A_276, %dma_wait3A_293] : memref<40x128xi32, #tpu.memory_space<vmem>> -> memref<1x128xi32, #tpu.memory_space<vmem>>
      %dma_wait3A_295 = tpu.memref_squeeze %dma_wait3A_294 : memref<1x128xi32, #tpu.memory_space<vmem>> -> memref<128xi32, #tpu.memory_space<vmem>>
      %dma_wait3A_296 = arith.constant 0 : i32
      %dma_wait3A_297 = arith.constant 0 : i32
      %dma_wait3A_298 = tpu.memref_slice %arg7[%dma_wait3A_296, %dma_wait3A_297] : memref<10112x128xf32, #tpu.memory_space<vmem_shared>> -> memref<10112x128xf32, #tpu.memory_space<vmem_shared>>
      tpu.wait_indirect_dma semaphore(%arg13 : memref<!tpu.dma_semaphore, #tpu.memory_space<semaphore_mem>>) src(%dma_wait3A_292 : memref<128x128xf32, #tpu.memory_space<vmem>>) dst(%dma_wait3A_298 : memref<10112x128xf32, #tpu.memory_space<vmem_shared>>)
      %add3A_299 = arith.constant 3 : i32
      %add3A_300 = arith.addi %mul3A_215, %add3A_299 : i32
      %dma_start3A_301 = arith.constant 1 : i32
      %dma_start3A_302 = arith.constant 0 : i32
      %dma_start3A_303 = arith.constant 0 : i32
      %dma_start3A_304 = tpu.memref_slice %arg10[%dma_start3A_301, %dma_start3A_302, %dma_start3A_303] : memref<2x128x128xf32, #tpu.memory_space<vmem>> -> memref<1x128x128xf32, #tpu.memory_space<vmem>>
      %dma_start3A_305 = tpu.memref_squeeze %dma_start3A_304 : memref<1x128x128xf32, #tpu.memory_space<vmem>> -> memref<128x128xf32, #tpu.memory_space<vmem>>
      %dma_start3A_306 = arith.constant 0 : i32
      %dma_start3A_307 = tpu.memref_slice %arg8[%add3A_300, %dma_start3A_306] : memref<40x128xi32, #tpu.memory_space<vmem>> -> memref<1x128xi32, #tpu.memory_space<vmem>>
      %dma_start3A_308 = tpu.memref_squeeze %dma_start3A_307 : memref<1x128xi32, #tpu.memory_space<vmem>> -> memref<128xi32, #tpu.memory_space<vmem>>
      %dma_start3A_309 = arith.constant 0 : i32
      %dma_start3A_310 = arith.constant 0 : i32
      %dma_start3A_311 = tpu.memref_slice %arg2[%dma_start3A_309, %dma_start3A_310] : memref<10112x128xf32, #tpu.memory_space<hbm>> -> memref<10112x128xf32, #tpu.memory_space<hbm>>
      tpu.enqueue_indirect_dma source(%dma_start3A_311 : memref<10112x128xf32, #tpu.memory_space<hbm>>) target(%dma_start3A_305 : memref<128x128xf32, #tpu.memory_space<vmem>>) offsets(%dma_start3A_308 : memref<128xi32, #tpu.memory_space<vmem>>) semaphore(%arg12 : memref<!tpu.dma_semaphore, #tpu.memory_space<semaphore_mem>>)
    }
    %scan3A_137 = arith.constant 19 : i32
    %dma_wait3A_138 = arith.constant 38 : i32
    %dma_wait3A_139 = arith.constant 0 : i32
    %dma_wait3A_140 = arith.constant 0 : i32
    %dma_wait3A_141 = arith.constant 0 : i32
    %dma_wait3A_142 = tpu.memref_slice %arg10[%dma_wait3A_139, %dma_wait3A_140, %dma_wait3A_141] : memref<2x128x128xf32, #tpu.memory_space<vmem>> -> memref<1x128x128xf32, #tpu.memory_space<vmem>>
    %dma_wait3A_143 = tpu.memref_squeeze %dma_wait3A_142 : memref<1x128x128xf32, #tpu.memory_space<vmem>> -> memref<128x128xf32, #tpu.memory_space<vmem>>
    %dma_wait3A_144 = arith.constant 0 : i32
    %dma_wait3A_145 = tpu.memref_slice %arg8[%dma_wait3A_138, %dma_wait3A_144] : memref<40x128xi32, #tpu.memory_space<vmem>> -> memref<1x128xi32, #tpu.memory_space<vmem>>
    %dma_wait3A_146 = tpu.memref_squeeze %dma_wait3A_145 : memref<1x128xi32, #tpu.memory_space<vmem>> -> memref<128xi32, #tpu.memory_space<vmem>>
    %dma_wait3A_147 = arith.constant 0 : i32
    %dma_wait3A_148 = arith.constant 0 : i32
    %dma_wait3A_149 = tpu.memref_slice %arg2[%dma_wait3A_147, %dma_wait3A_148] : memref<10112x128xf32, #tpu.memory_space<hbm>> -> memref<10112x128xf32, #tpu.memory_space<hbm>>
    tpu.wait_indirect_dma semaphore(%arg11 : memref<!tpu.dma_semaphore, #tpu.memory_space<semaphore_mem>>) src(%dma_wait3A_149 : memref<10112x128xf32, #tpu.memory_space<hbm>>) dst(%dma_wait3A_143 : memref<128x128xf32, #tpu.memory_space<vmem>>)
    %dma_start3A_150 = arith.constant 0 : i32
    %dma_start3A_151 = arith.constant 38 : i32
    %dma_start3A_152 = arith.constant 0 : i32
    %dma_start3A_153 = arith.constant 0 : i32
    %dma_start3A_154 = tpu.memref_slice %arg10[%dma_start3A_150, %dma_start3A_152, %dma_start3A_153] : memref<2x128x128xf32, #tpu.memory_space<vmem>> -> memref<1x128x128xf32, #tpu.memory_space<vmem>>
    %dma_start3A_155 = tpu.memref_squeeze %dma_start3A_154 : memref<1x128x128xf32, #tpu.memory_space<vmem>> -> memref<128x128xf32, #tpu.memory_space<vmem>>
    %dma_start3A_156 = arith.constant 0 : i32
    %dma_start3A_157 = tpu.memref_slice %arg9[%dma_start3A_151, %dma_start3A_156] : memref<40x128xi32, #tpu.memory_space<vmem>> -> memref<1x128xi32, #tpu.memory_space<vmem>>
    %dma_start3A_158 = tpu.memref_squeeze %dma_start3A_157 : memref<1x128xi32, #tpu.memory_space<vmem>> -> memref<128xi32, #tpu.memory_space<vmem>>
    %dma_start3A_159 = arith.constant 0 : i32
    %dma_start3A_160 = arith.constant 0 : i32
    %dma_start3A_161 = tpu.memref_slice %arg7[%dma_start3A_159, %dma_start3A_160] : memref<10112x128xf32, #tpu.memory_space<vmem_shared>> -> memref<10112x128xf32, #tpu.memory_space<vmem_shared>>
    tpu.enqueue_indirect_dma source(%dma_start3A_155 : memref<128x128xf32, #tpu.memory_space<vmem>>) target(%dma_start3A_161 : memref<10112x128xf32, #tpu.memory_space<vmem_shared>>) offsets(%dma_start3A_158 : memref<128xi32, #tpu.memory_space<vmem>>) semaphore(%arg13 : memref<!tpu.dma_semaphore, #tpu.memory_space<semaphore_mem>>) {add = true}
    %dma_wait3A_162 = arith.constant 0 : i32
    %dma_wait3A_163 = arith.constant 38 : i32
    %dma_wait3A_164 = arith.constant 0 : i32
    %dma_wait3A_165 = arith.constant 0 : i32
    %dma_wait3A_166 = tpu.memref_slice %arg10[%dma_wait3A_162, %dma_wait3A_164, %dma_wait3A_165] : memref<2x128x128xf32, #tpu.memory_space<vmem>> -> memref<1x128x128xf32, #tpu.memory_space<vmem>>
    %dma_wait3A_167 = tpu.memref_squeeze %dma_wait3A_166 : memref<1x128x128xf32, #tpu.memory_space<vmem>> -> memref<128x128xf32, #tpu.memory_space<vmem>>
    %dma_wait3A_168 = arith.constant 0 : i32
    %dma_wait3A_169 = tpu.memref_slice %arg9[%dma_wait3A_163, %dma_wait3A_168] : memref<40x128xi32, #tpu.memory_space<vmem>> -> memref<1x128xi32, #tpu.memory_space<vmem>>
    %dma_wait3A_170 = tpu.memref_squeeze %dma_wait3A_169 : memref<1x128xi32, #tpu.memory_space<vmem>> -> memref<128xi32, #tpu.memory_space<vmem>>
    %dma_wait3A_171 = arith.constant 0 : i32
    %dma_wait3A_172 = arith.constant 0 : i32
    %dma_wait3A_173 = tpu.memref_slice %arg7[%dma_wait3A_171, %dma_wait3A_172] : memref<10112x128xf32, #tpu.memory_space<vmem_shared>> -> memref<10112x128xf32, #tpu.memory_space<vmem_shared>>
    tpu.wait_indirect_dma semaphore(%arg13 : memref<!tpu.dma_semaphore, #tpu.memory_space<semaphore_mem>>) src(%dma_wait3A_167 : memref<128x128xf32, #tpu.memory_space<vmem>>) dst(%dma_wait3A_173 : memref<10112x128xf32, #tpu.memory_space<vmem_shared>>)
    %dma_wait3A_174 = arith.constant 39 : i32
    %dma_wait3A_175 = arith.constant 1 : i32
    %dma_wait3A_176 = arith.constant 0 : i32
    %dma_wait3A_177 = arith.constant 0 : i32
    %dma_wait3A_178 = tpu.memref_slice %arg10[%dma_wait3A_175, %dma_wait3A_176, %dma_wait3A_177] : memref<2x128x128xf32, #tpu.memory_space<vmem>> -> memref<1x128x128xf32, #tpu.memory_space<vmem>>
    %dma_wait3A_179 = tpu.memref_squeeze %dma_wait3A_178 : memref<1x128x128xf32, #tpu.memory_space<vmem>> -> memref<128x128xf32, #tpu.memory_space<vmem>>
    %dma_wait3A_180 = arith.constant 0 : i32
    %dma_wait3A_181 = tpu.memref_slice %arg8[%dma_wait3A_174, %dma_wait3A_180] : memref<40x128xi32, #tpu.memory_space<vmem>> -> memref<1x128xi32, #tpu.memory_space<vmem>>
    %dma_wait3A_182 = tpu.memref_squeeze %dma_wait3A_181 : memref<1x128xi32, #tpu.memory_space<vmem>> -> memref<128xi32, #tpu.memory_space<vmem>>
    %dma_wait3A_183 = arith.constant 0 : i32
    %dma_wait3A_184 = arith.constant 0 : i32
    %dma_wait3A_185 = tpu.memref_slice %arg2[%dma_wait3A_183, %dma_wait3A_184] : memref<10112x128xf32, #tpu.memory_space<hbm>> -> memref<10112x128xf32, #tpu.memory_space<hbm>>
    tpu.wait_indirect_dma semaphore(%arg12 : memref<!tpu.dma_semaphore, #tpu.memory_space<semaphore_mem>>) src(%dma_wait3A_185 : memref<10112x128xf32, #tpu.memory_space<hbm>>) dst(%dma_wait3A_179 : memref<128x128xf32, #tpu.memory_space<vmem>>)
    %dma_start3A_186 = arith.constant 1 : i32
    %dma_start3A_187 = arith.constant 39 : i32
    %dma_start3A_188 = arith.constant 0 : i32
    %dma_start3A_189 = arith.constant 0 : i32
    %dma_start3A_190 = tpu.memref_slice %arg10[%dma_start3A_186, %dma_start3A_188, %dma_start3A_189] : memref<2x128x128xf32, #tpu.memory_space<vmem>> -> memref<1x128x128xf32, #tpu.memory_space<vmem>>
    %dma_start3A_191 = tpu.memref_squeeze %dma_start3A_190 : memref<1x128x128xf32, #tpu.memory_space<vmem>> -> memref<128x128xf32, #tpu.memory_space<vmem>>
    %dma_start3A_192 = arith.constant 0 : i32
    %dma_start3A_193 = tpu.memref_slice %arg9[%dma_start3A_187, %dma_start3A_192] : memref<40x128xi32, #tpu.memory_space<vmem>> -> memref<1x128xi32, #tpu.memory_space<vmem>>
    %dma_start3A_194 = tpu.memref_squeeze %dma_start3A_193 : memref<1x128xi32, #tpu.memory_space<vmem>> -> memref<128xi32, #tpu.memory_space<vmem>>
    %dma_start3A_195 = arith.constant 0 : i32
    %dma_start3A_196 = arith.constant 0 : i32
    %dma_start3A_197 = tpu.memref_slice %arg7[%dma_start3A_195, %dma_start3A_196] : memref<10112x128xf32, #tpu.memory_space<vmem_shared>> -> memref<10112x128xf32, #tpu.memory_space<vmem_shared>>
    tpu.enqueue_indirect_dma source(%dma_start3A_191 : memref<128x128xf32, #tpu.memory_space<vmem>>) target(%dma_start3A_197 : memref<10112x128xf32, #tpu.memory_space<vmem_shared>>) offsets(%dma_start3A_194 : memref<128xi32, #tpu.memory_space<vmem>>) semaphore(%arg13 : memref<!tpu.dma_semaphore, #tpu.memory_space<semaphore_mem>>) {add = true}
    %dma_wait3A_198 = arith.constant 1 : i32
    %dma_wait3A_199 = arith.constant 39 : i32
    %dma_wait3A_200 = arith.constant 0 : i32
    %dma_wait3A_201 = arith.constant 0 : i32
    %dma_wait3A_202 = tpu.memref_slice %arg10[%dma_wait3A_198, %dma_wait3A_200, %dma_wait3A_201] : memref<2x128x128xf32, #tpu.memory_space<vmem>> -> memref<1x128x128xf32, #tpu.memory_space<vmem>>
    %dma_wait3A_203 = tpu.memref_squeeze %dma_wait3A_202 : memref<1x128x128xf32, #tpu.memory_space<vmem>> -> memref<128x128xf32, #tpu.memory_space<vmem>>
    %dma_wait3A_204 = arith.constant 0 : i32
    %dma_wait3A_205 = tpu.memref_slice %arg9[%dma_wait3A_199, %dma_wait3A_204] : memref<40x128xi32, #tpu.memory_space<vmem>> -> memref<1x128xi32, #tpu.memory_space<vmem>>
    %dma_wait3A_206 = tpu.memref_squeeze %dma_wait3A_205 : memref<1x128xi32, #tpu.memory_space<vmem>> -> memref<128xi32, #tpu.memory_space<vmem>>
    %dma_wait3A_207 = arith.constant 0 : i32
    %dma_wait3A_208 = arith.constant 0 : i32
    %dma_wait3A_209 = tpu.memref_slice %arg7[%dma_wait3A_207, %dma_wait3A_208] : memref<10112x128xf32, #tpu.memory_space<vmem_shared>> -> memref<10112x128xf32, #tpu.memory_space<vmem_shared>>
    tpu.wait_indirect_dma semaphore(%arg13 : memref<!tpu.dma_semaphore, #tpu.memory_space<semaphore_mem>>) src(%dma_wait3A_203 : memref<128x128xf32, #tpu.memory_space<vmem>>) dst(%dma_wait3A_209 : memref<10112x128xf32, #tpu.memory_space<vmem_shared>>)
    %barrier3A_210 = arith.constant 0 : index
    tpu.barrier barrier_id(%barrier3A_210)
    %mul3A_211 = arith.constant 632 : i32
    %mul3A_212 = arith.muli %arg1, %mul3A_211 : i32
    "tpu.region"() ({
      %run_scoped3A = tpu.sem_alloc : memref<!tpu.dma_semaphore, #tpu.memory_space<semaphore_mem>>
      %dma_start3A_213 = arith.constant 0 : i32
      %dma_start3A_214 = arith.constant 0 : i32
      %dma_start3A_215 = tpu.memref_slice %arg6[%add3A, %dma_start3A_213, %dma_start3A_214] : memref<32x632x128xf32, #tpu.memory_space<hbm>> -> memref<1x632x128xf32, #tpu.memory_space<hbm>>
      %dma_start3A_216 = tpu.memref_squeeze %dma_start3A_215 : memref<1x632x128xf32, #tpu.memory_space<hbm>> -> memref<632x128xf32, #tpu.memory_space<hbm>>
      %dma_start3A_217 = arith.constant 0 : i32
      %dma_start3A_218 = tpu.memref_slice %arg7[%mul3A_212, %dma_start3A_217] : memref<10112x128xf32, #tpu.memory_space<vmem_shared>> -> memref<632x128xf32, #tpu.memory_space<vmem_shared>>
      tpu.enqueue_dma source(%dma_start3A_218 : memref<632x128xf32, #tpu.memory_space<vmem_shared>>) target(%dma_start3A_216 : memref<632x128xf32, #tpu.memory_space<hbm>>) target_semaphore(%run_scoped3A : memref<!tpu.dma_semaphore, #tpu.memory_space<semaphore_mem>>)
      %dma_wait3A_219 = arith.constant 0 : i32
      %dma_wait3A_220 = arith.constant 0 : i32
      %dma_wait3A_221 = tpu.memref_slice %arg6[%add3A, %dma_wait3A_219, %dma_wait3A_220] : memref<32x632x128xf32, #tpu.memory_space<hbm>> -> memref<1x632x128xf32, #tpu.memory_space<hbm>>
      %dma_wait3A_222 = tpu.memref_squeeze %dma_wait3A_221 : memref<1x632x128xf32, #tpu.memory_space<hbm>> -> memref<632x128xf32, #tpu.memory_space<hbm>>
      %dma_wait3A_223 = arith.constant 0 : i32
      %dma_wait3A_224 = tpu.memref_slice %arg7[%mul3A_212, %dma_wait3A_223] : memref<10112x128xf32, #tpu.memory_space<vmem_shared>> -> memref<632x128xf32, #tpu.memory_space<vmem_shared>>
      tpu.wait_dma2 semaphore(%run_scoped3A : memref<!tpu.dma_semaphore, #tpu.memory_space<semaphore_mem>>) src(%dma_wait3A_224 : memref<632x128xf32, #tpu.memory_space<vmem_shared>>) dst(%dma_wait3A_222 : memref<632x128xf32, #tpu.memory_space<hbm>>)
      tpu.yield
    }) : () -> ()
    return
  }
}

#map = affine_map<(d0, d1) -> (0, 0)>
#map1 = affine_map<(d0, d1) -> (0, 0, 0)>
module attributes {stable_mosaic.version = 14 : i64} {
  func.func @_seg_body(%arg0: i32, %arg1: i32, %arg2: memref<10112x128xf32, #tpu.memory_space<hbm>>, %arg3: memref<2560x128xi32, #tpu.memory_space<hbm>>, %arg4: memref<2560x128xi32, #tpu.memory_space<hbm>>, %arg5: memref<632x128xf32, #tpu.memory_space<hbm>>, %arg6: memref<32x632x128xf32, #tpu.memory_space<hbm>>, %arg7: memref<10112x128xf32, #tpu.memory_space<vmem_shared>>, %arg8: memref<40x128xi32, #tpu.memory_space<vmem>>, %arg9: memref<40x128xi32, #tpu.memory_space<vmem>>, %arg10: memref<2x128x128xf32, #tpu.memory_space<vmem>>, %arg11: memref<!tpu.dma_semaphore, #tpu.memory_space<semaphore_mem>>, %arg12: memref<!tpu.dma_semaphore, #tpu.memory_space<semaphore_mem>>, %arg13: memref<!tpu.dma_semaphore, #tpu.memory_space<semaphore_mem>>) attributes {dimension_semantics = [#tpu.dimension_semantics<core_parallel>, #tpu.dimension_semantics<subcore_parallel>], iteration_bounds = array<i64: 2, 16>, scalar_prefetch = 0 : i64, scratch_operands = 7 : i64, tpu.core_type = #tpu.core_type<sc_vector_subcore>, window_params = [{transform_indices = #map}, {transform_indices = #map}, {transform_indices = #map}, {transform_indices = #map}, {transform_indices = #map1}]} {
    %mul3A = arith.constant 16 : i32
    %mul3A_0 = arith.muli %arg0, %mul3A : i32
    %add3A = arith.addi %mul3A_0, %arg1 : i32
    %mul3A_1 = arith.constant 632 : i32
    %mul3A_2 = arith.muli %arg1, %mul3A_1 : i32
    "tpu.region"() ({
      %run_scoped3A = tpu.sem_alloc : memref<!tpu.dma_semaphore, #tpu.memory_space<semaphore_mem>>
      %dma_start3A_213 = arith.constant 0 : i32
      %dma_start3A_214 = tpu.memref_slice %arg7[%mul3A_2, %dma_start3A_213] : memref<10112x128xf32, #tpu.memory_space<vmem_shared>> -> memref<632x128xf32, #tpu.memory_space<vmem_shared>>
      tpu.enqueue_dma source(%arg5 : memref<632x128xf32, #tpu.memory_space<hbm>>) target(%dma_start3A_214 : memref<632x128xf32, #tpu.memory_space<vmem_shared>>) target_semaphore(%run_scoped3A : memref<!tpu.dma_semaphore, #tpu.memory_space<semaphore_mem>>)
      %dma_wait3A_215 = arith.constant 0 : i32
      %dma_wait3A_216 = tpu.memref_slice %arg7[%mul3A_2, %dma_wait3A_215] : memref<10112x128xf32, #tpu.memory_space<vmem_shared>> -> memref<632x128xf32, #tpu.memory_space<vmem_shared>>
      tpu.wait_dma2 semaphore(%run_scoped3A : memref<!tpu.dma_semaphore, #tpu.memory_space<semaphore_mem>>) src(%arg5 : memref<632x128xf32, #tpu.memory_space<hbm>>) dst(%dma_wait3A_216 : memref<632x128xf32, #tpu.memory_space<vmem_shared>>)
      tpu.yield
    }) : () -> ()
    %barrier3A = arith.constant 0 : index
    tpu.barrier barrier_id(%barrier3A)
    %mul3A_3 = arith.constant 80 : i32
    %mul3A_4 = arith.muli %add3A, %mul3A_3 : i32
    "tpu.region"() ({
      %run_scoped3A = tpu.sem_alloc : memref<!tpu.dma_semaphore, #tpu.memory_space<semaphore_mem>>
      %dma_start3A_213 = arith.constant 0 : i32
      %dma_start3A_214 = tpu.memref_slice %arg3[%mul3A_4, %dma_start3A_213] : memref<2560x128xi32, #tpu.memory_space<hbm>> -> memref<40x128xi32, #tpu.memory_space<hbm>>
      %dma_start3A_215 = arith.constant 0 : i32
      %dma_start3A_216 = tpu.memref_slice %arg3[%mul3A_4, %dma_start3A_215] : memref<2560x128xi32, #tpu.memory_space<hbm>> -> memref<40x128xi32, #tpu.memory_space<hbm>>
      tpu.enqueue_dma source(%dma_start3A_216 : memref<40x128xi32, #tpu.memory_space<hbm>>) target(%arg8 : memref<40x128xi32, #tpu.memory_space<vmem>>) target_semaphore(%run_scoped3A : memref<!tpu.dma_semaphore, #tpu.memory_space<semaphore_mem>>)
      %dma_wait3A_217 = arith.constant 0 : i32
      %dma_wait3A_218 = tpu.memref_slice %arg3[%mul3A_4, %dma_wait3A_217] : memref<2560x128xi32, #tpu.memory_space<hbm>> -> memref<40x128xi32, #tpu.memory_space<hbm>>
      %dma_wait3A_219 = arith.constant 0 : i32
      %dma_wait3A_220 = tpu.memref_slice %arg3[%mul3A_4, %dma_wait3A_219] : memref<2560x128xi32, #tpu.memory_space<hbm>> -> memref<40x128xi32, #tpu.memory_space<hbm>>
      tpu.wait_dma2 semaphore(%run_scoped3A : memref<!tpu.dma_semaphore, #tpu.memory_space<semaphore_mem>>) src(%dma_wait3A_220 : memref<40x128xi32, #tpu.memory_space<hbm>>) dst(%arg8 : memref<40x128xi32, #tpu.memory_space<vmem>>)
      tpu.yield
    }) : () -> ()
    "tpu.region"() ({
      %run_scoped3A = tpu.sem_alloc : memref<!tpu.dma_semaphore, #tpu.memory_space<semaphore_mem>>
      %dma_start3A_213 = arith.constant 0 : i32
      %dma_start3A_214 = tpu.memref_slice %arg4[%mul3A_4, %dma_start3A_213] : memref<2560x128xi32, #tpu.memory_space<hbm>> -> memref<40x128xi32, #tpu.memory_space<hbm>>
      %dma_start3A_215 = arith.constant 0 : i32
      %dma_start3A_216 = tpu.memref_slice %arg4[%mul3A_4, %dma_start3A_215] : memref<2560x128xi32, #tpu.memory_space<hbm>> -> memref<40x128xi32, #tpu.memory_space<hbm>>
      tpu.enqueue_dma source(%dma_start3A_216 : memref<40x128xi32, #tpu.memory_space<hbm>>) target(%arg9 : memref<40x128xi32, #tpu.memory_space<vmem>>) target_semaphore(%run_scoped3A : memref<!tpu.dma_semaphore, #tpu.memory_space<semaphore_mem>>)
      %dma_wait3A_217 = arith.constant 0 : i32
      %dma_wait3A_218 = tpu.memref_slice %arg4[%mul3A_4, %dma_wait3A_217] : memref<2560x128xi32, #tpu.memory_space<hbm>> -> memref<40x128xi32, #tpu.memory_space<hbm>>
      %dma_wait3A_219 = arith.constant 0 : i32
      %dma_wait3A_220 = tpu.memref_slice %arg4[%mul3A_4, %dma_wait3A_219] : memref<2560x128xi32, #tpu.memory_space<hbm>> -> memref<40x128xi32, #tpu.memory_space<hbm>>
      tpu.wait_dma2 semaphore(%run_scoped3A : memref<!tpu.dma_semaphore, #tpu.memory_space<semaphore_mem>>) src(%dma_wait3A_220 : memref<40x128xi32, #tpu.memory_space<hbm>>) dst(%arg9 : memref<40x128xi32, #tpu.memory_space<vmem>>)
      tpu.yield
    }) : () -> ()
    %dma_start3A = arith.constant 0 : i32
    %dma_start3A_5 = arith.constant 0 : i32
    %dma_start3A_6 = arith.constant 0 : i32
    %dma_start3A_7 = arith.constant 0 : i32
    %dma_start3A_8 = tpu.memref_slice %arg10[%dma_start3A_5, %dma_start3A_6, %dma_start3A_7] : memref<2x128x128xf32, #tpu.memory_space<vmem>> -> memref<1x128x128xf32, #tpu.memory_space<vmem>>
    %dma_start3A_9 = tpu.memref_squeeze %dma_start3A_8 : memref<1x128x128xf32, #tpu.memory_space<vmem>> -> memref<128x128xf32, #tpu.memory_space<vmem>>
    %dma_start3A_10 = arith.constant 0 : i32
    %dma_start3A_11 = tpu.memref_slice %arg8[%dma_start3A, %dma_start3A_10] : memref<40x128xi32, #tpu.memory_space<vmem>> -> memref<1x128xi32, #tpu.memory_space<vmem>>
    %dma_start3A_12 = tpu.memref_squeeze %dma_start3A_11 : memref<1x128xi32, #tpu.memory_space<vmem>> -> memref<128xi32, #tpu.memory_space<vmem>>
    %dma_start3A_13 = arith.constant 0 : i32
    %dma_start3A_14 = arith.constant 0 : i32
    %dma_start3A_15 = tpu.memref_slice %arg2[%dma_start3A_13, %dma_start3A_14] : memref<10112x128xf32, #tpu.memory_space<hbm>> -> memref<10112x128xf32, #tpu.memory_space<hbm>>
    tpu.enqueue_indirect_dma source(%dma_start3A_15 : memref<10112x128xf32, #tpu.memory_space<hbm>>) target(%dma_start3A_9 : memref<128x128xf32, #tpu.memory_space<vmem>>) offsets(%dma_start3A_12 : memref<128xi32, #tpu.memory_space<vmem>>) semaphore(%arg11 : memref<!tpu.dma_semaphore, #tpu.memory_space<semaphore_mem>>)
    %dma_start3A_16 = arith.constant 1 : i32
    %dma_start3A_17 = arith.constant 1 : i32
    %dma_start3A_18 = arith.constant 0 : i32
    %dma_start3A_19 = arith.constant 0 : i32
    %dma_start3A_20 = tpu.memref_slice %arg10[%dma_start3A_17, %dma_start3A_18, %dma_start3A_19] : memref<2x128x128xf32, #tpu.memory_space<vmem>> -> memref<1x128x128xf32, #tpu.memory_space<vmem>>
    %dma_start3A_21 = tpu.memref_squeeze %dma_start3A_20 : memref<1x128x128xf32, #tpu.memory_space<vmem>> -> memref<128x128xf32, #tpu.memory_space<vmem>>
    %dma_start3A_22 = arith.constant 0 : i32
    %dma_start3A_23 = tpu.memref_slice %arg8[%dma_start3A_16, %dma_start3A_22] : memref<40x128xi32, #tpu.memory_space<vmem>> -> memref<1x128xi32, #tpu.memory_space<vmem>>
    %dma_start3A_24 = tpu.memref_squeeze %dma_start3A_23 : memref<1x128xi32, #tpu.memory_space<vmem>> -> memref<128xi32, #tpu.memory_space<vmem>>
    %dma_start3A_25 = arith.constant 0 : i32
    %dma_start3A_26 = arith.constant 0 : i32
    %dma_start3A_27 = tpu.memref_slice %arg2[%dma_start3A_25, %dma_start3A_26] : memref<10112x128xf32, #tpu.memory_space<hbm>> -> memref<10112x128xf32, #tpu.memory_space<hbm>>
    tpu.enqueue_indirect_dma source(%dma_start3A_27 : memref<10112x128xf32, #tpu.memory_space<hbm>>) target(%dma_start3A_21 : memref<128x128xf32, #tpu.memory_space<vmem>>) offsets(%dma_start3A_24 : memref<128xi32, #tpu.memory_space<vmem>>) semaphore(%arg12 : memref<!tpu.dma_semaphore, #tpu.memory_space<semaphore_mem>>)
    %scan3A = arith.constant 0 : i32
    %scan3A_28 = arith.constant 0 : i32
    %scan3A_29 = arith.constant 19 : i32
    %scan3A_30 = arith.addi %scan3A_28, %scan3A_29 : i32
    %scan3A_31 = arith.constant 1 : i32
    scf.for %scan3A_213 = %scan3A_28 to %scan3A_30 step %scan3A_31  : i32 {
      %mul3A_214 = arith.constant 2 : i32
      %mul3A_215 = arith.muli %mul3A_214, %scan3A_213 : i32
      %dma_wait3A_216 = arith.constant 0 : i32
      %dma_wait3A_217 = arith.constant 0 : i32
      %dma_wait3A_218 = arith.constant 0 : i32
      %dma_wait3A_219 = tpu.memref_slice %arg10[%dma_wait3A_216, %dma_wait3A_217, %dma_wait3A_218] : memref<2x128x128xf32, #tpu.memory_space<vmem>> -> memref<1x128x128xf32, #tpu.memory_space<vmem>>
      %dma_wait3A_220 = tpu.memref_squeeze %dma_wait3A_219 : memref<1x128x128xf32, #tpu.memory_space<vmem>> -> memref<128x128xf32, #tpu.memory_space<vmem>>
      %dma_wait3A_221 = arith.constant 0 : i32
      %dma_wait3A_222 = tpu.memref_slice %arg8[%mul3A_215, %dma_wait3A_221] : memref<40x128xi32, #tpu.memory_space<vmem>> -> memref<1x128xi32, #tpu.memory_space<vmem>>
      %dma_wait3A_223 = tpu.memref_squeeze %dma_wait3A_222 : memref<1x128xi32, #tpu.memory_space<vmem>> -> memref<128xi32, #tpu.memory_space<vmem>>
      %dma_wait3A_224 = arith.constant 0 : i32
      %dma_wait3A_225 = arith.constant 0 : i32
      %dma_wait3A_226 = tpu.memref_slice %arg2[%dma_wait3A_224, %dma_wait3A_225] : memref<10112x128xf32, #tpu.memory_space<hbm>> -> memref<10112x128xf32, #tpu.memory_space<hbm>>
      tpu.wait_indirect_dma semaphore(%arg11 : memref<!tpu.dma_semaphore, #tpu.memory_space<semaphore_mem>>) src(%dma_wait3A_226 : memref<10112x128xf32, #tpu.memory_space<hbm>>) dst(%dma_wait3A_220 : memref<128x128xf32, #tpu.memory_space<vmem>>)
      %dma_start3A_227 = arith.constant 0 : i32
      %dma_start3A_228 = arith.constant 0 : i32
      %dma_start3A_229 = arith.constant 0 : i32
      %dma_start3A_230 = tpu.memref_slice %arg10[%dma_start3A_227, %dma_start3A_228, %dma_start3A_229] : memref<2x128x128xf32, #tpu.memory_space<vmem>> -> memref<1x128x128xf32, #tpu.memory_space<vmem>>
      %dma_start3A_231 = tpu.memref_squeeze %dma_start3A_230 : memref<1x128x128xf32, #tpu.memory_space<vmem>> -> memref<128x128xf32, #tpu.memory_space<vmem>>
      %dma_start3A_232 = arith.constant 0 : i32
      %dma_start3A_233 = tpu.memref_slice %arg9[%mul3A_215, %dma_start3A_232] : memref<40x128xi32, #tpu.memory_space<vmem>> -> memref<1x128xi32, #tpu.memory_space<vmem>>
      %dma_start3A_234 = tpu.memref_squeeze %dma_start3A_233 : memref<1x128xi32, #tpu.memory_space<vmem>> -> memref<128xi32, #tpu.memory_space<vmem>>
      %dma_start3A_235 = arith.constant 0 : i32
      %dma_start3A_236 = arith.constant 0 : i32
      %dma_start3A_237 = tpu.memref_slice %arg7[%dma_start3A_235, %dma_start3A_236] : memref<10112x128xf32, #tpu.memory_space<vmem_shared>> -> memref<10112x128xf32, #tpu.memory_space<vmem_shared>>
      tpu.enqueue_indirect_dma source(%dma_start3A_231 : memref<128x128xf32, #tpu.memory_space<vmem>>) target(%dma_start3A_237 : memref<10112x128xf32, #tpu.memory_space<vmem_shared>>) offsets(%dma_start3A_234 : memref<128xi32, #tpu.memory_space<vmem>>) semaphore(%arg13 : memref<!tpu.dma_semaphore, #tpu.memory_space<semaphore_mem>>) {add = true}
      %dma_wait3A_238 = arith.constant 0 : i32
      %dma_wait3A_239 = arith.constant 0 : i32
      %dma_wait3A_240 = arith.constant 0 : i32
      %dma_wait3A_241 = tpu.memref_slice %arg10[%dma_wait3A_238, %dma_wait3A_239, %dma_wait3A_240] : memref<2x128x128xf32, #tpu.memory_space<vmem>> -> memref<1x128x128xf32, #tpu.memory_space<vmem>>
      %dma_wait3A_242 = tpu.memref_squeeze %dma_wait3A_241 : memref<1x128x128xf32, #tpu.memory_space<vmem>> -> memref<128x128xf32, #tpu.memory_space<vmem>>
      %dma_wait3A_243 = arith.constant 0 : i32
      %dma_wait3A_244 = tpu.memref_slice %arg9[%mul3A_215, %dma_wait3A_243] : memref<40x128xi32, #tpu.memory_space<vmem>> -> memref<1x128xi32, #tpu.memory_space<vmem>>
      %dma_wait3A_245 = tpu.memref_squeeze %dma_wait3A_244 : memref<1x128xi32, #tpu.memory_space<vmem>> -> memref<128xi32, #tpu.memory_space<vmem>>
      %dma_wait3A_246 = arith.constant 0 : i32
      %dma_wait3A_247 = arith.constant 0 : i32
      %dma_wait3A_248 = tpu.memref_slice %arg7[%dma_wait3A_246, %dma_wait3A_247] : memref<10112x128xf32, #tpu.memory_space<vmem_shared>> -> memref<10112x128xf32, #tpu.memory_space<vmem_shared>>
      tpu.wait_indirect_dma semaphore(%arg13 : memref<!tpu.dma_semaphore, #tpu.memory_space<semaphore_mem>>) src(%dma_wait3A_242 : memref<128x128xf32, #tpu.memory_space<vmem>>) dst(%dma_wait3A_248 : memref<10112x128xf32, #tpu.memory_space<vmem_shared>>)
      %add3A_249 = arith.constant 2 : i32
      %add3A_250 = arith.addi %mul3A_215, %add3A_249 : i32
      %dma_start3A_251 = arith.constant 0 : i32
      %dma_start3A_252 = arith.constant 0 : i32
      %dma_start3A_253 = arith.constant 0 : i32
      %dma_start3A_254 = tpu.memref_slice %arg10[%dma_start3A_251, %dma_start3A_252, %dma_start3A_253] : memref<2x128x128xf32, #tpu.memory_space<vmem>> -> memref<1x128x128xf32, #tpu.memory_space<vmem>>
      %dma_start3A_255 = tpu.memref_squeeze %dma_start3A_254 : memref<1x128x128xf32, #tpu.memory_space<vmem>> -> memref<128x128xf32, #tpu.memory_space<vmem>>
      %dma_start3A_256 = arith.constant 0 : i32
      %dma_start3A_257 = tpu.memref_slice %arg8[%add3A_250, %dma_start3A_256] : memref<40x128xi32, #tpu.memory_space<vmem>> -> memref<1x128xi32, #tpu.memory_space<vmem>>
      %dma_start3A_258 = tpu.memref_squeeze %dma_start3A_257 : memref<1x128xi32, #tpu.memory_space<vmem>> -> memref<128xi32, #tpu.memory_space<vmem>>
      %dma_start3A_259 = arith.constant 0 : i32
      %dma_start3A_260 = arith.constant 0 : i32
      %dma_start3A_261 = tpu.memref_slice %arg2[%dma_start3A_259, %dma_start3A_260] : memref<10112x128xf32, #tpu.memory_space<hbm>> -> memref<10112x128xf32, #tpu.memory_space<hbm>>
      tpu.enqueue_indirect_dma source(%dma_start3A_261 : memref<10112x128xf32, #tpu.memory_space<hbm>>) target(%dma_start3A_255 : memref<128x128xf32, #tpu.memory_space<vmem>>) offsets(%dma_start3A_258 : memref<128xi32, #tpu.memory_space<vmem>>) semaphore(%arg11 : memref<!tpu.dma_semaphore, #tpu.memory_space<semaphore_mem>>)
      %add3A_262 = arith.constant 1 : i32
      %add3A_263 = arith.addi %mul3A_215, %add3A_262 : i32
      %dma_wait3A_264 = arith.constant 1 : i32
      %dma_wait3A_265 = arith.constant 0 : i32
      %dma_wait3A_266 = arith.constant 0 : i32
      %dma_wait3A_267 = tpu.memref_slice %arg10[%dma_wait3A_264, %dma_wait3A_265, %dma_wait3A_266] : memref<2x128x128xf32, #tpu.memory_space<vmem>> -> memref<1x128x128xf32, #tpu.memory_space<vmem>>
      %dma_wait3A_268 = tpu.memref_squeeze %dma_wait3A_267 : memref<1x128x128xf32, #tpu.memory_space<vmem>> -> memref<128x128xf32, #tpu.memory_space<vmem>>
      %dma_wait3A_269 = arith.constant 0 : i32
      %dma_wait3A_270 = tpu.memref_slice %arg8[%add3A_263, %dma_wait3A_269] : memref<40x128xi32, #tpu.memory_space<vmem>> -> memref<1x128xi32, #tpu.memory_space<vmem>>
      %dma_wait3A_271 = tpu.memref_squeeze %dma_wait3A_270 : memref<1x128xi32, #tpu.memory_space<vmem>> -> memref<128xi32, #tpu.memory_space<vmem>>
      %dma_wait3A_272 = arith.constant 0 : i32
      %dma_wait3A_273 = arith.constant 0 : i32
      %dma_wait3A_274 = tpu.memref_slice %arg2[%dma_wait3A_272, %dma_wait3A_273] : memref<10112x128xf32, #tpu.memory_space<hbm>> -> memref<10112x128xf32, #tpu.memory_space<hbm>>
      tpu.wait_indirect_dma semaphore(%arg12 : memref<!tpu.dma_semaphore, #tpu.memory_space<semaphore_mem>>) src(%dma_wait3A_274 : memref<10112x128xf32, #tpu.memory_space<hbm>>) dst(%dma_wait3A_268 : memref<128x128xf32, #tpu.memory_space<vmem>>)
      %add3A_275 = arith.constant 1 : i32
      %add3A_276 = arith.addi %mul3A_215, %add3A_275 : i32
      %dma_start3A_277 = arith.constant 1 : i32
      %dma_start3A_278 = arith.constant 0 : i32
      %dma_start3A_279 = arith.constant 0 : i32
      %dma_start3A_280 = tpu.memref_slice %arg10[%dma_start3A_277, %dma_start3A_278, %dma_start3A_279] : memref<2x128x128xf32, #tpu.memory_space<vmem>> -> memref<1x128x128xf32, #tpu.memory_space<vmem>>
      %dma_start3A_281 = tpu.memref_squeeze %dma_start3A_280 : memref<1x128x128xf32, #tpu.memory_space<vmem>> -> memref<128x128xf32, #tpu.memory_space<vmem>>
      %dma_start3A_282 = arith.constant 0 : i32
      %dma_start3A_283 = tpu.memref_slice %arg9[%add3A_276, %dma_start3A_282] : memref<40x128xi32, #tpu.memory_space<vmem>> -> memref<1x128xi32, #tpu.memory_space<vmem>>
      %dma_start3A_284 = tpu.memref_squeeze %dma_start3A_283 : memref<1x128xi32, #tpu.memory_space<vmem>> -> memref<128xi32, #tpu.memory_space<vmem>>
      %dma_start3A_285 = arith.constant 0 : i32
      %dma_start3A_286 = arith.constant 0 : i32
      %dma_start3A_287 = tpu.memref_slice %arg7[%dma_start3A_285, %dma_start3A_286] : memref<10112x128xf32, #tpu.memory_space<vmem_shared>> -> memref<10112x128xf32, #tpu.memory_space<vmem_shared>>
      tpu.enqueue_indirect_dma source(%dma_start3A_281 : memref<128x128xf32, #tpu.memory_space<vmem>>) target(%dma_start3A_287 : memref<10112x128xf32, #tpu.memory_space<vmem_shared>>) offsets(%dma_start3A_284 : memref<128xi32, #tpu.memory_space<vmem>>) semaphore(%arg13 : memref<!tpu.dma_semaphore, #tpu.memory_space<semaphore_mem>>) {add = true}
      %dma_wait3A_288 = arith.constant 1 : i32
      %dma_wait3A_289 = arith.constant 0 : i32
      %dma_wait3A_290 = arith.constant 0 : i32
      %dma_wait3A_291 = tpu.memref_slice %arg10[%dma_wait3A_288, %dma_wait3A_289, %dma_wait3A_290] : memref<2x128x128xf32, #tpu.memory_space<vmem>> -> memref<1x128x128xf32, #tpu.memory_space<vmem>>
      %dma_wait3A_292 = tpu.memref_squeeze %dma_wait3A_291 : memref<1x128x128xf32, #tpu.memory_space<vmem>> -> memref<128x128xf32, #tpu.memory_space<vmem>>
      %dma_wait3A_293 = arith.constant 0 : i32
      %dma_wait3A_294 = tpu.memref_slice %arg9[%add3A_276, %dma_wait3A_293] : memref<40x128xi32, #tpu.memory_space<vmem>> -> memref<1x128xi32, #tpu.memory_space<vmem>>
      %dma_wait3A_295 = tpu.memref_squeeze %dma_wait3A_294 : memref<1x128xi32, #tpu.memory_space<vmem>> -> memref<128xi32, #tpu.memory_space<vmem>>
      %dma_wait3A_296 = arith.constant 0 : i32
      %dma_wait3A_297 = arith.constant 0 : i32
      %dma_wait3A_298 = tpu.memref_slice %arg7[%dma_wait3A_296, %dma_wait3A_297] : memref<10112x128xf32, #tpu.memory_space<vmem_shared>> -> memref<10112x128xf32, #tpu.memory_space<vmem_shared>>
      tpu.wait_indirect_dma semaphore(%arg13 : memref<!tpu.dma_semaphore, #tpu.memory_space<semaphore_mem>>) src(%dma_wait3A_292 : memref<128x128xf32, #tpu.memory_space<vmem>>) dst(%dma_wait3A_298 : memref<10112x128xf32, #tpu.memory_space<vmem_shared>>)
      %add3A_299 = arith.constant 3 : i32
      %add3A_300 = arith.addi %mul3A_215, %add3A_299 : i32
      %dma_start3A_301 = arith.constant 1 : i32
      %dma_start3A_302 = arith.constant 0 : i32
      %dma_start3A_303 = arith.constant 0 : i32
      %dma_start3A_304 = tpu.memref_slice %arg10[%dma_start3A_301, %dma_start3A_302, %dma_start3A_303] : memref<2x128x128xf32, #tpu.memory_space<vmem>> -> memref<1x128x128xf32, #tpu.memory_space<vmem>>
      %dma_start3A_305 = tpu.memref_squeeze %dma_start3A_304 : memref<1x128x128xf32, #tpu.memory_space<vmem>> -> memref<128x128xf32, #tpu.memory_space<vmem>>
      %dma_start3A_306 = arith.constant 0 : i32
      %dma_start3A_307 = tpu.memref_slice %arg8[%add3A_300, %dma_start3A_306] : memref<40x128xi32, #tpu.memory_space<vmem>> -> memref<1x128xi32, #tpu.memory_space<vmem>>
      %dma_start3A_308 = tpu.memref_squeeze %dma_start3A_307 : memref<1x128xi32, #tpu.memory_space<vmem>> -> memref<128xi32, #tpu.memory_space<vmem>>
      %dma_start3A_309 = arith.constant 0 : i32
      %dma_start3A_310 = arith.constant 0 : i32
      %dma_start3A_311 = tpu.memref_slice %arg2[%dma_start3A_309, %dma_start3A_310] : memref<10112x128xf32, #tpu.memory_space<hbm>> -> memref<10112x128xf32, #tpu.memory_space<hbm>>
      tpu.enqueue_indirect_dma source(%dma_start3A_311 : memref<10112x128xf32, #tpu.memory_space<hbm>>) target(%dma_start3A_305 : memref<128x128xf32, #tpu.memory_space<vmem>>) offsets(%dma_start3A_308 : memref<128xi32, #tpu.memory_space<vmem>>) semaphore(%arg12 : memref<!tpu.dma_semaphore, #tpu.memory_space<semaphore_mem>>)
    }
    %scan3A_32 = arith.constant 19 : i32
    %dma_wait3A = arith.constant 38 : i32
    %dma_wait3A_33 = arith.constant 0 : i32
    %dma_wait3A_34 = arith.constant 0 : i32
    %dma_wait3A_35 = arith.constant 0 : i32
    %dma_wait3A_36 = tpu.memref_slice %arg10[%dma_wait3A_33, %dma_wait3A_34, %dma_wait3A_35] : memref<2x128x128xf32, #tpu.memory_space<vmem>> -> memref<1x128x128xf32, #tpu.memory_space<vmem>>
    %dma_wait3A_37 = tpu.memref_squeeze %dma_wait3A_36 : memref<1x128x128xf32, #tpu.memory_space<vmem>> -> memref<128x128xf32, #tpu.memory_space<vmem>>
    %dma_wait3A_38 = arith.constant 0 : i32
    %dma_wait3A_39 = tpu.memref_slice %arg8[%dma_wait3A, %dma_wait3A_38] : memref<40x128xi32, #tpu.memory_space<vmem>> -> memref<1x128xi32, #tpu.memory_space<vmem>>
    %dma_wait3A_40 = tpu.memref_squeeze %dma_wait3A_39 : memref<1x128xi32, #tpu.memory_space<vmem>> -> memref<128xi32, #tpu.memory_space<vmem>>
    %dma_wait3A_41 = arith.constant 0 : i32
    %dma_wait3A_42 = arith.constant 0 : i32
    %dma_wait3A_43 = tpu.memref_slice %arg2[%dma_wait3A_41, %dma_wait3A_42] : memref<10112x128xf32, #tpu.memory_space<hbm>> -> memref<10112x128xf32, #tpu.memory_space<hbm>>
    tpu.wait_indirect_dma semaphore(%arg11 : memref<!tpu.dma_semaphore, #tpu.memory_space<semaphore_mem>>) src(%dma_wait3A_43 : memref<10112x128xf32, #tpu.memory_space<hbm>>) dst(%dma_wait3A_37 : memref<128x128xf32, #tpu.memory_space<vmem>>)
    %dma_start3A_44 = arith.constant 0 : i32
    %dma_start3A_45 = arith.constant 38 : i32
    %dma_start3A_46 = arith.constant 0 : i32
    %dma_start3A_47 = arith.constant 0 : i32
    %dma_start3A_48 = tpu.memref_slice %arg10[%dma_start3A_44, %dma_start3A_46, %dma_start3A_47] : memref<2x128x128xf32, #tpu.memory_space<vmem>> -> memref<1x128x128xf32, #tpu.memory_space<vmem>>
    %dma_start3A_49 = tpu.memref_squeeze %dma_start3A_48 : memref<1x128x128xf32, #tpu.memory_space<vmem>> -> memref<128x128xf32, #tpu.memory_space<vmem>>
    %dma_start3A_50 = arith.constant 0 : i32
    %dma_start3A_51 = tpu.memref_slice %arg9[%dma_start3A_45, %dma_start3A_50] : memref<40x128xi32, #tpu.memory_space<vmem>> -> memref<1x128xi32, #tpu.memory_space<vmem>>
    %dma_start3A_52 = tpu.memref_squeeze %dma_start3A_51 : memref<1x128xi32, #tpu.memory_space<vmem>> -> memref<128xi32, #tpu.memory_space<vmem>>
    %dma_start3A_53 = arith.constant 0 : i32
    %dma_start3A_54 = arith.constant 0 : i32
    %dma_start3A_55 = tpu.memref_slice %arg7[%dma_start3A_53, %dma_start3A_54] : memref<10112x128xf32, #tpu.memory_space<vmem_shared>> -> memref<10112x128xf32, #tpu.memory_space<vmem_shared>>
    tpu.enqueue_indirect_dma source(%dma_start3A_49 : memref<128x128xf32, #tpu.memory_space<vmem>>) target(%dma_start3A_55 : memref<10112x128xf32, #tpu.memory_space<vmem_shared>>) offsets(%dma_start3A_52 : memref<128xi32, #tpu.memory_space<vmem>>) semaphore(%arg13 : memref<!tpu.dma_semaphore, #tpu.memory_space<semaphore_mem>>) {add = true}
    %dma_wait3A_56 = arith.constant 0 : i32
    %dma_wait3A_57 = arith.constant 38 : i32
    %dma_wait3A_58 = arith.constant 0 : i32
    %dma_wait3A_59 = arith.constant 0 : i32
    %dma_wait3A_60 = tpu.memref_slice %arg10[%dma_wait3A_56, %dma_wait3A_58, %dma_wait3A_59] : memref<2x128x128xf32, #tpu.memory_space<vmem>> -> memref<1x128x128xf32, #tpu.memory_space<vmem>>
    %dma_wait3A_61 = tpu.memref_squeeze %dma_wait3A_60 : memref<1x128x128xf32, #tpu.memory_space<vmem>> -> memref<128x128xf32, #tpu.memory_space<vmem>>
    %dma_wait3A_62 = arith.constant 0 : i32
    %dma_wait3A_63 = tpu.memref_slice %arg9[%dma_wait3A_57, %dma_wait3A_62] : memref<40x128xi32, #tpu.memory_space<vmem>> -> memref<1x128xi32, #tpu.memory_space<vmem>>
    %dma_wait3A_64 = tpu.memref_squeeze %dma_wait3A_63 : memref<1x128xi32, #tpu.memory_space<vmem>> -> memref<128xi32, #tpu.memory_space<vmem>>
    %dma_wait3A_65 = arith.constant 0 : i32
    %dma_wait3A_66 = arith.constant 0 : i32
    %dma_wait3A_67 = tpu.memref_slice %arg7[%dma_wait3A_65, %dma_wait3A_66] : memref<10112x128xf32, #tpu.memory_space<vmem_shared>> -> memref<10112x128xf32, #tpu.memory_space<vmem_shared>>
    tpu.wait_indirect_dma semaphore(%arg13 : memref<!tpu.dma_semaphore, #tpu.memory_space<semaphore_mem>>) src(%dma_wait3A_61 : memref<128x128xf32, #tpu.memory_space<vmem>>) dst(%dma_wait3A_67 : memref<10112x128xf32, #tpu.memory_space<vmem_shared>>)
    %dma_wait3A_68 = arith.constant 39 : i32
    %dma_wait3A_69 = arith.constant 1 : i32
    %dma_wait3A_70 = arith.constant 0 : i32
    %dma_wait3A_71 = arith.constant 0 : i32
    %dma_wait3A_72 = tpu.memref_slice %arg10[%dma_wait3A_69, %dma_wait3A_70, %dma_wait3A_71] : memref<2x128x128xf32, #tpu.memory_space<vmem>> -> memref<1x128x128xf32, #tpu.memory_space<vmem>>
    %dma_wait3A_73 = tpu.memref_squeeze %dma_wait3A_72 : memref<1x128x128xf32, #tpu.memory_space<vmem>> -> memref<128x128xf32, #tpu.memory_space<vmem>>
    %dma_wait3A_74 = arith.constant 0 : i32
    %dma_wait3A_75 = tpu.memref_slice %arg8[%dma_wait3A_68, %dma_wait3A_74] : memref<40x128xi32, #tpu.memory_space<vmem>> -> memref<1x128xi32, #tpu.memory_space<vmem>>
    %dma_wait3A_76 = tpu.memref_squeeze %dma_wait3A_75 : memref<1x128xi32, #tpu.memory_space<vmem>> -> memref<128xi32, #tpu.memory_space<vmem>>
    %dma_wait3A_77 = arith.constant 0 : i32
    %dma_wait3A_78 = arith.constant 0 : i32
    %dma_wait3A_79 = tpu.memref_slice %arg2[%dma_wait3A_77, %dma_wait3A_78] : memref<10112x128xf32, #tpu.memory_space<hbm>> -> memref<10112x128xf32, #tpu.memory_space<hbm>>
    tpu.wait_indirect_dma semaphore(%arg12 : memref<!tpu.dma_semaphore, #tpu.memory_space<semaphore_mem>>) src(%dma_wait3A_79 : memref<10112x128xf32, #tpu.memory_space<hbm>>) dst(%dma_wait3A_73 : memref<128x128xf32, #tpu.memory_space<vmem>>)
    %dma_start3A_80 = arith.constant 1 : i32
    %dma_start3A_81 = arith.constant 39 : i32
    %dma_start3A_82 = arith.constant 0 : i32
    %dma_start3A_83 = arith.constant 0 : i32
    %dma_start3A_84 = tpu.memref_slice %arg10[%dma_start3A_80, %dma_start3A_82, %dma_start3A_83] : memref<2x128x128xf32, #tpu.memory_space<vmem>> -> memref<1x128x128xf32, #tpu.memory_space<vmem>>
    %dma_start3A_85 = tpu.memref_squeeze %dma_start3A_84 : memref<1x128x128xf32, #tpu.memory_space<vmem>> -> memref<128x128xf32, #tpu.memory_space<vmem>>
    %dma_start3A_86 = arith.constant 0 : i32
    %dma_start3A_87 = tpu.memref_slice %arg9[%dma_start3A_81, %dma_start3A_86] : memref<40x128xi32, #tpu.memory_space<vmem>> -> memref<1x128xi32, #tpu.memory_space<vmem>>
    %dma_start3A_88 = tpu.memref_squeeze %dma_start3A_87 : memref<1x128xi32, #tpu.memory_space<vmem>> -> memref<128xi32, #tpu.memory_space<vmem>>
    %dma_start3A_89 = arith.constant 0 : i32
    %dma_start3A_90 = arith.constant 0 : i32
    %dma_start3A_91 = tpu.memref_slice %arg7[%dma_start3A_89, %dma_start3A_90] : memref<10112x128xf32, #tpu.memory_space<vmem_shared>> -> memref<10112x128xf32, #tpu.memory_space<vmem_shared>>
    tpu.enqueue_indirect_dma source(%dma_start3A_85 : memref<128x128xf32, #tpu.memory_space<vmem>>) target(%dma_start3A_91 : memref<10112x128xf32, #tpu.memory_space<vmem_shared>>) offsets(%dma_start3A_88 : memref<128xi32, #tpu.memory_space<vmem>>) semaphore(%arg13 : memref<!tpu.dma_semaphore, #tpu.memory_space<semaphore_mem>>) {add = true}
    %dma_wait3A_92 = arith.constant 1 : i32
    %dma_wait3A_93 = arith.constant 39 : i32
    %dma_wait3A_94 = arith.constant 0 : i32
    %dma_wait3A_95 = arith.constant 0 : i32
    %dma_wait3A_96 = tpu.memref_slice %arg10[%dma_wait3A_92, %dma_wait3A_94, %dma_wait3A_95] : memref<2x128x128xf32, #tpu.memory_space<vmem>> -> memref<1x128x128xf32, #tpu.memory_space<vmem>>
    %dma_wait3A_97 = tpu.memref_squeeze %dma_wait3A_96 : memref<1x128x128xf32, #tpu.memory_space<vmem>> -> memref<128x128xf32, #tpu.memory_space<vmem>>
    %dma_wait3A_98 = arith.constant 0 : i32
    %dma_wait3A_99 = tpu.memref_slice %arg9[%dma_wait3A_93, %dma_wait3A_98] : memref<40x128xi32, #tpu.memory_space<vmem>> -> memref<1x128xi32, #tpu.memory_space<vmem>>
    %dma_wait3A_100 = tpu.memref_squeeze %dma_wait3A_99 : memref<1x128xi32, #tpu.memory_space<vmem>> -> memref<128xi32, #tpu.memory_space<vmem>>
    %dma_wait3A_101 = arith.constant 0 : i32
    %dma_wait3A_102 = arith.constant 0 : i32
    %dma_wait3A_103 = tpu.memref_slice %arg7[%dma_wait3A_101, %dma_wait3A_102] : memref<10112x128xf32, #tpu.memory_space<vmem_shared>> -> memref<10112x128xf32, #tpu.memory_space<vmem_shared>>
    tpu.wait_indirect_dma semaphore(%arg13 : memref<!tpu.dma_semaphore, #tpu.memory_space<semaphore_mem>>) src(%dma_wait3A_97 : memref<128x128xf32, #tpu.memory_space<vmem>>) dst(%dma_wait3A_103 : memref<10112x128xf32, #tpu.memory_space<vmem_shared>>)
    %mul3A_104 = arith.constant 80 : i32
    %mul3A_105 = arith.muli %add3A, %mul3A_104 : i32
    %add3A_106 = arith.constant 40 : i32
    %add3A_107 = arith.addi %mul3A_105, %add3A_106 : i32
    "tpu.region"() ({
      %run_scoped3A = tpu.sem_alloc : memref<!tpu.dma_semaphore, #tpu.memory_space<semaphore_mem>>
      %dma_start3A_213 = arith.constant 0 : i32
      %dma_start3A_214 = tpu.memref_slice %arg3[%add3A_107, %dma_start3A_213] : memref<2560x128xi32, #tpu.memory_space<hbm>> -> memref<40x128xi32, #tpu.memory_space<hbm>>
      %dma_start3A_215 = arith.constant 0 : i32
      %dma_start3A_216 = tpu.memref_slice %arg3[%add3A_107, %dma_start3A_215] : memref<2560x128xi32, #tpu.memory_space<hbm>> -> memref<40x128xi32, #tpu.memory_space<hbm>>
      tpu.enqueue_dma source(%dma_start3A_216 : memref<40x128xi32, #tpu.memory_space<hbm>>) target(%arg8 : memref<40x128xi32, #tpu.memory_space<vmem>>) target_semaphore(%run_scoped3A : memref<!tpu.dma_semaphore, #tpu.memory_space<semaphore_mem>>)
      %dma_wait3A_217 = arith.constant 0 : i32
      %dma_wait3A_218 = tpu.memref_slice %arg3[%add3A_107, %dma_wait3A_217] : memref<2560x128xi32, #tpu.memory_space<hbm>> -> memref<40x128xi32, #tpu.memory_space<hbm>>
      %dma_wait3A_219 = arith.constant 0 : i32
      %dma_wait3A_220 = tpu.memref_slice %arg3[%add3A_107, %dma_wait3A_219] : memref<2560x128xi32, #tpu.memory_space<hbm>> -> memref<40x128xi32, #tpu.memory_space<hbm>>
      tpu.wait_dma2 semaphore(%run_scoped3A : memref<!tpu.dma_semaphore, #tpu.memory_space<semaphore_mem>>) src(%dma_wait3A_220 : memref<40x128xi32, #tpu.memory_space<hbm>>) dst(%arg8 : memref<40x128xi32, #tpu.memory_space<vmem>>)
      tpu.yield
    }) : () -> ()
    "tpu.region"() ({
      %run_scoped3A = tpu.sem_alloc : memref<!tpu.dma_semaphore, #tpu.memory_space<semaphore_mem>>
      %dma_start3A_213 = arith.constant 0 : i32
      %dma_start3A_214 = tpu.memref_slice %arg4[%add3A_107, %dma_start3A_213] : memref<2560x128xi32, #tpu.memory_space<hbm>> -> memref<40x128xi32, #tpu.memory_space<hbm>>
      %dma_start3A_215 = arith.constant 0 : i32
      %dma_start3A_216 = tpu.memref_slice %arg4[%add3A_107, %dma_start3A_215] : memref<2560x128xi32, #tpu.memory_space<hbm>> -> memref<40x128xi32, #tpu.memory_space<hbm>>
      tpu.enqueue_dma source(%dma_start3A_216 : memref<40x128xi32, #tpu.memory_space<hbm>>) target(%arg9 : memref<40x128xi32, #tpu.memory_space<vmem>>) target_semaphore(%run_scoped3A : memref<!tpu.dma_semaphore, #tpu.memory_space<semaphore_mem>>)
      %dma_wait3A_217 = arith.constant 0 : i32
      %dma_wait3A_218 = tpu.memref_slice %arg4[%add3A_107, %dma_wait3A_217] : memref<2560x128xi32, #tpu.memory_space<hbm>> -> memref<40x128xi32, #tpu.memory_space<hbm>>
      %dma_wait3A_219 = arith.constant 0 : i32
      %dma_wait3A_220 = tpu.memref_slice %arg4[%add3A_107, %dma_wait3A_219] : memref<2560x128xi32, #tpu.memory_space<hbm>> -> memref<40x128xi32, #tpu.memory_space<hbm>>
      tpu.wait_dma2 semaphore(%run_scoped3A : memref<!tpu.dma_semaphore, #tpu.memory_space<semaphore_mem>>) src(%dma_wait3A_220 : memref<40x128xi32, #tpu.memory_space<hbm>>) dst(%arg9 : memref<40x128xi32, #tpu.memory_space<vmem>>)
      tpu.yield
    }) : () -> ()
    %dma_start3A_108 = arith.constant 0 : i32
    %dma_start3A_109 = arith.constant 0 : i32
    %dma_start3A_110 = arith.constant 0 : i32
    %dma_start3A_111 = arith.constant 0 : i32
    %dma_start3A_112 = tpu.memref_slice %arg10[%dma_start3A_109, %dma_start3A_110, %dma_start3A_111] : memref<2x128x128xf32, #tpu.memory_space<vmem>> -> memref<1x128x128xf32, #tpu.memory_space<vmem>>
    %dma_start3A_113 = tpu.memref_squeeze %dma_start3A_112 : memref<1x128x128xf32, #tpu.memory_space<vmem>> -> memref<128x128xf32, #tpu.memory_space<vmem>>
    %dma_start3A_114 = arith.constant 0 : i32
    %dma_start3A_115 = tpu.memref_slice %arg8[%dma_start3A_108, %dma_start3A_114] : memref<40x128xi32, #tpu.memory_space<vmem>> -> memref<1x128xi32, #tpu.memory_space<vmem>>
    %dma_start3A_116 = tpu.memref_squeeze %dma_start3A_115 : memref<1x128xi32, #tpu.memory_space<vmem>> -> memref<128xi32, #tpu.memory_space<vmem>>
    %dma_start3A_117 = arith.constant 0 : i32
    %dma_start3A_118 = arith.constant 0 : i32
    %dma_start3A_119 = tpu.memref_slice %arg2[%dma_start3A_117, %dma_start3A_118] : memref<10112x128xf32, #tpu.memory_space<hbm>> -> memref<10112x128xf32, #tpu.memory_space<hbm>>
    tpu.enqueue_indirect_dma source(%dma_start3A_119 : memref<10112x128xf32, #tpu.memory_space<hbm>>) target(%dma_start3A_113 : memref<128x128xf32, #tpu.memory_space<vmem>>) offsets(%dma_start3A_116 : memref<128xi32, #tpu.memory_space<vmem>>) semaphore(%arg11 : memref<!tpu.dma_semaphore, #tpu.memory_space<semaphore_mem>>)
    %dma_start3A_120 = arith.constant 1 : i32
    %dma_start3A_121 = arith.constant 1 : i32
    %dma_start3A_122 = arith.constant 0 : i32
    %dma_start3A_123 = arith.constant 0 : i32
    %dma_start3A_124 = tpu.memref_slice %arg10[%dma_start3A_121, %dma_start3A_122, %dma_start3A_123] : memref<2x128x128xf32, #tpu.memory_space<vmem>> -> memref<1x128x128xf32, #tpu.memory_space<vmem>>
    %dma_start3A_125 = tpu.memref_squeeze %dma_start3A_124 : memref<1x128x128xf32, #tpu.memory_space<vmem>> -> memref<128x128xf32, #tpu.memory_space<vmem>>
    %dma_start3A_126 = arith.constant 0 : i32
    %dma_start3A_127 = tpu.memref_slice %arg8[%dma_start3A_120, %dma_start3A_126] : memref<40x128xi32, #tpu.memory_space<vmem>> -> memref<1x128xi32, #tpu.memory_space<vmem>>
    %dma_start3A_128 = tpu.memref_squeeze %dma_start3A_127 : memref<1x128xi32, #tpu.memory_space<vmem>> -> memref<128xi32, #tpu.memory_space<vmem>>
    %dma_start3A_129 = arith.constant 0 : i32
    %dma_start3A_130 = arith.constant 0 : i32
    %dma_start3A_131 = tpu.memref_slice %arg2[%dma_start3A_129, %dma_start3A_130] : memref<10112x128xf32, #tpu.memory_space<hbm>> -> memref<10112x128xf32, #tpu.memory_space<hbm>>
    tpu.enqueue_indirect_dma source(%dma_start3A_131 : memref<10112x128xf32, #tpu.memory_space<hbm>>) target(%dma_start3A_125 : memref<128x128xf32, #tpu.memory_space<vmem>>) offsets(%dma_start3A_128 : memref<128xi32, #tpu.memory_space<vmem>>) semaphore(%arg12 : memref<!tpu.dma_semaphore, #tpu.memory_space<semaphore_mem>>)
    %scan3A_132 = arith.constant 0 : i32
    %scan3A_133 = arith.constant 0 : i32
    %scan3A_134 = arith.constant 19 : i32
    %scan3A_135 = arith.addi %scan3A_133, %scan3A_134 : i32
    %scan3A_136 = arith.constant 1 : i32
    scf.for %scan3A_213 = %scan3A_133 to %scan3A_135 step %scan3A_136  : i32 {
      %mul3A_214 = arith.constant 2 : i32
      %mul3A_215 = arith.muli %mul3A_214, %scan3A_213 : i32
      %dma_wait3A_216 = arith.constant 0 : i32
      %dma_wait3A_217 = arith.constant 0 : i32
      %dma_wait3A_218 = arith.constant 0 : i32
      %dma_wait3A_219 = tpu.memref_slice %arg10[%dma_wait3A_216, %dma_wait3A_217, %dma_wait3A_218] : memref<2x128x128xf32, #tpu.memory_space<vmem>> -> memref<1x128x128xf32, #tpu.memory_space<vmem>>
      %dma_wait3A_220 = tpu.memref_squeeze %dma_wait3A_219 : memref<1x128x128xf32, #tpu.memory_space<vmem>> -> memref<128x128xf32, #tpu.memory_space<vmem>>
      %dma_wait3A_221 = arith.constant 0 : i32
      %dma_wait3A_222 = tpu.memref_slice %arg8[%mul3A_215, %dma_wait3A_221] : memref<40x128xi32, #tpu.memory_space<vmem>> -> memref<1x128xi32, #tpu.memory_space<vmem>>
      %dma_wait3A_223 = tpu.memref_squeeze %dma_wait3A_222 : memref<1x128xi32, #tpu.memory_space<vmem>> -> memref<128xi32, #tpu.memory_space<vmem>>
      %dma_wait3A_224 = arith.constant 0 : i32
      %dma_wait3A_225 = arith.constant 0 : i32
      %dma_wait3A_226 = tpu.memref_slice %arg2[%dma_wait3A_224, %dma_wait3A_225] : memref<10112x128xf32, #tpu.memory_space<hbm>> -> memref<10112x128xf32, #tpu.memory_space<hbm>>
      tpu.wait_indirect_dma semaphore(%arg11 : memref<!tpu.dma_semaphore, #tpu.memory_space<semaphore_mem>>) src(%dma_wait3A_226 : memref<10112x128xf32, #tpu.memory_space<hbm>>) dst(%dma_wait3A_220 : memref<128x128xf32, #tpu.memory_space<vmem>>)
      %dma_start3A_227 = arith.constant 0 : i32
      %dma_start3A_228 = arith.constant 0 : i32
      %dma_start3A_229 = arith.constant 0 : i32
      %dma_start3A_230 = tpu.memref_slice %arg10[%dma_start3A_227, %dma_start3A_228, %dma_start3A_229] : memref<2x128x128xf32, #tpu.memory_space<vmem>> -> memref<1x128x128xf32, #tpu.memory_space<vmem>>
      %dma_start3A_231 = tpu.memref_squeeze %dma_start3A_230 : memref<1x128x128xf32, #tpu.memory_space<vmem>> -> memref<128x128xf32, #tpu.memory_space<vmem>>
      %dma_start3A_232 = arith.constant 0 : i32
      %dma_start3A_233 = tpu.memref_slice %arg9[%mul3A_215, %dma_start3A_232] : memref<40x128xi32, #tpu.memory_space<vmem>> -> memref<1x128xi32, #tpu.memory_space<vmem>>
      %dma_start3A_234 = tpu.memref_squeeze %dma_start3A_233 : memref<1x128xi32, #tpu.memory_space<vmem>> -> memref<128xi32, #tpu.memory_space<vmem>>
      %dma_start3A_235 = arith.constant 0 : i32
      %dma_start3A_236 = arith.constant 0 : i32
      %dma_start3A_237 = tpu.memref_slice %arg7[%dma_start3A_235, %dma_start3A_236] : memref<10112x128xf32, #tpu.memory_space<vmem_shared>> -> memref<10112x128xf32, #tpu.memory_space<vmem_shared>>
      tpu.enqueue_indirect_dma source(%dma_start3A_231 : memref<128x128xf32, #tpu.memory_space<vmem>>) target(%dma_start3A_237 : memref<10112x128xf32, #tpu.memory_space<vmem_shared>>) offsets(%dma_start3A_234 : memref<128xi32, #tpu.memory_space<vmem>>) semaphore(%arg13 : memref<!tpu.dma_semaphore, #tpu.memory_space<semaphore_mem>>) {add = true}
      %dma_wait3A_238 = arith.constant 0 : i32
      %dma_wait3A_239 = arith.constant 0 : i32
      %dma_wait3A_240 = arith.constant 0 : i32
      %dma_wait3A_241 = tpu.memref_slice %arg10[%dma_wait3A_238, %dma_wait3A_239, %dma_wait3A_240] : memref<2x128x128xf32, #tpu.memory_space<vmem>> -> memref<1x128x128xf32, #tpu.memory_space<vmem>>
      %dma_wait3A_242 = tpu.memref_squeeze %dma_wait3A_241 : memref<1x128x128xf32, #tpu.memory_space<vmem>> -> memref<128x128xf32, #tpu.memory_space<vmem>>
      %dma_wait3A_243 = arith.constant 0 : i32
      %dma_wait3A_244 = tpu.memref_slice %arg9[%mul3A_215, %dma_wait3A_243] : memref<40x128xi32, #tpu.memory_space<vmem>> -> memref<1x128xi32, #tpu.memory_space<vmem>>
      %dma_wait3A_245 = tpu.memref_squeeze %dma_wait3A_244 : memref<1x128xi32, #tpu.memory_space<vmem>> -> memref<128xi32, #tpu.memory_space<vmem>>
      %dma_wait3A_246 = arith.constant 0 : i32
      %dma_wait3A_247 = arith.constant 0 : i32
      %dma_wait3A_248 = tpu.memref_slice %arg7[%dma_wait3A_246, %dma_wait3A_247] : memref<10112x128xf32, #tpu.memory_space<vmem_shared>> -> memref<10112x128xf32, #tpu.memory_space<vmem_shared>>
      tpu.wait_indirect_dma semaphore(%arg13 : memref<!tpu.dma_semaphore, #tpu.memory_space<semaphore_mem>>) src(%dma_wait3A_242 : memref<128x128xf32, #tpu.memory_space<vmem>>) dst(%dma_wait3A_248 : memref<10112x128xf32, #tpu.memory_space<vmem_shared>>)
      %add3A_249 = arith.constant 2 : i32
      %add3A_250 = arith.addi %mul3A_215, %add3A_249 : i32
      %dma_start3A_251 = arith.constant 0 : i32
      %dma_start3A_252 = arith.constant 0 : i32
      %dma_start3A_253 = arith.constant 0 : i32
      %dma_start3A_254 = tpu.memref_slice %arg10[%dma_start3A_251, %dma_start3A_252, %dma_start3A_253] : memref<2x128x128xf32, #tpu.memory_space<vmem>> -> memref<1x128x128xf32, #tpu.memory_space<vmem>>
      %dma_start3A_255 = tpu.memref_squeeze %dma_start3A_254 : memref<1x128x128xf32, #tpu.memory_space<vmem>> -> memref<128x128xf32, #tpu.memory_space<vmem>>
      %dma_start3A_256 = arith.constant 0 : i32
      %dma_start3A_257 = tpu.memref_slice %arg8[%add3A_250, %dma_start3A_256] : memref<40x128xi32, #tpu.memory_space<vmem>> -> memref<1x128xi32, #tpu.memory_space<vmem>>
      %dma_start3A_258 = tpu.memref_squeeze %dma_start3A_257 : memref<1x128xi32, #tpu.memory_space<vmem>> -> memref<128xi32, #tpu.memory_space<vmem>>
      %dma_start3A_259 = arith.constant 0 : i32
      %dma_start3A_260 = arith.constant 0 : i32
      %dma_start3A_261 = tpu.memref_slice %arg2[%dma_start3A_259, %dma_start3A_260] : memref<10112x128xf32, #tpu.memory_space<hbm>> -> memref<10112x128xf32, #tpu.memory_space<hbm>>
      tpu.enqueue_indirect_dma source(%dma_start3A_261 : memref<10112x128xf32, #tpu.memory_space<hbm>>) target(%dma_start3A_255 : memref<128x128xf32, #tpu.memory_space<vmem>>) offsets(%dma_start3A_258 : memref<128xi32, #tpu.memory_space<vmem>>) semaphore(%arg11 : memref<!tpu.dma_semaphore, #tpu.memory_space<semaphore_mem>>)
      %add3A_262 = arith.constant 1 : i32
      %add3A_263 = arith.addi %mul3A_215, %add3A_262 : i32
      %dma_wait3A_264 = arith.constant 1 : i32
      %dma_wait3A_265 = arith.constant 0 : i32
      %dma_wait3A_266 = arith.constant 0 : i32
      %dma_wait3A_267 = tpu.memref_slice %arg10[%dma_wait3A_264, %dma_wait3A_265, %dma_wait3A_266] : memref<2x128x128xf32, #tpu.memory_space<vmem>> -> memref<1x128x128xf32, #tpu.memory_space<vmem>>
      %dma_wait3A_268 = tpu.memref_squeeze %dma_wait3A_267 : memref<1x128x128xf32, #tpu.memory_space<vmem>> -> memref<128x128xf32, #tpu.memory_space<vmem>>
      %dma_wait3A_269 = arith.constant 0 : i32
      %dma_wait3A_270 = tpu.memref_slice %arg8[%add3A_263, %dma_wait3A_269] : memref<40x128xi32, #tpu.memory_space<vmem>> -> memref<1x128xi32, #tpu.memory_space<vmem>>
      %dma_wait3A_271 = tpu.memref_squeeze %dma_wait3A_270 : memref<1x128xi32, #tpu.memory_space<vmem>> -> memref<128xi32, #tpu.memory_space<vmem>>
      %dma_wait3A_272 = arith.constant 0 : i32
      %dma_wait3A_273 = arith.constant 0 : i32
      %dma_wait3A_274 = tpu.memref_slice %arg2[%dma_wait3A_272, %dma_wait3A_273] : memref<10112x128xf32, #tpu.memory_space<hbm>> -> memref<10112x128xf32, #tpu.memory_space<hbm>>
      tpu.wait_indirect_dma semaphore(%arg12 : memref<!tpu.dma_semaphore, #tpu.memory_space<semaphore_mem>>) src(%dma_wait3A_274 : memref<10112x128xf32, #tpu.memory_space<hbm>>) dst(%dma_wait3A_268 : memref<128x128xf32, #tpu.memory_space<vmem>>)
      %add3A_275 = arith.constant 1 : i32
      %add3A_276 = arith.addi %mul3A_215, %add3A_275 : i32
      %dma_start3A_277 = arith.constant 1 : i32
      %dma_start3A_278 = arith.constant 0 : i32
      %dma_start3A_279 = arith.constant 0 : i32
      %dma_start3A_280 = tpu.memref_slice %arg10[%dma_start3A_277, %dma_start3A_278, %dma_start3A_279] : memref<2x128x128xf32, #tpu.memory_space<vmem>> -> memref<1x128x128xf32, #tpu.memory_space<vmem>>
      %dma_start3A_281 = tpu.memref_squeeze %dma_start3A_280 : memref<1x128x128xf32, #tpu.memory_space<vmem>> -> memref<128x128xf32, #tpu.memory_space<vmem>>
      %dma_start3A_282 = arith.constant 0 : i32
      %dma_start3A_283 = tpu.memref_slice %arg9[%add3A_276, %dma_start3A_282] : memref<40x128xi32, #tpu.memory_space<vmem>> -> memref<1x128xi32, #tpu.memory_space<vmem>>
      %dma_start3A_284 = tpu.memref_squeeze %dma_start3A_283 : memref<1x128xi32, #tpu.memory_space<vmem>> -> memref<128xi32, #tpu.memory_space<vmem>>
      %dma_start3A_285 = arith.constant 0 : i32
      %dma_start3A_286 = arith.constant 0 : i32
      %dma_start3A_287 = tpu.memref_slice %arg7[%dma_start3A_285, %dma_start3A_286] : memref<10112x128xf32, #tpu.memory_space<vmem_shared>> -> memref<10112x128xf32, #tpu.memory_space<vmem_shared>>
      tpu.enqueue_indirect_dma source(%dma_start3A_281 : memref<128x128xf32, #tpu.memory_space<vmem>>) target(%dma_start3A_287 : memref<10112x128xf32, #tpu.memory_space<vmem_shared>>) offsets(%dma_start3A_284 : memref<128xi32, #tpu.memory_space<vmem>>) semaphore(%arg13 : memref<!tpu.dma_semaphore, #tpu.memory_space<semaphore_mem>>) {add = true}
      %dma_wait3A_288 = arith.constant 1 : i32
      %dma_wait3A_289 = arith.constant 0 : i32
      %dma_wait3A_290 = arith.constant 0 : i32
      %dma_wait3A_291 = tpu.memref_slice %arg10[%dma_wait3A_288, %dma_wait3A_289, %dma_wait3A_290] : memref<2x128x128xf32, #tpu.memory_space<vmem>> -> memref<1x128x128xf32, #tpu.memory_space<vmem>>
      %dma_wait3A_292 = tpu.memref_squeeze %dma_wait3A_291 : memref<1x128x128xf32, #tpu.memory_space<vmem>> -> memref<128x128xf32, #tpu.memory_space<vmem>>
      %dma_wait3A_293 = arith.constant 0 : i32
      %dma_wait3A_294 = tpu.memref_slice %arg9[%add3A_276, %dma_wait3A_293] : memref<40x128xi32, #tpu.memory_space<vmem>> -> memref<1x128xi32, #tpu.memory_space<vmem>>
      %dma_wait3A_295 = tpu.memref_squeeze %dma_wait3A_294 : memref<1x128xi32, #tpu.memory_space<vmem>> -> memref<128xi32, #tpu.memory_space<vmem>>
      %dma_wait3A_296 = arith.constant 0 : i32
      %dma_wait3A_297 = arith.constant 0 : i32
      %dma_wait3A_298 = tpu.memref_slice %arg7[%dma_wait3A_296, %dma_wait3A_297] : memref<10112x128xf32, #tpu.memory_space<vmem_shared>> -> memref<10112x128xf32, #tpu.memory_space<vmem_shared>>
      tpu.wait_indirect_dma semaphore(%arg13 : memref<!tpu.dma_semaphore, #tpu.memory_space<semaphore_mem>>) src(%dma_wait3A_292 : memref<128x128xf32, #tpu.memory_space<vmem>>) dst(%dma_wait3A_298 : memref<10112x128xf32, #tpu.memory_space<vmem_shared>>)
      %add3A_299 = arith.constant 3 : i32
      %add3A_300 = arith.addi %mul3A_215, %add3A_299 : i32
      %dma_start3A_301 = arith.constant 1 : i32
      %dma_start3A_302 = arith.constant 0 : i32
      %dma_start3A_303 = arith.constant 0 : i32
      %dma_start3A_304 = tpu.memref_slice %arg10[%dma_start3A_301, %dma_start3A_302, %dma_start3A_303] : memref<2x128x128xf32, #tpu.memory_space<vmem>> -> memref<1x128x128xf32, #tpu.memory_space<vmem>>
      %dma_start3A_305 = tpu.memref_squeeze %dma_start3A_304 : memref<1x128x128xf32, #tpu.memory_space<vmem>> -> memref<128x128xf32, #tpu.memory_space<vmem>>
      %dma_start3A_306 = arith.constant 0 : i32
      %dma_start3A_307 = tpu.memref_slice %arg8[%add3A_300, %dma_start3A_306] : memref<40x128xi32, #tpu.memory_space<vmem>> -> memref<1x128xi32, #tpu.memory_space<vmem>>
      %dma_start3A_308 = tpu.memref_squeeze %dma_start3A_307 : memref<1x128xi32, #tpu.memory_space<vmem>> -> memref<128xi32, #tpu.memory_space<vmem>>
      %dma_start3A_309 = arith.constant 0 : i32
      %dma_start3A_310 = arith.constant 0 : i32
      %dma_start3A_311 = tpu.memref_slice %arg2[%dma_start3A_309, %dma_start3A_310] : memref<10112x128xf32, #tpu.memory_space<hbm>> -> memref<10112x128xf32, #tpu.memory_space<hbm>>
      tpu.enqueue_indirect_dma source(%dma_start3A_311 : memref<10112x128xf32, #tpu.memory_space<hbm>>) target(%dma_start3A_305 : memref<128x128xf32, #tpu.memory_space<vmem>>) offsets(%dma_start3A_308 : memref<128xi32, #tpu.memory_space<vmem>>) semaphore(%arg12 : memref<!tpu.dma_semaphore, #tpu.memory_space<semaphore_mem>>)
    }
    %scan3A_137 = arith.constant 19 : i32
    %dma_wait3A_138 = arith.constant 38 : i32
    %dma_wait3A_139 = arith.constant 0 : i32
    %dma_wait3A_140 = arith.constant 0 : i32
    %dma_wait3A_141 = arith.constant 0 : i32
    %dma_wait3A_142 = tpu.memref_slice %arg10[%dma_wait3A_139, %dma_wait3A_140, %dma_wait3A_141] : memref<2x128x128xf32, #tpu.memory_space<vmem>> -> memref<1x128x128xf32, #tpu.memory_space<vmem>>
    %dma_wait3A_143 = tpu.memref_squeeze %dma_wait3A_142 : memref<1x128x128xf32, #tpu.memory_space<vmem>> -> memref<128x128xf32, #tpu.memory_space<vmem>>
    %dma_wait3A_144 = arith.constant 0 : i32
    %dma_wait3A_145 = tpu.memref_slice %arg8[%dma_wait3A_138, %dma_wait3A_144] : memref<40x128xi32, #tpu.memory_space<vmem>> -> memref<1x128xi32, #tpu.memory_space<vmem>>
    %dma_wait3A_146 = tpu.memref_squeeze %dma_wait3A_145 : memref<1x128xi32, #tpu.memory_space<vmem>> -> memref<128xi32, #tpu.memory_space<vmem>>
    %dma_wait3A_147 = arith.constant 0 : i32
    %dma_wait3A_148 = arith.constant 0 : i32
    %dma_wait3A_149 = tpu.memref_slice %arg2[%dma_wait3A_147, %dma_wait3A_148] : memref<10112x128xf32, #tpu.memory_space<hbm>> -> memref<10112x128xf32, #tpu.memory_space<hbm>>
    tpu.wait_indirect_dma semaphore(%arg11 : memref<!tpu.dma_semaphore, #tpu.memory_space<semaphore_mem>>) src(%dma_wait3A_149 : memref<10112x128xf32, #tpu.memory_space<hbm>>) dst(%dma_wait3A_143 : memref<128x128xf32, #tpu.memory_space<vmem>>)
    %dma_start3A_150 = arith.constant 0 : i32
    %dma_start3A_151 = arith.constant 38 : i32
    %dma_start3A_152 = arith.constant 0 : i32
    %dma_start3A_153 = arith.constant 0 : i32
    %dma_start3A_154 = tpu.memref_slice %arg10[%dma_start3A_150, %dma_start3A_152, %dma_start3A_153] : memref<2x128x128xf32, #tpu.memory_space<vmem>> -> memref<1x128x128xf32, #tpu.memory_space<vmem>>
    %dma_start3A_155 = tpu.memref_squeeze %dma_start3A_154 : memref<1x128x128xf32, #tpu.memory_space<vmem>> -> memref<128x128xf32, #tpu.memory_space<vmem>>
    %dma_start3A_156 = arith.constant 0 : i32
    %dma_start3A_157 = tpu.memref_slice %arg9[%dma_start3A_151, %dma_start3A_156] : memref<40x128xi32, #tpu.memory_space<vmem>> -> memref<1x128xi32, #tpu.memory_space<vmem>>
    %dma_start3A_158 = tpu.memref_squeeze %dma_start3A_157 : memref<1x128xi32, #tpu.memory_space<vmem>> -> memref<128xi32, #tpu.memory_space<vmem>>
    %dma_start3A_159 = arith.constant 0 : i32
    %dma_start3A_160 = arith.constant 0 : i32
    %dma_start3A_161 = tpu.memref_slice %arg7[%dma_start3A_159, %dma_start3A_160] : memref<10112x128xf32, #tpu.memory_space<vmem_shared>> -> memref<10112x128xf32, #tpu.memory_space<vmem_shared>>
    tpu.enqueue_indirect_dma source(%dma_start3A_155 : memref<128x128xf32, #tpu.memory_space<vmem>>) target(%dma_start3A_161 : memref<10112x128xf32, #tpu.memory_space<vmem_shared>>) offsets(%dma_start3A_158 : memref<128xi32, #tpu.memory_space<vmem>>) semaphore(%arg13 : memref<!tpu.dma_semaphore, #tpu.memory_space<semaphore_mem>>) {add = true}
    %dma_wait3A_162 = arith.constant 0 : i32
    %dma_wait3A_163 = arith.constant 38 : i32
    %dma_wait3A_164 = arith.constant 0 : i32
    %dma_wait3A_165 = arith.constant 0 : i32
    %dma_wait3A_166 = tpu.memref_slice %arg10[%dma_wait3A_162, %dma_wait3A_164, %dma_wait3A_165] : memref<2x128x128xf32, #tpu.memory_space<vmem>> -> memref<1x128x128xf32, #tpu.memory_space<vmem>>
    %dma_wait3A_167 = tpu.memref_squeeze %dma_wait3A_166 : memref<1x128x128xf32, #tpu.memory_space<vmem>> -> memref<128x128xf32, #tpu.memory_space<vmem>>
    %dma_wait3A_168 = arith.constant 0 : i32
    %dma_wait3A_169 = tpu.memref_slice %arg9[%dma_wait3A_163, %dma_wait3A_168] : memref<40x128xi32, #tpu.memory_space<vmem>> -> memref<1x128xi32, #tpu.memory_space<vmem>>
    %dma_wait3A_170 = tpu.memref_squeeze %dma_wait3A_169 : memref<1x128xi32, #tpu.memory_space<vmem>> -> memref<128xi32, #tpu.memory_space<vmem>>
    %dma_wait3A_171 = arith.constant 0 : i32
    %dma_wait3A_172 = arith.constant 0 : i32
    %dma_wait3A_173 = tpu.memref_slice %arg7[%dma_wait3A_171, %dma_wait3A_172] : memref<10112x128xf32, #tpu.memory_space<vmem_shared>> -> memref<10112x128xf32, #tpu.memory_space<vmem_shared>>
    tpu.wait_indirect_dma semaphore(%arg13 : memref<!tpu.dma_semaphore, #tpu.memory_space<semaphore_mem>>) src(%dma_wait3A_167 : memref<128x128xf32, #tpu.memory_space<vmem>>) dst(%dma_wait3A_173 : memref<10112x128xf32, #tpu.memory_space<vmem_shared>>)
    %dma_wait3A_174 = arith.constant 39 : i32
    %dma_wait3A_175 = arith.constant 1 : i32
    %dma_wait3A_176 = arith.constant 0 : i32
    %dma_wait3A_177 = arith.constant 0 : i32
    %dma_wait3A_178 = tpu.memref_slice %arg10[%dma_wait3A_175, %dma_wait3A_176, %dma_wait3A_177] : memref<2x128x128xf32, #tpu.memory_space<vmem>> -> memref<1x128x128xf32, #tpu.memory_space<vmem>>
    %dma_wait3A_179 = tpu.memref_squeeze %dma_wait3A_178 : memref<1x128x128xf32, #tpu.memory_space<vmem>> -> memref<128x128xf32, #tpu.memory_space<vmem>>
    %dma_wait3A_180 = arith.constant 0 : i32
    %dma_wait3A_181 = tpu.memref_slice %arg8[%dma_wait3A_174, %dma_wait3A_180] : memref<40x128xi32, #tpu.memory_space<vmem>> -> memref<1x128xi32, #tpu.memory_space<vmem>>
    %dma_wait3A_182 = tpu.memref_squeeze %dma_wait3A_181 : memref<1x128xi32, #tpu.memory_space<vmem>> -> memref<128xi32, #tpu.memory_space<vmem>>
    %dma_wait3A_183 = arith.constant 0 : i32
    %dma_wait3A_184 = arith.constant 0 : i32
    %dma_wait3A_185 = tpu.memref_slice %arg2[%dma_wait3A_183, %dma_wait3A_184] : memref<10112x128xf32, #tpu.memory_space<hbm>> -> memref<10112x128xf32, #tpu.memory_space<hbm>>
    tpu.wait_indirect_dma semaphore(%arg12 : memref<!tpu.dma_semaphore, #tpu.memory_space<semaphore_mem>>) src(%dma_wait3A_185 : memref<10112x128xf32, #tpu.memory_space<hbm>>) dst(%dma_wait3A_179 : memref<128x128xf32, #tpu.memory_space<vmem>>)
    %dma_start3A_186 = arith.constant 1 : i32
    %dma_start3A_187 = arith.constant 39 : i32
    %dma_start3A_188 = arith.constant 0 : i32
    %dma_start3A_189 = arith.constant 0 : i32
    %dma_start3A_190 = tpu.memref_slice %arg10[%dma_start3A_186, %dma_start3A_188, %dma_start3A_189] : memref<2x128x128xf32, #tpu.memory_space<vmem>> -> memref<1x128x128xf32, #tpu.memory_space<vmem>>
    %dma_start3A_191 = tpu.memref_squeeze %dma_start3A_190 : memref<1x128x128xf32, #tpu.memory_space<vmem>> -> memref<128x128xf32, #tpu.memory_space<vmem>>
    %dma_start3A_192 = arith.constant 0 : i32
    %dma_start3A_193 = tpu.memref_slice %arg9[%dma_start3A_187, %dma_start3A_192] : memref<40x128xi32, #tpu.memory_space<vmem>> -> memref<1x128xi32, #tpu.memory_space<vmem>>
    %dma_start3A_194 = tpu.memref_squeeze %dma_start3A_193 : memref<1x128xi32, #tpu.memory_space<vmem>> -> memref<128xi32, #tpu.memory_space<vmem>>
    %dma_start3A_195 = arith.constant 0 : i32
    %dma_start3A_196 = arith.constant 0 : i32
    %dma_start3A_197 = tpu.memref_slice %arg7[%dma_start3A_195, %dma_start3A_196] : memref<10112x128xf32, #tpu.memory_space<vmem_shared>> -> memref<10112x128xf32, #tpu.memory_space<vmem_shared>>
    tpu.enqueue_indirect_dma source(%dma_start3A_191 : memref<128x128xf32, #tpu.memory_space<vmem>>) target(%dma_start3A_197 : memref<10112x128xf32, #tpu.memory_space<vmem_shared>>) offsets(%dma_start3A_194 : memref<128xi32, #tpu.memory_space<vmem>>) semaphore(%arg13 : memref<!tpu.dma_semaphore, #tpu.memory_space<semaphore_mem>>) {add = true}
    %dma_wait3A_198 = arith.constant 1 : i32
    %dma_wait3A_199 = arith.constant 39 : i32
    %dma_wait3A_200 = arith.constant 0 : i32
    %dma_wait3A_201 = arith.constant 0 : i32
    %dma_wait3A_202 = tpu.memref_slice %arg10[%dma_wait3A_198, %dma_wait3A_200, %dma_wait3A_201] : memref<2x128x128xf32, #tpu.memory_space<vmem>> -> memref<1x128x128xf32, #tpu.memory_space<vmem>>
    %dma_wait3A_203 = tpu.memref_squeeze %dma_wait3A_202 : memref<1x128x128xf32, #tpu.memory_space<vmem>> -> memref<128x128xf32, #tpu.memory_space<vmem>>
    %dma_wait3A_204 = arith.constant 0 : i32
    %dma_wait3A_205 = tpu.memref_slice %arg9[%dma_wait3A_199, %dma_wait3A_204] : memref<40x128xi32, #tpu.memory_space<vmem>> -> memref<1x128xi32, #tpu.memory_space<vmem>>
    %dma_wait3A_206 = tpu.memref_squeeze %dma_wait3A_205 : memref<1x128xi32, #tpu.memory_space<vmem>> -> memref<128xi32, #tpu.memory_space<vmem>>
    %dma_wait3A_207 = arith.constant 0 : i32
    %dma_wait3A_208 = arith.constant 0 : i32
    %dma_wait3A_209 = tpu.memref_slice %arg7[%dma_wait3A_207, %dma_wait3A_208] : memref<10112x128xf32, #tpu.memory_space<vmem_shared>> -> memref<10112x128xf32, #tpu.memory_space<vmem_shared>>
    tpu.wait_indirect_dma semaphore(%arg13 : memref<!tpu.dma_semaphore, #tpu.memory_space<semaphore_mem>>) src(%dma_wait3A_203 : memref<128x128xf32, #tpu.memory_space<vmem>>) dst(%dma_wait3A_209 : memref<10112x128xf32, #tpu.memory_space<vmem_shared>>)
    %barrier3A_210 = arith.constant 0 : index
    tpu.barrier barrier_id(%barrier3A_210)
    %mul3A_211 = arith.constant 632 : i32
    %mul3A_212 = arith.muli %arg1, %mul3A_211 : i32
    "tpu.region"() ({
      %run_scoped3A = tpu.sem_alloc : memref<!tpu.dma_semaphore, #tpu.memory_space<semaphore_mem>>
      %dma_start3A_213 = arith.constant 0 : i32
      %dma_start3A_214 = arith.constant 0 : i32
      %dma_start3A_215 = tpu.memref_slice %arg6[%add3A, %dma_start3A_213, %dma_start3A_214] : memref<32x632x128xf32, #tpu.memory_space<hbm>> -> memref<1x632x128xf32, #tpu.memory_space<hbm>>
      %dma_start3A_216 = tpu.memref_squeeze %dma_start3A_215 : memref<1x632x128xf32, #tpu.memory_space<hbm>> -> memref<632x128xf32, #tpu.memory_space<hbm>>
      %dma_start3A_217 = arith.constant 0 : i32
      %dma_start3A_218 = tpu.memref_slice %arg7[%mul3A_212, %dma_start3A_217] : memref<10112x128xf32, #tpu.memory_space<vmem_shared>> -> memref<632x128xf32, #tpu.memory_space<vmem_shared>>
      tpu.enqueue_dma source(%dma_start3A_218 : memref<632x128xf32, #tpu.memory_space<vmem_shared>>) target(%dma_start3A_216 : memref<632x128xf32, #tpu.memory_space<hbm>>) target_semaphore(%run_scoped3A : memref<!tpu.dma_semaphore, #tpu.memory_space<semaphore_mem>>)
      %dma_wait3A_219 = arith.constant 0 : i32
      %dma_wait3A_220 = arith.constant 0 : i32
      %dma_wait3A_221 = tpu.memref_slice %arg6[%add3A, %dma_wait3A_219, %dma_wait3A_220] : memref<32x632x128xf32, #tpu.memory_space<hbm>> -> memref<1x632x128xf32, #tpu.memory_space<hbm>>
      %dma_wait3A_222 = tpu.memref_squeeze %dma_wait3A_221 : memref<1x632x128xf32, #tpu.memory_space<hbm>> -> memref<632x128xf32, #tpu.memory_space<hbm>>
      %dma_wait3A_223 = arith.constant 0 : i32
      %dma_wait3A_224 = tpu.memref_slice %arg7[%mul3A_212, %dma_wait3A_223] : memref<10112x128xf32, #tpu.memory_space<vmem_shared>> -> memref<632x128xf32, #tpu.memory_space<vmem_shared>>
      tpu.wait_dma2 semaphore(%run_scoped3A : memref<!tpu.dma_semaphore, #tpu.memory_space<semaphore_mem>>) src(%dma_wait3A_224 : memref<632x128xf32, #tpu.memory_space<vmem_shared>>) dst(%dma_wait3A_222 : memref<632x128xf32, #tpu.memory_space<hbm>>)
      tpu.yield
    }) : () -> ()
    return
  }
}

module attributes {stable_mosaic.version = 14 : i64} {
  func.func @_prescale_body(%arg0: memref<10000x128xf32, #tpu.memory_space<vmem>>, %arg1: memref<2x10112x8xf32, #tpu.memory_space<vmem>>, %arg2: memref<10112x128xf32, #tpu.memory_space<vmem>>) attributes {dimension_semantics = [], scalar_prefetch = 0 : i64, scratch_operands = 0 : i64, tpu.core_type = #tpu.core_type<tc>} {
    %get3A = arith.constant 0 : index
    %get3A_0 = arith.constant 0 : index
    %get3A_1 = arith.constant 0 : index
    %get3A_2 = vector.load %arg1[%get3A, %get3A_0, %get3A_1] : memref<2x10112x8xf32, #tpu.memory_space<vmem>>, vector<1x10000x1xf32>
    %get3A_3 = vector.shape_cast %get3A_2 : vector<1x10000x1xf32> to vector<10000x1xf32>
    %get3A_4 = arith.constant 1 : index
    %get3A_5 = arith.constant 0 : index
    %get3A_6 = arith.constant 0 : index
    %get3A_7 = vector.load %arg1[%get3A_4, %get3A_5, %get3A_6] : memref<2x10112x8xf32, #tpu.memory_space<vmem>>, vector<1x10000x1xf32>
    %get3A_8 = vector.shape_cast %get3A_7 : vector<1x10000x1xf32> to vector<10000x1xf32>
    %add3A = arith.addf %get3A_3, %get3A_8 : vector<10000x1xf32>
    %add3A_9 = arith.constant 1.000000e+00 : f32
    %add3A_10 = vector.broadcast %add3A_9 : f32 to vector<10000x1xf32>
    %add3A_11 = arith.addf %add3A, %add3A_10 : vector<10000x1xf32>
    %rsqrt3A = math.rsqrt %add3A_11 : vector<10000x1xf32>
    %get3A_12 = arith.constant 0 : index
    %get3A_13 = arith.constant 0 : index
    %get3A_14 = vector.load %arg0[%get3A_12, %get3A_13] : memref<10000x128xf32, #tpu.memory_space<vmem>>, vector<10000x128xf32>
    %mul3A = vector.broadcast %rsqrt3A : vector<10000x1xf32> to vector<10000x128xf32>
    %mul3A_15 = arith.mulf %get3A_14, %mul3A : vector<10000x128xf32>
    %broadcast_in_dim3A = arith.constant 0.000000e+00 : f32
    %broadcast_in_dim3A_16 = vector.broadcast %broadcast_in_dim3A : f32 to vector<112x128xf32>
    %concatenate3A = tpu.concatenate %mul3A_15, %broadcast_in_dim3A_16 in 0 : vector<10000x128xf32>, vector<112x128xf32> -> vector<10112x128xf32>
    %swap3A = arith.constant 0 : index
    %swap3A_17 = arith.constant 0 : index
    %swap3A_18 = vector.load %arg2[%swap3A, %swap3A_17] : memref<10112x128xf32, #tpu.memory_space<vmem>>, vector<10112x128xf32>
    tpu.vector_store %arg2[%swap3A, %swap3A_17], %concatenate3A {strides = array<i32>} : memref<10112x128xf32, #tpu.memory_space<vmem>>, vector<10112x128xf32>,
    return
  }
}

module attributes {stable_mosaic.version = 14 : i64} {
  func.func @_dense_body(%arg0: memref<2x10112x128xf32, #tpu.memory_space<vmem>>, %arg1: memref<10112x128xf32, #tpu.memory_space<vmem>>, %arg2: memref<2x10112x8xf32, #tpu.memory_space<vmem>>, %arg3: memref<256x128xf32, #tpu.memory_space<vmem>>, %arg4: memref<256xf32, #tpu.memory_space<vmem>>, %arg5: memref<128x256xf32, #tpu.memory_space<vmem>>, %arg6: memref<10112x128xf32, #tpu.memory_space<vmem>>) attributes {dimension_semantics = [], scalar_prefetch = 0 : i64, scratch_operands = 0 : i64, tpu.core_type = #tpu.core_type<tc>} {
    %get3A = arith.constant 0 : index
    %get3A_0 = arith.constant 0 : index
    %get3A_1 = arith.constant 0 : index
    %get3A_2 = vector.load %arg2[%get3A, %get3A_0, %get3A_1] : memref<2x10112x8xf32, #tpu.memory_space<vmem>>, vector<1x10000x1xf32>
    %get3A_3 = vector.shape_cast %get3A_2 : vector<1x10000x1xf32> to vector<10000x1xf32>
    %get3A_4 = arith.constant 1 : index
    %get3A_5 = arith.constant 0 : index
    %get3A_6 = arith.constant 0 : index
    %get3A_7 = vector.load %arg2[%get3A_4, %get3A_5, %get3A_6] : memref<2x10112x8xf32, #tpu.memory_space<vmem>>, vector<1x10000x1xf32>
    %get3A_8 = vector.shape_cast %get3A_7 : vector<1x10000x1xf32> to vector<10000x1xf32>
    %add3A = arith.addf %get3A_3, %get3A_8 : vector<10000x1xf32>
    %add3A_9 = arith.constant 1.000000e+00 : f32
    %add3A_10 = vector.broadcast %add3A_9 : f32 to vector<10000x1xf32>
    %add3A_11 = arith.addf %add3A, %add3A_10 : vector<10000x1xf32>
    %rsqrt3A = math.rsqrt %add3A_11 : vector<10000x1xf32>
    %get3A_12 = arith.constant 0 : index
    %get3A_13 = arith.constant 0 : index
    %get3A_14 = arith.constant 0 : index
    %get3A_15 = vector.load %arg0[%get3A_12, %get3A_13, %get3A_14] : memref<2x10112x128xf32, #tpu.memory_space<vmem>>, vector<1x10000x128xf32>
    %get3A_16 = vector.shape_cast %get3A_15 : vector<1x10000x128xf32> to vector<10000x128xf32>
    %get3A_17 = arith.constant 1 : index
    %get3A_18 = arith.constant 0 : index
    %get3A_19 = arith.constant 0 : index
    %get3A_20 = vector.load %arg0[%get3A_17, %get3A_18, %get3A_19] : memref<2x10112x128xf32, #tpu.memory_space<vmem>>, vector<1x10000x128xf32>
    %get3A_21 = vector.shape_cast %get3A_20 : vector<1x10000x128xf32> to vector<10000x128xf32>
    %add3A_22 = arith.addf %get3A_16, %get3A_21 : vector<10000x128xf32>
    %get3A_23 = arith.constant 0 : index
    %get3A_24 = arith.constant 0 : index
    %get3A_25 = vector.load %arg1[%get3A_23, %get3A_24] : memref<10112x128xf32, #tpu.memory_space<vmem>>, vector<10000x128xf32>
    %add3A_26 = arith.addf %add3A_22, %get3A_25 : vector<10000x128xf32>
    %div3A = arith.divf %rsqrt3A, %add3A_11 : vector<10000x1xf32>
    %mul3A = vector.broadcast %div3A : vector<10000x1xf32> to vector<10000x128xf32>
    %mul3A_27 = arith.mulf %add3A_26, %mul3A : vector<10000x128xf32>
    %get3A_28 = arith.constant 0 : index
    %get3A_29 = arith.constant 0 : index
    %get3A_30 = vector.load %arg3[%get3A_28, %get3A_29] : memref<256x128xf32, #tpu.memory_space<vmem>>, vector<256x128xf32>
    %dot_general3A = arith.constant dense<0.000000e+00> : vector<10000x256xf32>
    %dot_general3A_31 = tpu.matmul %mul3A_27, %get3A_30, %dot_general3A {dimension_numbers = #tpu.dot_dimension_numbers<[1], [1], [0], [0], [0, 0, 1, 0], [], []>, transpose_lhs_hint = false} : vector<10000x128xf32>, vector<256x128xf32>, vector<10000x256xf32> -> vector<10000x256xf32>
    %get3A_32 = arith.constant 0 : index
    %get3A_33 = vector.load %arg4[%get3A_32] : memref<256xf32, #tpu.memory_space<vmem>>, vector<256xf32>
    %broadcast_in_dim3A = vector.shape_cast %get3A_33 : vector<256xf32> to vector<1x256xf32>
    %add3A_34 = vector.broadcast %broadcast_in_dim3A : vector<1x256xf32> to vector<10000x256xf32>
    %add3A_35 = arith.addf %dot_general3A_31, %add3A_34 : vector<10000x256xf32>
    %ge3A = arith.constant 0.000000e+00 : f32
    %ge3A_36 = vector.broadcast %ge3A : f32 to vector<10000x256xf32>
    %ge3A_37 = arith.cmpf oge, %add3A_35, %ge3A_36 : vector<10000x256xf32>
    %mul3A_38 = arith.constant 0.00999999977 : f32
    %mul3A_39 = vector.broadcast %mul3A_38 : f32 to vector<10000x256xf32>
    %mul3A_40 = arith.mulf %mul3A_39, %add3A_35 : vector<10000x256xf32>
    %select_n3A = arith.select %ge3A_37, %add3A_35, %mul3A_40 : vector<10000x256xi1>, vector<10000x256xf32>
    %reduce_sum3A = arith.constant dense<0.000000e+00> : vector<256xf32>
    %reduce_sum3A_41 = vector.multi_reduction <add>, %select_n3A, %reduce_sum3A [0] : vector<10000x256xf32> to vector<256xf32>
    %broadcast_in_dim3A_42 = vector.shape_cast %reduce_sum3A_41 : vector<256xf32> to vector<1x256xf32>
    %div3A_43 = arith.constant 1.000000e+04 : f32
    %div3A_44 = vector.broadcast %div3A_43 : f32 to vector<1x256xf32>
    %div3A_45 = arith.divf %broadcast_in_dim3A_42, %div3A_44 : vector<1x256xf32>
    %sub3A = vector.broadcast %div3A_45 : vector<1x256xf32> to vector<10000x256xf32>
    %sub3A_46 = arith.subf %select_n3A, %sub3A : vector<10000x256xf32>
    %integer_pow3A = arith.mulf %sub3A_46, %sub3A_46 : vector<10000x256xf32>
    %reduce_sum3A_47 = arith.constant dense<0.000000e+00> : vector<256xf32>
    %reduce_sum3A_48 = vector.multi_reduction <add>, %integer_pow3A, %reduce_sum3A_47 [0] : vector<10000x256xf32> to vector<256xf32>
    %broadcast_in_dim3A_49 = vector.shape_cast %reduce_sum3A_48 : vector<256xf32> to vector<1x256xf32>
    %div3A_50 = arith.constant 1.000000e+04 : f32
    %div3A_51 = vector.broadcast %div3A_50 : f32 to vector<1x256xf32>
    %div3A_52 = arith.divf %broadcast_in_dim3A_49, %div3A_51 : vector<1x256xf32>
    %sub3A_53 = vector.broadcast %div3A_45 : vector<1x256xf32> to vector<10000x256xf32>
    %sub3A_54 = arith.subf %select_n3A, %sub3A_53 : vector<10000x256xf32>
    %add3A_55 = arith.constant 9.99999974E-6 : f32
    %add3A_56 = vector.broadcast %add3A_55 : f32 to vector<1x256xf32>
    %add3A_57 = arith.addf %div3A_52, %add3A_56 : vector<1x256xf32>
    %rsqrt3A_58 = math.rsqrt %add3A_57 : vector<1x256xf32>
    %mul3A_59 = vector.broadcast %rsqrt3A_58 : vector<1x256xf32> to vector<10000x256xf32>
    %mul3A_60 = arith.mulf %sub3A_54, %mul3A_59 : vector<10000x256xf32>
    %get3A_61 = arith.constant 0 : index
    %get3A_62 = arith.constant 0 : index
    %get3A_63 = vector.load %arg5[%get3A_61, %get3A_62] : memref<128x256xf32, #tpu.memory_space<vmem>>, vector<128x256xf32>
    %dot_general3A_64 = arith.constant dense<0.000000e+00> : vector<10000x128xf32>
    %dot_general3A_65 = tpu.matmul %mul3A_60, %get3A_63, %dot_general3A_64 {dimension_numbers = #tpu.dot_dimension_numbers<[1], [1], [0], [0], [0, 0, 1, 0], [], []>, transpose_lhs_hint = false} : vector<10000x256xf32>, vector<128x256xf32>, vector<10000x128xf32> -> vector<10000x128xf32>
    %broadcast_in_dim3A_66 = arith.constant 0.000000e+00 : f32
    %broadcast_in_dim3A_67 = vector.broadcast %broadcast_in_dim3A_66 : f32 to vector<112x128xf32>
    %concatenate3A = tpu.concatenate %dot_general3A_65, %broadcast_in_dim3A_67 in 0 : vector<10000x128xf32>, vector<112x128xf32> -> vector<10112x128xf32>
    %swap3A = arith.constant 0 : index
    %swap3A_68 = arith.constant 0 : index
    %swap3A_69 = vector.load %arg6[%swap3A, %swap3A_68] : memref<10112x128xf32, #tpu.memory_space<vmem>>, vector<10112x128xf32>
    tpu.vector_store %arg6[%swap3A, %swap3A_68], %concatenate3A {strides = array<i32>} : memref<10112x128xf32, #tpu.memory_space<vmem>>, vector<10112x128xf32>,
    return
  }
}

module attributes {stable_mosaic.version = 14 : i64} {
  func.func @_final_body(%arg0: memref<2x10112x128xf32, #tpu.memory_space<vmem>>, %arg1: memref<2x10112x8xf32, #tpu.memory_space<vmem>>, %arg2: memref<10000x128xf32, #tpu.memory_space<vmem>>) attributes {dimension_semantics = [], scalar_prefetch = 0 : i64, scratch_operands = 0 : i64, tpu.core_type = #tpu.core_type<tc>} {
    %get3A = arith.constant 0 : index
    %get3A_0 = arith.constant 0 : index
    %get3A_1 = arith.constant 0 : index
    %get3A_2 = vector.load %arg1[%get3A, %get3A_0, %get3A_1] : memref<2x10112x8xf32, #tpu.memory_space<vmem>>, vector<1x10000x1xf32>
    %get3A_3 = vector.shape_cast %get3A_2 : vector<1x10000x1xf32> to vector<10000x1xf32>
    %get3A_4 = arith.constant 1 : index
    %get3A_5 = arith.constant 0 : index
    %get3A_6 = arith.constant 0 : index
    %get3A_7 = vector.load %arg1[%get3A_4, %get3A_5, %get3A_6] : memref<2x10112x8xf32, #tpu.memory_space<vmem>>, vector<1x10000x1xf32>
    %get3A_8 = vector.shape_cast %get3A_7 : vector<1x10000x1xf32> to vector<10000x1xf32>
    %add3A = arith.addf %get3A_3, %get3A_8 : vector<10000x1xf32>
    %max3A = arith.constant 1.000000e+00 : f32
    %max3A_9 = vector.broadcast %max3A : f32 to vector<10000x1xf32>
    %max3A_10 = arith.maximumf %add3A, %max3A_9 : vector<10000x1xf32>
    %div3A = arith.constant 1.000000e+00 : f32
    %div3A_11 = vector.broadcast %div3A : f32 to vector<10000x1xf32>
    %div3A_12 = arith.divf %div3A_11, %max3A_10 : vector<10000x1xf32>
    %get3A_13 = arith.constant 0 : index
    %get3A_14 = arith.constant 0 : index
    %get3A_15 = arith.constant 0 : index
    %get3A_16 = vector.load %arg0[%get3A_13, %get3A_14, %get3A_15] : memref<2x10112x128xf32, #tpu.memory_space<vmem>>, vector<1x10000x128xf32>
    %get3A_17 = vector.shape_cast %get3A_16 : vector<1x10000x128xf32> to vector<10000x128xf32>
    %get3A_18 = arith.constant 1 : index
    %get3A_19 = arith.constant 0 : index
    %get3A_20 = arith.constant 0 : index
    %get3A_21 = vector.load %arg0[%get3A_18, %get3A_19, %get3A_20] : memref<2x10112x128xf32, #tpu.memory_space<vmem>>, vector<1x10000x128xf32>
    %get3A_22 = vector.shape_cast %get3A_21 : vector<1x10000x128xf32> to vector<10000x128xf32>
    %add3A_23 = arith.addf %get3A_17, %get3A_22 : vector<10000x128xf32>
    %mul3A = vector.broadcast %div3A_12 : vector<10000x1xf32> to vector<10000x128xf32>
    %mul3A_24 = arith.mulf %add3A_23, %mul3A : vector<10000x128xf32>
    %logistic3A = arith.negf %mul3A_24 : vector<10000x128xf32>
    %logistic3A_25 = math.exp %logistic3A : vector<10000x128xf32>
    %logistic3A_26 = arith.constant 1.000000e+00 : f32
    %logistic3A_27 = vector.broadcast %logistic3A_26 : f32 to vector<10000x128xf32>
    %logistic3A_28 = arith.addf %logistic3A_27, %logistic3A_25 : vector<10000x128xf32>
    %logistic3A_29 = arith.divf %logistic3A_27, %logistic3A_28 : vector<10000x128xf32>
    %swap3A = arith.constant 0 : index
    %swap3A_30 = arith.constant 0 : index
    %swap3A_31 = vector.load %arg2[%swap3A, %swap3A_30] : memref<10000x128xf32, #tpu.memory_space<vmem>>, vector<10000x128xf32>
    tpu.vector_store %arg2[%swap3A, %swap3A_30], %logistic3A_29 {strides = array<i32>} : memref<10000x128xf32, #tpu.memory_space<vmem>>, vector<10000x128xf32>,
    return
  }
}

</mosaic_0001>

<sc_bundles>
// kernel: kernel.11.cloned.1.call-start
scs
__scs_entry_jumppad:
0x0: {  	(pc) =	sbr.rel $0x88, $3  }
0x1: {  	(tag) =	ssettag $0x0;
	lr =	simm.s32 $0x1  }
0x2: {  	[smem:$0x3F9C] =	sst lr;
	_ =	strace $0xD0000000  }
0x3: {  	_ = 	snop  }
0x4: {  	_ = 	snop  }
0x5: {  	_ = 	snop  }
0x6: {  	_ = 	snop  }
0x7: {  	_ = 	snop  }
__scs_overlays_trampoline_lowered:
0x8: {  	[smem:$0x3FAB] =	sst s0  }
0x9: {  	[smem:$0x3FAC] =	sst s1  }
0xa: {  	[smem:$0x3FAD] =	sst s2  }
0xb: {  	[smem:$0x3FAE] =	sst s3  }
0xc: {  	[smem:$0x3FAF] =	sst s4  }
0xd: {  	[smem:$0x3FB0] =	sst s5  }
0xe: {  	[smem:$0x3FB1] =	sst s6  }
0xf: {  	[smem:$0x3FB2] =	sst s7  }
0x10: {  	[smem:$0x3FB3] =	sst s8  }
0x11: {  	[smem:$0x3FB4] =	sst s9;
	s0 =	simm.s32 @!p0 $0x0  }
0x12: {  	s1 =	sld [smem:$0x3F9A];
	s0 =	simm.s32 @p0 $0x1  }
0x13: {  	[smem:$0x3FB5] =	sst s0;
	s0 =	simm.s32 @!p1 $0x0  }
0x14: {  	s2 =	sld [smem:$0x3F99];
	s0 =	simm.s32 @p1 $0x1  }
0x15: {  	[smem:$0x3FB6] =	sst s0;
	s0 =	simm.s32 @!p2 $0x0  }
0x16: {  	s3 =	sld [smem:$0x3FDB];
	s0 =	simm.s32 @p2 $0x1  }
0x17: {  	s4 =	simm.s32 $0x1BF5;
	[smem:$0x3FB8] =	sst s0  }
0x18: {  	s0 =	sld [smem:$0x3F9B];
	_ =	swait.ge [sflag:s4], $0x0  }
0x19: {  	s7 =	sld [smem:$0x3F9C]  }
0x1a: {  	s8 =	sadd.s32 $0xFFFFE003, lr  }
0x1b: {  	s9 =	sadd.s32 $0xFFFFFEF7, lr;
	s5 =	simm.s32 $0xFFFFFFFF;
	p2 =	slt.u32 s8, $0xFFFFF086  }
0x1c: {  	p1 =	slt.u32 s9, $0xF7A;
	s5 =	simm.s32 @!p2 $0x0  }
0x1d: {  	s5 =	simm.s32 @p1 $0x1;
	p0 =	seq.s32 s7, s2  }
0x1e: {  	s7 =	smul.u32 @!p0 $0xF7A, s2;
	p2 =	seq.s32 @!p0 s5, $0x0  }
0x1f: {  	s9 =	smul.u32 $0xF7A, s1;
	s8 =	simm.s32 @!p0 $0x1BF5;
	p2 =	por !p2, p0  }
0x20: {  	[sflag:s8] =	ssyncset.s32 @!p0 $0xFFFFF086;
	s6 =	sadd.s32 @!p0 s3, s7;
	s7 =	simm.s32 @!p0 $0x108  }
0x21: {  	s3 =	sadd.s32 s3, s9;
	s6 =	sadd.s32 @!p0 $0x88, s6;
	s7 =	simm.s32 @p2 $0x1082  }
0x22: {  	[simem:s7], [sflag:s8] =	dma.local @!p0 [hbm:s6], $0xF7A  }
0x23: {  	s9 =	sor.u32 $0xD0000000, s2;
	s6 =	simm.s32 $0x108;
	_ =	swait.ge @!p0 [sflag:s8], $0x0  }
0x24: {  	s3 =	sadd.s32 $0x88, s3;
	s6 =	simm.s32 @!p1 $0x1082;
	[sflag:s4] =	ssyncset.s32 $0xFFFFF086  }
0x25: {  	[simem:s6], [sflag:s4] =	dma.local [hbm:s3], $0xF7A  }
0x26: {  	[smem:$0x3F9C] =	sst s1;
	(tag) =	ssettag s2;
	_ =	strace s9  }
0x27: {  	s1 =	sld [smem:$0x3FAC]  }
0x28: {  	s2 =	sld [smem:$0x3FAD]  }
0x29: {  	s4 =	sld [smem:$0x3FAF]  }
0x2a: {  	p0 =	seq.s32 s5, $0x0;
	s5 =	sld [smem:$0x3FB0]  }
0x2b: {  	s6 =	sld [smem:$0x3FB1]  }
0x2c: {  	s7 =	sld [smem:$0x3FB2]  }
0x2d: {  	s3 =	simm.s32 $0x108;
	s8 =	sld [smem:$0x3FB3]  }
0x2e: {  	s3 =	simm.s32 @!p0 $0x1082;
	s9 =	sld [smem:$0x3FB4]  }
0x2f: {  	lr =	sadd.s32 s0, s3;
	s0 =	sld [smem:$0x3FAB]  }
0x30: {  	s3 =	sld [smem:$0x3FAE]  }
0x31: {  	[smem:$0x3FB7] =	sst s10  }
0x32: {  	s10 =	sld [smem:$0x3FB5];
	_ =	sdelay $0x3  }
0x33: {  	p0 =	seq.s32 s10, $0x1;
	s10 =	sld [smem:$0x3FB7];
	_ =	sdelay $0x3  }
0x34: {  	[smem:$0x3FB7] =	sst s10  }
0x35: {  	s10 =	sld [smem:$0x3FB6];
	_ =	sdelay $0x3  }
0x36: {  	p1 =	seq.s32 s10, $0x1;
	s10 =	sld [smem:$0x3FB7];
	_ =	sdelay $0x3  }
0x37: {  	[smem:$0x3FB7] =	sst s10  }
0x38: {  	s10 =	sld [smem:$0x3FB8]  }
0x39: {  	_ = 	snop;
	(pc) =	sbr.ind lr, $3  }
0x3a: {  	_ = 	snop  }
0x3b: {  	_ = 	snop  }
0x3c: {  	p2 =	seq.s32 s10, $0x1;
	s10 =	sld [smem:$0x3FB7]  }
0x3d: {  	_ =	shalt  }
0x3e: {  	_ =	shalt  }
0x3f: {  	_ =	shalt  }
0x40: {  	_ =	shalt  }
0x41: {  	_ =	shalt  }
0x42: {  	_ =	shalt  }
0x43: {  	_ =	shalt  }
0x44: {  	_ =	shalt  }
0x45: {  	_ =	shalt  }
0x46: {  	_ =	shalt  }
0x47: {  	_ =	shalt  }
0x48: {  	_ =	shalt  }
0x49: {  	_ =	shalt  }
0x4a: {  	_ =	shalt  }
0x4b: {  	_ =	shalt  }
0x4c: {  	_ =	shalt  }
0x4d: {  	_ =	shalt  }
0x4e: {  	_ =	shalt  }
0x4f: {  	_ =	shalt  }
0x50: {  	_ =	shalt  }
0x51: {  	_ =	shalt  }
0x52: {  	_ =	shalt  }
0x53: {  	_ =	shalt  }
0x54: {  	_ =	shalt  }
0x55: {  	_ =	shalt  }
0x56: {  	_ =	shalt  }
0x57: {  	_ =	shalt  }
0x58: {  	_ =	shalt  }
0x59: {  	_ =	shalt  }
0x5a: {  	_ =	shalt  }
0x5b: {  	_ =	shalt  }
0x5c: {  	_ =	shalt  }
0x5d: {  	_ =	shalt  }
0x5e: {  	_ =	shalt  }
0x5f: {  	_ =	shalt  }
0x60: {  	_ =	shalt  }
0x61: {  	_ =	shalt  }
0x62: {  	_ =	shalt  }
0x63: {  	_ =	shalt  }
0x64: {  	_ =	shalt  }
0x65: {  	_ =	shalt  }
0x66: {  	_ =	shalt  }
0x67: {  	_ =	shalt  }
0x68: {  	_ =	shalt  }
0x69: {  	_ =	shalt  }
0x6a: {  	_ =	shalt  }
0x6b: {  	_ =	shalt  }
0x6c: {  	_ =	shalt  }
0x6d: {  	_ =	shalt  }
0x6e: {  	_ =	shalt  }
0x6f: {  	_ =	shalt  }
0x70: {  	_ =	shalt  }
0x71: {  	_ =	shalt  }
0x72: {  	_ =	shalt  }
0x73: {  	_ =	shalt  }
0x74: {  	_ =	shalt  }
0x75: {  	_ =	shalt  }
0x76: {  	_ =	shalt  }
0x77: {  	_ =	shalt  }
0x78: {  	_ =	shalt  }
0x79: {  	_ =	shalt  }
0x7a: {  	_ =	shalt  }
0x7b: {  	_ =	shalt  }
0x7c: {  	_ =	shalt  }
0x7d: {  	_ =	shalt  }
0x7e: {  	_ =	shalt  }
0x7f: {  	_ =	shalt  }
0x80: {  	_ =	shalt  }
0x81: {  	_ =	shalt  }
0x82: {  	_ =	shalt  }
0x83: {  	_ =	shalt  }
0x84: {  	_ =	shalt  }
0x85: {  	_ =	shalt  }
0x86: {  	_ =	shalt  }
0x87: {  	_ =	shalt  }
.Lfunc_end0:
.L_simem_size_0:
called_computation.1_lowered:
.L_overlay_start_0:
0x88: {  	s2 =	sld [smem:$0x3FD9]  }
0x89: {  	s3 =	sld [smem:$0x3FFE];
	_ =	sdelay $0x1  }
0x8a: {  	s1 =	srdreg.scid  }
0x8b: {  	s0 =	sand.u32 $0x1, s1  }
0x8c: {  	s17 =	sshll.u32 s0, $0xA;
	s2 =	sadd.s32 s3, s2  }
0x8d: {  	s2 =	sadd.s32 s2, s17  }
0x8e: {  	[smem:$0x3FC3] =	sst s2  }
0x8f: {  	_ = 	snop  }
0x90: {  	s2 =	sld [smem:$0x3FD0];
	(tm) =	ssettm $0x1  }
0x91: {  	s18 =	sld [smem:$0x3FFB];
	_ =	sdelay $0x3  }
0x92: {  	_ =	strace s18  }
0x93: {  	s3 =	sld [smem:$0x3FFC];
	_ =	sdelay $0x3  }
0x94: {  	_ =	strace s3  }
0x95: {  	s3 =	sld [smem:$0x3FFD];
	_ =	sdelay $0x3  }
0x96: {  	_ =	strace s3  }
0x97: {  	_ =	strace $0x8FFFFFFF  }
0x98: {  	s19 =	sld [smem:$0x3FDB];
	_ =	sdelay $0x1  }
0x99: {  	s4 =	simm.s32 $_scs_section_size  }
0x9a: {  	s5 =	simm.s32 $_size__tile_overlayer_lowered;
	s6 =	simm.s32 $_tile_overlayer_lowered  }
0x9b: {  	s22 =	simm.s32 $0x1BFF;
	s21 =	sshll.u32 s6, $0x1;
	s3 =	sadd.s32 s4, s19  }
0x9c: {  	s7 =	simm.s32 $0x0;
	s20 =	sshll.u32 s5, $0x1;
	s5 =	sadd.s32 s21, s3  }
0x9d: {  	[timem:s7], [sflag:s22] =	dma.local [hbm:s5], s20  }
0x9e: {  	_ =	swait.ge [sflag:s22], s20  }
0x9f: {  	s4 =	ssub.s32 $0x0, s20;
	[sflag:s22] =	ssyncset.done $0x0  }
0xa0: {  	[sflag:s22] =	ssyncadd.s32 s4;
	_ =	sdelay $0x1  }
0xa1: {  	s23 =	simm.s32 $0x1B8B  }
0xa2: {  	_ =	swait.ge [sflag:s23], $0x1  }
0xa3: {  	[sflag:s23] =	ssyncset.done $0x0  }
0xa4: {  	s25 =	simm.s32 $0x1B8E;
	s24 =	sld [smem:$0x3FFE];
	[sflag:s23] =	ssyncadd.s32 $0xFFFFFFFF  }
0xa5: {  	s26 =	simm.s32 $execute0_lowered;
	[smem:$0x3FD2] =	sst s25  }
0xa6: {  	s5 =	sshll.u32 s26, $0x1;
	_ =	strace $0x80000049;
	[dreg:$0x1] =	wrdreg $0xFFFFFFFF  }
0xa7: {  	s28 =	simm.s32 $_size_execute0_lowered;
	s3 =	sadd.s32 s3, s5;
	[dreg:$0x0] =	wrdreg $0x0  }
0xa8: {  	s5 =	sshll.u32 s28, $0x1;
	[dreg:$0x2] =	wrdreg s3  }
0xa9: {  	[dreg:$0x3] =	wrdreg s5  }
0xaa: {  	[dreg:$0x4] =	wrdreg $0xC0  }
0xab: {  	_ =	task [dreg:s7], $0x5FFFF  }
0xac: {  	[dreg:$0x1] =	wrdreg $0xFFFFFFFF  }
0xad: {  	[dreg:$0x0] =	wrdreg $0x60  }
0xae: {  	[dreg:$0x2] =	wrdreg s24  }
0xaf: {  	[dreg:$0x3] =	wrdreg s2  }
0xb0: {  	[dreg:$0x4] =	wrdreg $0x0  }
0xb1: {  	[dreg:$0x5] =	wrdreg $0x9  }
0xb2: {  	_ =	task.clear_ibuf [dreg:s7], $0x6FFFF;
	_ =	strace $0x90000049  }
0xb3: {  	s29 =	simm.s32 $0x9;
	_ =	strace $0x8000004B  }
0xb4: {  	_ =	swait.ge [sflag:s29], $0x1  }
0xb5: {  	[sflag:s29] =	ssyncadd.s32 $0xFFFFFFFF  }
0xb6: {  	_ =	strace $0x9000004B  }
0xb7: {  	_ =	sfence  }
0xb8: {  	s30 =	sld [smem:$0x0];
	_ =	sdelay $0x2  }
0xb9: {  	s31 =	sshll.u32 s1, $0xD;
	s1 =	sshrl.u32 s1, $0x2  }
0xba: {  	s3 =	sand.u32 $0x4000, s31;
	s1 =	sadd.s32 s1, s30  }
0xbb: {  	s0 =	sor.u32 s3, s0;
	s1 =	sshll.u32 s1, $0x11  }
0xbc: {  	s0 =	sor.u32 s1, s0  }
0xbd: {  	s0 =	sadd.s32 $0x8F2B, s0  }
0xbe: {  	[sflag:s0] =	ssyncadd.remote.s32 $0x1  }
0xbf: {  	_ =	sfence.sel $0xFFFF  }
0xc0: {  	[dreg:$0x0] =	wrdreg $0xFFFFFFFF;
	(pc) =	sbr.abs _section_cstart, $3  }
0xc1: {  	[dreg:$0x1] =	wrdreg $0xFFFFFFFF  }
0xc2: {  	_ =	task.clear_ibuf [dreg:s7], $0x2FFFF;
	_ =	strace $0x9FFFFFFF  }
0xc3: {  	(tm) =	ssettm $0x7FFFFFFF  }
tec
execute0_lowered:
.L_overlay_start_1:
0x0: {  	(tag) =	ssettag $0x1  }
0x1: {  	s6 =	rddreg [dreg:$0x0]  }
0x2: {  	s9 =	rddreg [dreg:$0x1]  }
0x3: {  	s1 =	rddreg [dreg:$0x2];
	s2 =	srdreg.scid  }
0x4: {  	s0 =	rddreg [dreg:$0x3];
	s3 =	simm.s32 $0x0;
	s16 =	simm.s32 $0x15000  }
0x5: {  	s17 =	simm.s32 $0x80;
	s18 =	simm.s32 $0x16400;
	s19 =	simm.s32 $0x13C80  }
0x6: {  	s20 =	simm.s32 $0x1A400;
	s21 =	simm.s32 $0x1;
	s22 =	simm.s32 $0x3  }
0x7: {  	s23 =	simm.s32 $0x2;
	s24 =	simm.s32 $0x16300;
	s25 =	simm.s32 $0x16380  }
0x8: {  	s5 =	sand.u32 $0x1, s2;
	[smem:$0x7FF] =	sst s3;
	s2 =	stileid.u32  }
0x9: {  	s4 =	sadd.s32 $0x5F200, s6;
	s10 =	sadd.s32 $0x3200, s6;
	s7 =	sshll.u32 s5, $0x4  }
0xa: {  	_ =	strace $0x8000004A;
	s13 =	smul.u32 $0x4F000, s2;
	s7 =	sor.u32 s2, s7  }
0xb: {  	s11 =	ssub.s32 $0x2, s5;
	s5 =	sadd.s32 $0xD200, s6;
	s8 =	smul.u32 $0x2780, s7  }
0xc: {  	s29 =	sshll.u32 s2, $0x6;
	s12 =	sshrl.u32 s11, $0x1;
	s26 =	smul.u32 $0x2800, s7  }
0xd: {  	s12 =	ssub.s32 s11, s12;
	s28 =	sshrl.u32 s13, $0x2;
	s30 =	smul.u32 $0x500, s7  }
0xe: {  	s15 =	sadd.s32 s28, s1;
	s12 =	smax.u32 s12, $0x1;
	s14 =	sadd.s32 s8, s6  }
0xf: {  	s6 =	sor.u32 $0x1C04, s29;
	s31 =	sshrl.u32 s26, $0x3;
	s7 =	sadd.s32 s9, s30  }
0x10: {  	s8 =	sadd.s32 s10, s30;
	s13 =	sshrl.u32 s15, $0x3;
	s11 =	sadd.s32 $0x280, s31  }
0x11: {  	s15 =	simm.s32 $0x13C00;
	s26 =	simm.s32 $0x0;
	s9 =	sadd.s32 s9, s11  }
0x12: {  	s10 =	sadd.s32 s10, s11;
	s11 =	sadd.s32 $0x86A00, s14;
	s14 =	simm.s32 $0x4  }
.LBB2_1:
0x13: {  	[spmem:s13], [sflag:s6] =	dma.local [hbm:s5], $0x2780  }
0x14: {  	_ =	swait.ge [sflag:s14], $0x2780  }
0x15: {  	[sflag:s14] =	ssyncset.done $0x0  }
0x16: {  	[sflag:s14] =	ssyncadd.s32 $0xFFFFD880  }
0x17: {  	[bflag:$0x0] =	sbarrier.arrive $0xFFFF  }
0x18: {  	[tilespmem:s15], [sflag:$0x4] =	stream.linear.gather [hbm4b:s7+s3], $0x1400, $0x38;
	[tilespmem:$0x1E400] =	vst v63  }
0x19: {  	_ =	swait.ge [sflag:s14], $0x1400  }
0x1a: {  	[sflag:s14] =	ssyncset.done $0x0  }
0x1b: {  	[sflag:s14] =	ssyncadd.s32 $0xFFFFEC00  }
0x1c: {  	[tilespmem:s16], [sflag:$0x4] =	stream.linear.gather [hbm4b:s8+s3], $0x1400, $0x38;
	[tilespmem:$0x1E400] =	vst v63  }
0x1d: {  	_ =	swait.ge [sflag:s14], $0x1400  }
0x1e: {  	[sflag:s14] =	ssyncset.done $0x0  }
0x1f: {  	[sflag:s14] =	ssyncadd.s32 $0xFFFFEC00  }
0x20: {  	[tilespmem:s18], [sflag:$0x1] =	stream.indirect.gather [hbm4b:s4+s17], $0x80, s15, s17, $0xb8;
	[tilespmem:$0x1E400] =	vst v63  }
0x21: {  	_ = 	snop  }
0x22: {  	[tilespmem:s20], [sflag:$0x2] =	stream.indirect.gather [hbm4b:s4+s17], $0x80, s19, s17, $0xb8;
	[tilespmem:$0x1E400] =	vst v63  }
0x23: {  	_ =	swait.ge [sflag:s21], $0x4000  }
0x24: {  	[sflag:s21] =	ssyncset.done $0x0  }
0x25: {  	s28 =	simm.s32 $0x15000;
	[sflag:s21] =	ssyncadd.s32 $0xFFFFC000  }
0x26: {  	[spmem:s1] =	stream.indirect.scatter.add.f32 [tilespmem:s18], [sflag:$0x3], $0x80, s28, s17, $0xb8;
	[tilespmem:$0x1E400] =	vst v63  }
0x27: {  	_ =	swait.ge [sflag:s22], $0x4000  }
0x28: {  	[sflag:s22] =	ssyncset.done $0x0  }
0x29: {  	s28 =	simm.s32 $0x13D00;
	[sflag:s22] =	ssyncadd.s32 $0xFFFFC000  }
0x2a: {  	[tilespmem:s18], [sflag:$0x1] =	stream.indirect.gather [hbm4b:s4+s17], $0x80, s28, s17, $0xb8;
	[tilespmem:$0x1E400] =	vst v63  }
0x2b: {  	_ =	swait.ge [sflag:s23], $0x4000  }
0x2c: {  	[sflag:s23] =	ssyncset.done $0x0  }
0x2d: {  	s28 =	simm.s32 $0x15080;
	[sflag:s23] =	ssyncadd.s32 $0xFFFFC000  }
0x2e: {  	[spmem:s1] =	stream.indirect.scatter.add.f32 [tilespmem:s20], [sflag:$0x3], $0x80, s28, s17, $0xb8;
	[tilespmem:$0x1E400] =	vst v63  }
0x2f: {  	_ =	swait.ge [sflag:s22], $0x4000  }
0x30: {  	[sflag:s22] =	ssyncset.done $0x0  }
0x31: {  	s29 =	simm.s32 $0x13D80;
	s28 =	simm.s32 $0x400;
	[sflag:s22] =	ssyncadd.s32 $0xFFFFC000  }
.LBB2_2:
0x32: {  	[tilespmem:s20], [sflag:$0x2] =	stream.indirect.gather [hbm4b:s4+s17], $0x80, s29, s17, $0xb8;
	[tilespmem:$0x1E400] =	vst v63  }
0x33: {  	s29 =	smov.u32 s28  }
0x34: {  	p0 =	sne.s32 s28, $0x4800;
	s28 =	sadd.s32 $0x400, s28;
	_ =	swait.ge [sflag:s21], $0x4000  }
0x35: {  	s29 =	sshra.s32 s29, $0x2;
	[sflag:s21] =	ssyncset.done $0x0  }
0x36: {  	s30 =	sadd.s32 $0x15000, s29;
	[sflag:s21] =	ssyncadd.s32 $0xFFFFC000  }
0x37: {  	[spmem:s1] =	stream.indirect.scatter.add.f32 [tilespmem:s18], [sflag:$0x3], $0x80, s30, s17, $0xb8;
	[tilespmem:$0x1E400] =	vst v63  }
0x38: {  	_ =	swait.ge [sflag:s22], $0x4000  }
0x39: {  	[sflag:s22] =	ssyncset.done $0x0  }
0x3a: {  	s30 =	sadd.s32 $0x13D00, s29;
	[sflag:s22] =	ssyncadd.s32 $0xFFFFC000  }
0x3b: {  	[tilespmem:s18], [sflag:$0x1] =	stream.indirect.gather [hbm4b:s4+s17], $0x80, s30, s17, $0xb8;
	[tilespmem:$0x1E400] =	vst v63  }
0x3c: {  	_ =	swait.ge [sflag:s23], $0x4000  }
0x3d: {  	[sflag:s23] =	ssyncset.done $0x0  }
.Ltmp0:
0x3e: {  	s30 =	sadd.s32 $0x15080, s29;
	[sflag:s23] =	ssyncadd.s32 $0xFFFFC000;
	(pc) =	sbr.rel @p0 .LBB2_2-.Ltmp0, $4  }
0x3f: {  	[spmem:s1] =	stream.indirect.scatter.add.f32 [tilespmem:s20], [sflag:$0x3], $0x80, s30, s17, $0xb8;
	[tilespmem:$0x1E400] =	vst v63  }
0x40: {  	_ =	swait.ge [sflag:s22], $0x4000  }
0x41: {  	[sflag:s22] =	ssyncset.done $0x0  }
0x42: {  	s29 =	sadd.s32 $0x13D80, s29;
	[sflag:s22] =	ssyncadd.s32 $0xFFFFC000  }
0x43: {  	[tilespmem:s20], [sflag:$0x2] =	stream.indirect.gather [hbm4b:s4+s17], $0x80, s29, s17, $0xb8;
	[tilespmem:$0x1E400] =	vst v63  }
0x44: {  	_ =	swait.ge [sflag:s21], $0x4000  }
0x45: {  	[sflag:s21] =	ssyncset.done $0x0  }
0x46: {  	[sflag:s21] =	ssyncadd.s32 $0xFFFFC000  }
0x47: {  	[spmem:s1] =	stream.indirect.scatter.add.f32 [tilespmem:s18], [sflag:$0x3], $0x80, s24, s17, $0xb8;
	[tilespmem:$0x1E400] =	vst v63  }
0x48: {  	_ =	swait.ge [sflag:s22], $0x4000  }
0x49: {  	[sflag:s22] =	ssyncset.done $0x0  }
0x4a: {  	[sflag:s22] =	ssyncadd.s32 $0xFFFFC000  }
0x4b: {  	_ =	swait.ge [sflag:s23], $0x4000  }
0x4c: {  	[sflag:s23] =	ssyncset.done $0x0  }
0x4d: {  	[sflag:s23] =	ssyncadd.s32 $0xFFFFC000  }
0x4e: {  	[spmem:s1] =	stream.indirect.scatter.add.f32 [tilespmem:s20], [sflag:$0x3], $0x80, s25, s17, $0xb8;
	[tilespmem:$0x1E400] =	vst v63  }
0x4f: {  	_ =	swait.ge [sflag:s22], $0x4000  }
0x50: {  	[sflag:s22] =	ssyncset.done $0x0  }
0x51: {  	s28 =	simm.s32 $0x0;
	[sflag:s22] =	ssyncadd.s32 $0xFFFFC000  }
0x52: {  	[tilespmem:s15], [sflag:$0x4] =	stream.linear.gather [hbm4b:s9+s28], $0x1400, $0x38;
	[tilespmem:$0x1E400] =	vst v63  }
0x53: {  	_ =	swait.ge [sflag:s14], $0x1400  }
0x54: {  	[sflag:s14] =	ssyncset.done $0x0  }
0x55: {  	[sflag:s14] =	ssyncadd.s32 $0xFFFFEC00  }
0x56: {  	[tilespmem:s16], [sflag:$0x4] =	stream.linear.gather [hbm4b:s10+s28], $0x1400, $0x38;
	[tilespmem:$0x1E400] =	vst v63  }
0x57: {  	_ =	swait.ge [sflag:s14], $0x1400  }
0x58: {  	[sflag:s14] =	ssyncset.done $0x0  }
0x59: {  	[sflag:s14] =	ssyncadd.s32 $0xFFFFEC00  }
0x5a: {  	[tilespmem:s18], [sflag:$0x1] =	stream.indirect.gather [hbm4b:s4+s17], $0x80, s15, s17, $0xb8;
	[tilespmem:$0x1E400] =	vst v63  }
0x5b: {  	_ = 	snop  }
0x5c: {  	[tilespmem:s20], [sflag:$0x2] =	stream.indirect.gather [hbm4b:s4+s17], $0x80, s19, s17, $0xb8;
	[tilespmem:$0x1E400] =	vst v63  }
0x5d: {  	_ =	swait.ge [sflag:s21], $0x4000  }
0x5e: {  	[sflag:s21] =	ssyncset.done $0x0  }
0x5f: {  	s28 =	simm.s32 $0x15000;
	[sflag:s21] =	ssyncadd.s32 $0xFFFFC000  }
0x60: {  	[spmem:s1] =	stream.indirect.scatter.add.f32 [tilespmem:s18], [sflag:$0x3], $0x80, s28, s17, $0xb8;
	[tilespmem:$0x1E400] =	vst v63  }
0x61: {  	_ =	swait.ge [sflag:s22], $0x4000  }
0x62: {  	[sflag:s22] =	ssyncset.done $0x0  }
0x63: {  	s28 =	simm.s32 $0x13D00;
	[sflag:s22] =	ssyncadd.s32 $0xFFFFC000  }
0x64: {  	[tilespmem:s18], [sflag:$0x1] =	stream.indirect.gather [hbm4b:s4+s17], $0x80, s28, s17, $0xb8;
	[tilespmem:$0x1E400] =	vst v63  }
0x65: {  	_ =	swait.ge [sflag:s23], $0x4000  }
0x66: {  	[sflag:s23] =	ssyncset.done $0x0  }
0x67: {  	s28 =	simm.s32 $0x15080;
	[sflag:s23] =	ssyncadd.s32 $0xFFFFC000  }
0x68: {  	[spmem:s1] =	stream.indirect.scatter.add.f32 [tilespmem:s20], [sflag:$0x3], $0x80, s28, s17, $0xb8;
	[tilespmem:$0x1E400] =	vst v63  }
0x69: {  	_ =	swait.ge [sflag:s22], $0x4000  }
0x6a: {  	[sflag:s22] =	ssyncset.done $0x0  }
0x6b: {  	s29 =	simm.s32 $0x13D80;
	s28 =	simm.s32 $0x400;
	[sflag:s22] =	ssyncadd.s32 $0xFFFFC000  }
.LBB2_4:
0x6c: {  	[tilespmem:s20], [sflag:$0x2] =	stream.indirect.gather [hbm4b:s4+s17], $0x80, s29, s17, $0xb8;
	[tilespmem:$0x1E400] =	vst v63  }
0x6d: {  	s29 =	smov.u32 s28  }
0x6e: {  	p0 =	sne.s32 s28, $0x4800;
	s28 =	sadd.s32 $0x400, s28;
	_ =	swait.ge [sflag:s21], $0x4000  }
0x6f: {  	s29 =	sshra.s32 s29, $0x2;
	[sflag:s21] =	ssyncset.done $0x0  }
0x70: {  	s30 =	sadd.s32 $0x15000, s29;
	[sflag:s21] =	ssyncadd.s32 $0xFFFFC000  }
0x71: {  	[spmem:s1] =	stream.indirect.scatter.add.f32 [tilespmem:s18], [sflag:$0x3], $0x80, s30, s17, $0xb8;
	[tilespmem:$0x1E400] =	vst v63  }
0x72: {  	_ =	swait.ge [sflag:s22], $0x4000  }
0x73: {  	[sflag:s22] =	ssyncset.done $0x0  }
0x74: {  	s30 =	sadd.s32 $0x13D00, s29;
	[sflag:s22] =	ssyncadd.s32 $0xFFFFC000  }
0x75: {  	[tilespmem:s18], [sflag:$0x1] =	stream.indirect.gather [hbm4b:s4+s17], $0x80, s30, s17, $0xb8;
	[tilespmem:$0x1E400] =	vst v63  }
0x76: {  	_ =	swait.ge [sflag:s23], $0x4000  }
0x77: {  	[sflag:s23] =	ssyncset.done $0x0  }
.Ltmp1:
0x78: {  	s30 =	sadd.s32 $0x15080, s29;
	[sflag:s23] =	ssyncadd.s32 $0xFFFFC000;
	(pc) =	sbr.rel @p0 .LBB2_4-.Ltmp1, $4  }
0x79: {  	[spmem:s1] =	stream.indirect.scatter.add.f32 [tilespmem:s20], [sflag:$0x3], $0x80, s30, s17, $0xb8;
	[tilespmem:$0x1E400] =	vst v63  }
0x7a: {  	_ =	swait.ge [sflag:s22], $0x4000  }
0x7b: {  	[sflag:s22] =	ssyncset.done $0x0  }
0x7c: {  	s29 =	sadd.s32 $0x13D80, s29;
	[sflag:s22] =	ssyncadd.s32 $0xFFFFC000  }
0x7d: {  	[tilespmem:s20], [sflag:$0x2] =	stream.indirect.gather [hbm4b:s4+s17], $0x80, s29, s17, $0xb8;
	[tilespmem:$0x1E400] =	vst v63  }
0x7e: {  	_ =	swait.ge [sflag:s21], $0x4000  }
0x7f: {  	[sflag:s21] =	ssyncset.done $0x0  }
0x80: {  	[sflag:s21] =	ssyncadd.s32 $0xFFFFC000  }
0x81: {  	[spmem:s1] =	stream.indirect.scatter.add.f32 [tilespmem:s18], [sflag:$0x3], $0x80, s24, s17, $0xb8;
	[tilespmem:$0x1E400] =	vst v63  }
0x82: {  	_ =	swait.ge [sflag:s22], $0x4000  }
0x83: {  	[sflag:s22] =	ssyncset.done $0x0  }
0x84: {  	[sflag:s22] =	ssyncadd.s32 $0xFFFFC000  }
0x85: {  	_ =	swait.ge [sflag:s23], $0x4000  }
0x86: {  	[sflag:s23] =	ssyncset.done $0x0  }
0x87: {  	[sflag:s23] =	ssyncadd.s32 $0xFFFFC000  }
0x88: {  	[spmem:s1] =	stream.indirect.scatter.add.f32 [tilespmem:s20], [sflag:$0x3], $0x80, s25, s17, $0xb8;
	[tilespmem:$0x1E400] =	vst v63  }
0x89: {  	_ =	swait.ge [sflag:s22], $0x4000  }
0x8a: {  	s26 =	sadd.s32 $0x1, s26;
	[sflag:s22] =	ssyncset.done $0x0  }
0x8b: {  	p0 =	sne.s32 s26, s12;
	[sflag:s22] =	ssyncadd.s32 $0xFFFFC000  }
.Ltmp2:
0x8c: {  	[bflag:$0x0] =	sbarrier.arrive $0xFFFF;
	(pc) =	sbr.rel @p0 .LBB2_1-.Ltmp2, $4  }
0x8d: {  	[hbm:s11], [sflag:s6] =	dma.local [spmem:s13], $0x2780  }
0x8e: {  	_ =	swait.ge [sflag:s14], $0x2780  }
0x8f: {  	[sflag:s14] =	ssyncset.done $0x0  }
0x90: {  	[sflag:s14] =	ssyncadd.s32 $0xFFFFD880  }
0x91: {  	_ =	sfence.sel $0x180000  }
0x92: {  	[bflag:$0x0] =	sbarrier.arrive $0xFFFF  }
0x93: {  	p0 =	sne.s32 s2, $0x0;
	_ =	strace $0x9000004A  }
0x94: {  	s0 =	sadd.s32 @!p0 $0x100000, s0;
	[bflag:$0x2] =	sbarrier.arrive $0xFFFF  }
0x95: {  	[sflag:s0] =	ssyncadd.tile.s32 @!p0 $0x1;
	_ =	shalt  }
.Lfunc_end2:
_tile_overlayer_lowered:
.L_overlay_start_2:
0x96: {  	(tag) =	ssettag $0x2  }
0x97: {  	s0 =	rddreg [dreg:$0x0];
	s2 =	stileid.u32  }
0x98: {  	s1 =	rddreg [dreg:$0x1];
	p0 =	sne.s32 s2, $0x0  }
0x99: {  	s3 =	rddreg [dreg:$0x2];
	[bflag:$0x3] =	sbarrier.arrive $0xFFFF;
	s2 =	simm.s32 @!p0 $0x1C04  }
0x9a: {  	[timem:s3], [sflag:s2] =	dma.local @!p0 [hbm:s0], s1  }
0x9b: {  	s0 =	simm.s32 @!p0 $0x4  }
0x9c: {  	_ =	swait.ge @!p0 [sflag:s0], s1  }
0x9d: {  	s1 =	ssub.s32 @!p0 $0x0, s1;
	[sflag:s0] =	ssyncset.done @!p0 $0x0  }
0x9e: {  	[sflag:s0] =	ssyncadd.s32 @!p0 s1  }
0x9f: {  	[bflag:$0x3] =	sbarrier.arrive $0xFFFF  }
0xa0: {  	_ =	shalt  }

// kernel: kernel.14.cloned.1.call-start
scs
__scs_entry_jumppad:
0x0: {  	(pc) =	sbr.rel $0x88, $3  }
0x1: {  	(tag) =	ssettag $0x0;
	lr =	simm.s32 $0x1  }
0x2: {  	[smem:$0x3F9C] =	sst lr;
	_ =	strace $0xD0000000  }
0x3: {  	_ = 	snop  }
0x4: {  	_ = 	snop  }
0x5: {  	_ = 	snop  }
0x6: {  	_ = 	snop  }
0x7: {  	_ = 	snop  }
__scs_overlays_trampoline_lowered:
0x8: {  	[smem:$0x3FAB] =	sst s0  }
0x9: {  	[smem:$0x3FAC] =	sst s1  }
0xa: {  	[smem:$0x3FAD] =	sst s2  }
0xb: {  	[smem:$0x3FAE] =	sst s3  }
0xc: {  	[smem:$0x3FAF] =	sst s4  }
0xd: {  	[smem:$0x3FB0] =	sst s5  }
0xe: {  	[smem:$0x3FB1] =	sst s6  }
0xf: {  	[smem:$0x3FB2] =	sst s7  }
0x10: {  	[smem:$0x3FB3] =	sst s8  }
0x11: {  	[smem:$0x3FB4] =	sst s9;
	s0 =	simm.s32 @!p0 $0x0  }
0x12: {  	s1 =	sld [smem:$0x3F9A];
	s0 =	simm.s32 @p0 $0x1  }
0x13: {  	[smem:$0x3FB5] =	sst s0;
	s0 =	simm.s32 @!p1 $0x0  }
0x14: {  	s2 =	sld [smem:$0x3F99];
	s0 =	simm.s32 @p1 $0x1  }
0x15: {  	[smem:$0x3FB6] =	sst s0;
	s0 =	simm.s32 @!p2 $0x0  }
0x16: {  	s3 =	sld [smem:$0x3FDB];
	s0 =	simm.s32 @p2 $0x1  }
0x17: {  	s4 =	simm.s32 $0x1BF5;
	[smem:$0x3FB8] =	sst s0  }
0x18: {  	s0 =	sld [smem:$0x3F9B];
	_ =	swait.ge [sflag:s4], $0x0  }
0x19: {  	s7 =	sld [smem:$0x3F9C]  }
0x1a: {  	s8 =	sadd.s32 $0xFFFFE003, lr  }
0x1b: {  	s9 =	sadd.s32 $0xFFFFFEF7, lr;
	s5 =	simm.s32 $0xFFFFFFFF;
	p2 =	slt.u32 s8, $0xFFFFF086  }
0x1c: {  	p1 =	slt.u32 s9, $0xF7A;
	s5 =	simm.s32 @!p2 $0x0  }
0x1d: {  	s5 =	simm.s32 @p1 $0x1;
	p0 =	seq.s32 s7, s2  }
0x1e: {  	s7 =	smul.u32 @!p0 $0xF7A, s2;
	p2 =	seq.s32 @!p0 s5, $0x0  }
0x1f: {  	s9 =	smul.u32 $0xF7A, s1;
	s8 =	simm.s32 @!p0 $0x1BF5;
	p2 =	por !p2, p0  }
0x20: {  	[sflag:s8] =	ssyncset.s32 @!p0 $0xFFFFF086;
	s6 =	sadd.s32 @!p0 s3, s7;
	s7 =	simm.s32 @!p0 $0x108  }
0x21: {  	s3 =	sadd.s32 s3, s9;
	s6 =	sadd.s32 @!p0 $0x88, s6;
	s7 =	simm.s32 @p2 $0x1082  }
0x22: {  	[simem:s7], [sflag:s8] =	dma.local @!p0 [hbm:s6], $0xF7A  }
0x23: {  	s9 =	sor.u32 $0xD0000000, s2;
	s6 =	simm.s32 $0x108;
	_ =	swait.ge @!p0 [sflag:s8], $0x0  }
0x24: {  	s3 =	sadd.s32 $0x88, s3;
	s6 =	simm.s32 @!p1 $0x1082;
	[sflag:s4] =	ssyncset.s32 $0xFFFFF086  }
0x25: {  	[simem:s6], [sflag:s4] =	dma.local [hbm:s3], $0xF7A  }
0x26: {  	[smem:$0x3F9C] =	sst s1;
	(tag) =	ssettag s2;
	_ =	strace s9  }
0x27: {  	s1 =	sld [smem:$0x3FAC]  }
0x28: {  	s2 =	sld [smem:$0x3FAD]  }
0x29: {  	s4 =	sld [smem:$0x3FAF]  }
0x2a: {  	p0 =	seq.s32 s5, $0x0;
	s5 =	sld [smem:$0x3FB0]  }
0x2b: {  	s6 =	sld [smem:$0x3FB1]  }
0x2c: {  	s7 =	sld [smem:$0x3FB2]  }
0x2d: {  	s3 =	simm.s32 $0x108;
	s8 =	sld [smem:$0x3FB3]  }
0x2e: {  	s3 =	simm.s32 @!p0 $0x1082;
	s9 =	sld [smem:$0x3FB4]  }
0x2f: {  	lr =	sadd.s32 s0, s3;
	s0 =	sld [smem:$0x3FAB]  }
0x30: {  	s3 =	sld [smem:$0x3FAE]  }
0x31: {  	[smem:$0x3FB7] =	sst s10  }
0x32: {  	s10 =	sld [smem:$0x3FB5];
	_ =	sdelay $0x3  }
0x33: {  	p0 =	seq.s32 s10, $0x1;
	s10 =	sld [smem:$0x3FB7];
	_ =	sdelay $0x3  }
0x34: {  	[smem:$0x3FB7] =	sst s10  }
0x35: {  	s10 =	sld [smem:$0x3FB6];
	_ =	sdelay $0x3  }
0x36: {  	p1 =	seq.s32 s10, $0x1;
	s10 =	sld [smem:$0x3FB7];
	_ =	sdelay $0x3  }
0x37: {  	[smem:$0x3FB7] =	sst s10  }
0x38: {  	s10 =	sld [smem:$0x3FB8]  }
0x39: {  	_ = 	snop;
	(pc) =	sbr.ind lr, $3  }
0x3a: {  	_ = 	snop  }
0x3b: {  	_ = 	snop  }
0x3c: {  	p2 =	seq.s32 s10, $0x1;
	s10 =	sld [smem:$0x3FB7]  }
0x3d: {  	_ =	shalt  }
0x3e: {  	_ =	shalt  }
0x3f: {  	_ =	shalt  }
0x40: {  	_ =	shalt  }
0x41: {  	_ =	shalt  }
0x42: {  	_ =	shalt  }
0x43: {  	_ =	shalt  }
0x44: {  	_ =	shalt  }
0x45: {  	_ =	shalt  }
0x46: {  	_ =	shalt  }
0x47: {  	_ =	shalt  }
0x48: {  	_ =	shalt  }
0x49: {  	_ =	shalt  }
0x4a: {  	_ =	shalt  }
0x4b: {  	_ =	shalt  }
0x4c: {  	_ =	shalt  }
0x4d: {  	_ =	shalt  }
0x4e: {  	_ =	shalt  }
0x4f: {  	_ =	shalt  }
0x50: {  	_ =	shalt  }
0x51: {  	_ =	shalt  }
0x52: {  	_ =	shalt  }
0x53: {  	_ =	shalt  }
0x54: {  	_ =	shalt  }
0x55: {  	_ =	shalt  }
0x56: {  	_ =	shalt  }
0x57: {  	_ =	shalt  }
0x58: {  	_ =	shalt  }
0x59: {  	_ =	shalt  }
0x5a: {  	_ =	shalt  }
0x5b: {  	_ =	shalt  }
0x5c: {  	_ =	shalt  }
0x5d: {  	_ =	shalt  }
0x5e: {  	_ =	shalt  }
0x5f: {  	_ =	shalt  }
0x60: {  	_ =	shalt  }
0x61: {  	_ =	shalt  }
0x62: {  	_ =	shalt  }
0x63: {  	_ =	shalt  }
0x64: {  	_ =	shalt  }
0x65: {  	_ =	shalt  }
0x66: {  	_ =	shalt  }
0x67: {  	_ =	shalt  }
0x68: {  	_ =	shalt  }
0x69: {  	_ =	shalt  }
0x6a: {  	_ =	shalt  }
0x6b: {  	_ =	shalt  }
0x6c: {  	_ =	shalt  }
0x6d: {  	_ =	shalt  }
0x6e: {  	_ =	shalt  }
0x6f: {  	_ =	shalt  }
0x70: {  	_ =	shalt  }
0x71: {  	_ =	shalt  }
0x72: {  	_ =	shalt  }
0x73: {  	_ =	shalt  }
0x74: {  	_ =	shalt  }
0x75: {  	_ =	shalt  }
0x76: {  	_ =	shalt  }
0x77: {  	_ =	shalt  }
0x78: {  	_ =	shalt  }
0x79: {  	_ =	shalt  }
0x7a: {  	_ =	shalt  }
0x7b: {  	_ =	shalt  }
0x7c: {  	_ =	shalt  }
0x7d: {  	_ =	shalt  }
0x7e: {  	_ =	shalt  }
0x7f: {  	_ =	shalt  }
0x80: {  	_ =	shalt  }
0x81: {  	_ =	shalt  }
0x82: {  	_ =	shalt  }
0x83: {  	_ =	shalt  }
0x84: {  	_ =	shalt  }
0x85: {  	_ =	shalt  }
0x86: {  	_ =	shalt  }
0x87: {  	_ =	shalt  }
.Lfunc_end0:
.L_simem_size_0:
called_computation.2_lowered:
.L_overlay_start_0:
0x88: {  	s2 =	sld [smem:$0x3FD9]  }
0x89: {  	s3 =	sld [smem:$0x3FFE];
	_ =	sdelay $0x1  }
0x8a: {  	s1 =	srdreg.scid  }
0x8b: {  	s0 =	sand.u32 $0x1, s1  }
0x8c: {  	s17 =	sshll.u32 s0, $0xA;
	s2 =	sadd.s32 s3, s2  }
0x8d: {  	s2 =	sadd.s32 s2, s17  }
0x8e: {  	[smem:$0x3FC3] =	sst s2  }
0x8f: {  	_ = 	snop  }
0x90: {  	s2 =	sld [smem:$0x3FD0];
	(tm) =	ssettm $0x1  }
0x91: {  	s18 =	sld [smem:$0x3FFB];
	_ =	sdelay $0x3  }
0x92: {  	_ =	strace s18  }
0x93: {  	s3 =	sld [smem:$0x3FFC];
	_ =	sdelay $0x3  }
0x94: {  	_ =	strace s3  }
0x95: {  	s3 =	sld [smem:$0x3FFD];
	_ =	sdelay $0x3  }
0x96: {  	_ =	strace s3  }
0x97: {  	_ =	strace $0x8FFFFFFF  }
0x98: {  	s19 =	sld [smem:$0x3FDB];
	_ =	sdelay $0x1  }
0x99: {  	s4 =	simm.s32 $_scs_section_size  }
0x9a: {  	s5 =	simm.s32 $_size__tile_overlayer_lowered;
	s6 =	simm.s32 $_tile_overlayer_lowered  }
0x9b: {  	s22 =	simm.s32 $0x1BFF;
	s21 =	sshll.u32 s6, $0x1;
	s3 =	sadd.s32 s4, s19  }
0x9c: {  	s7 =	simm.s32 $0x0;
	s20 =	sshll.u32 s5, $0x1;
	s5 =	sadd.s32 s21, s3  }
0x9d: {  	[timem:s7], [sflag:s22] =	dma.local [hbm:s5], s20  }
0x9e: {  	_ =	swait.ge [sflag:s22], s20  }
0x9f: {  	s4 =	ssub.s32 $0x0, s20;
	[sflag:s22] =	ssyncset.done $0x0  }
0xa0: {  	[sflag:s22] =	ssyncadd.s32 s4;
	_ =	sdelay $0x1  }
0xa1: {  	s23 =	simm.s32 $0x1B8B  }
0xa2: {  	_ =	swait.ge [sflag:s23], $0x1  }
0xa3: {  	[sflag:s23] =	ssyncset.done $0x0  }
0xa4: {  	s25 =	simm.s32 $0x1B8E;
	s24 =	sld [smem:$0x3FFE];
	[sflag:s23] =	ssyncadd.s32 $0xFFFFFFFF  }
0xa5: {  	s26 =	simm.s32 $execute0_lowered;
	[smem:$0x3FD2] =	sst s25  }
0xa6: {  	s5 =	sshll.u32 s26, $0x1;
	_ =	strace $0x8000004C;
	[dreg:$0x1] =	wrdreg $0xFFFFFFFF  }
0xa7: {  	s28 =	simm.s32 $_size_execute0_lowered;
	s3 =	sadd.s32 s3, s5;
	[dreg:$0x0] =	wrdreg $0x0  }
0xa8: {  	s5 =	sshll.u32 s28, $0x1;
	[dreg:$0x2] =	wrdreg s3  }
0xa9: {  	[dreg:$0x3] =	wrdreg s5  }
0xaa: {  	[dreg:$0x4] =	wrdreg $0xC0  }
0xab: {  	_ =	task [dreg:s7], $0x5FFFF  }
0xac: {  	[dreg:$0x1] =	wrdreg $0xFFFFFFFF  }
0xad: {  	[dreg:$0x0] =	wrdreg $0x60  }
0xae: {  	[dreg:$0x2] =	wrdreg s24  }
0xaf: {  	[dreg:$0x3] =	wrdreg s2  }
0xb0: {  	[dreg:$0x4] =	wrdreg $0x0  }
0xb1: {  	[dreg:$0x5] =	wrdreg $0x9  }
0xb2: {  	_ =	task.clear_ibuf [dreg:s7], $0x6FFFF;
	_ =	strace $0x9000004C  }
0xb3: {  	s29 =	simm.s32 $0x9;
	_ =	strace $0x8000004E  }
0xb4: {  	_ =	swait.ge [sflag:s29], $0x1  }
0xb5: {  	[sflag:s29] =	ssyncadd.s32 $0xFFFFFFFF  }
0xb6: {  	_ =	strace $0x9000004E  }
0xb7: {  	_ =	sfence  }
0xb8: {  	s30 =	sld [smem:$0x0];
	_ =	sdelay $0x2  }
0xb9: {  	s31 =	sshll.u32 s1, $0xD;
	s1 =	sshrl.u32 s1, $0x2  }
0xba: {  	s3 =	sand.u32 $0x4000, s31;
	s1 =	sadd.s32 s1, s30  }
0xbb: {  	s0 =	sor.u32 s3, s0;
	s1 =	sshll.u32 s1, $0x11  }
0xbc: {  	s0 =	sor.u32 s1, s0  }
0xbd: {  	s0 =	sadd.s32 $0x8F2B, s0  }
0xbe: {  	[sflag:s0] =	ssyncadd.remote.s32 $0x1  }
0xbf: {  	_ =	sfence.sel $0xFFFF  }
0xc0: {  	[dreg:$0x0] =	wrdreg $0xFFFFFFFF;
	(pc) =	sbr.abs _section_cstart, $3  }
0xc1: {  	[dreg:$0x1] =	wrdreg $0xFFFFFFFF  }
0xc2: {  	_ =	task.clear_ibuf [dreg:s7], $0x2FFFF;
	_ =	strace $0x9FFFFFFF  }
0xc3: {  	(tm) =	ssettm $0x7FFFFFFF  }
tec
execute0_lowered:
.L_overlay_start_1:
0x0: {  	(tag) =	ssettag $0x1  }
0x1: {  	s6 =	rddreg [dreg:$0x0]  }
0x2: {  	s9 =	rddreg [dreg:$0x1]  }
0x3: {  	s1 =	rddreg [dreg:$0x2];
	s2 =	srdreg.scid  }
0x4: {  	s0 =	rddreg [dreg:$0x3];
	s3 =	simm.s32 $0x0;
	s16 =	simm.s32 $0x15000  }
0x5: {  	s17 =	simm.s32 $0x80;
	s18 =	simm.s32 $0x16400;
	s19 =	simm.s32 $0x13C80  }
0x6: {  	s20 =	simm.s32 $0x1A400;
	s21 =	simm.s32 $0x1;
	s22 =	simm.s32 $0x3  }
0x7: {  	s23 =	simm.s32 $0x2;
	s24 =	simm.s32 $0x16300;
	s25 =	simm.s32 $0x16380  }
0x8: {  	s5 =	sand.u32 $0x1, s2;
	[smem:$0x7FF] =	sst s3;
	s2 =	stileid.u32  }
0x9: {  	s4 =	sadd.s32 $0x5F200, s6;
	s10 =	sadd.s32 $0x3200, s6;
	s7 =	sshll.u32 s5, $0x4  }
0xa: {  	_ =	strace $0x8000004D;
	s13 =	smul.u32 $0x4F000, s2;
	s7 =	sor.u32 s2, s7  }
0xb: {  	s11 =	ssub.s32 $0x2, s5;
	s5 =	sadd.s32 $0xD200, s6;
	s8 =	smul.u32 $0x2780, s7  }
0xc: {  	s29 =	sshll.u32 s2, $0x6;
	s12 =	sshrl.u32 s11, $0x1;
	s26 =	smul.u32 $0x2800, s7  }
0xd: {  	s12 =	ssub.s32 s11, s12;
	s28 =	sshrl.u32 s13, $0x2;
	s30 =	smul.u32 $0x500, s7  }
0xe: {  	s15 =	sadd.s32 s28, s1;
	s12 =	smax.u32 s12, $0x1;
	s14 =	sadd.s32 s8, s6  }
0xf: {  	s6 =	sor.u32 $0x1C04, s29;
	s31 =	sshrl.u32 s26, $0x3;
	s7 =	sadd.s32 s9, s30  }
0x10: {  	s8 =	sadd.s32 s10, s30;
	s13 =	sshrl.u32 s15, $0x3;
	s11 =	sadd.s32 $0x280, s31  }
0x11: {  	s15 =	simm.s32 $0x13C00;
	s26 =	simm.s32 $0x0;
	s9 =	sadd.s32 s9, s11  }
0x12: {  	s10 =	sadd.s32 s10, s11;
	s11 =	sadd.s32 $0x86A00, s14;
	s14 =	simm.s32 $0x4  }
.LBB2_1:
0x13: {  	[spmem:s13], [sflag:s6] =	dma.local [hbm:s5], $0x2780  }
0x14: {  	_ =	swait.ge [sflag:s14], $0x2780  }
0x15: {  	[sflag:s14] =	ssyncset.done $0x0  }
0x16: {  	[sflag:s14] =	ssyncadd.s32 $0xFFFFD880  }
0x17: {  	[bflag:$0x0] =	sbarrier.arrive $0xFFFF  }
0x18: {  	[tilespmem:s15], [sflag:$0x4] =	stream.linear.gather [hbm4b:s7+s3], $0x1400, $0x38;
	[tilespmem:$0x1E400] =	vst v63  }
0x19: {  	_ =	swait.ge [sflag:s14], $0x1400  }
0x1a: {  	[sflag:s14] =	ssyncset.done $0x0  }
0x1b: {  	[sflag:s14] =	ssyncadd.s32 $0xFFFFEC00  }
0x1c: {  	[tilespmem:s16], [sflag:$0x4] =	stream.linear.gather [hbm4b:s8+s3], $0x1400, $0x38;
	[tilespmem:$0x1E400] =	vst v63  }
0x1d: {  	_ =	swait.ge [sflag:s14], $0x1400  }
0x1e: {  	[sflag:s14] =	ssyncset.done $0x0  }
0x1f: {  	[sflag:s14] =	ssyncadd.s32 $0xFFFFEC00  }
0x20: {  	[tilespmem:s18], [sflag:$0x1] =	stream.indirect.gather [hbm4b:s4+s17], $0x80, s15, s17, $0xb8;
	[tilespmem:$0x1E400] =	vst v63  }
0x21: {  	_ = 	snop  }
0x22: {  	[tilespmem:s20], [sflag:$0x2] =	stream.indirect.gather [hbm4b:s4+s17], $0x80, s19, s17, $0xb8;
	[tilespmem:$0x1E400] =	vst v63  }
0x23: {  	_ =	swait.ge [sflag:s21], $0x4000  }
0x24: {  	[sflag:s21] =	ssyncset.done $0x0  }
0x25: {  	s28 =	simm.s32 $0x15000;
	[sflag:s21] =	ssyncadd.s32 $0xFFFFC000  }
0x26: {  	[spmem:s1] =	stream.indirect.scatter.add.f32 [tilespmem:s18], [sflag:$0x3], $0x80, s28, s17, $0xb8;
	[tilespmem:$0x1E400] =	vst v63  }
0x27: {  	_ =	swait.ge [sflag:s22], $0x4000  }
0x28: {  	[sflag:s22] =	ssyncset.done $0x0  }
0x29: {  	s28 =	simm.s32 $0x13D00;
	[sflag:s22] =	ssyncadd.s32 $0xFFFFC000  }
0x2a: {  	[tilespmem:s18], [sflag:$0x1] =	stream.indirect.gather [hbm4b:s4+s17], $0x80, s28, s17, $0xb8;
	[tilespmem:$0x1E400] =	vst v63  }
0x2b: {  	_ =	swait.ge [sflag:s23], $0x4000  }
0x2c: {  	[sflag:s23] =	ssyncset.done $0x0  }
0x2d: {  	s28 =	simm.s32 $0x15080;
	[sflag:s23] =	ssyncadd.s32 $0xFFFFC000  }
0x2e: {  	[spmem:s1] =	stream.indirect.scatter.add.f32 [tilespmem:s20], [sflag:$0x3], $0x80, s28, s17, $0xb8;
	[tilespmem:$0x1E400] =	vst v63  }
0x2f: {  	_ =	swait.ge [sflag:s22], $0x4000  }
0x30: {  	[sflag:s22] =	ssyncset.done $0x0  }
0x31: {  	s29 =	simm.s32 $0x13D80;
	s28 =	simm.s32 $0x400;
	[sflag:s22] =	ssyncadd.s32 $0xFFFFC000  }
.LBB2_2:
0x32: {  	[tilespmem:s20], [sflag:$0x2] =	stream.indirect.gather [hbm4b:s4+s17], $0x80, s29, s17, $0xb8;
	[tilespmem:$0x1E400] =	vst v63  }
0x33: {  	s29 =	smov.u32 s28  }
0x34: {  	p0 =	sne.s32 s28, $0x4800;
	s28 =	sadd.s32 $0x400, s28;
	_ =	swait.ge [sflag:s21], $0x4000  }
0x35: {  	s29 =	sshra.s32 s29, $0x2;
	[sflag:s21] =	ssyncset.done $0x0  }
0x36: {  	s30 =	sadd.s32 $0x15000, s29;
	[sflag:s21] =	ssyncadd.s32 $0xFFFFC000  }
0x37: {  	[spmem:s1] =	stream.indirect.scatter.add.f32 [tilespmem:s18], [sflag:$0x3], $0x80, s30, s17, $0xb8;
	[tilespmem:$0x1E400] =	vst v63  }
0x38: {  	_ =	swait.ge [sflag:s22], $0x4000  }
0x39: {  	[sflag:s22] =	ssyncset.done $0x0  }
0x3a: {  	s30 =	sadd.s32 $0x13D00, s29;
	[sflag:s22] =	ssyncadd.s32 $0xFFFFC000  }
0x3b: {  	[tilespmem:s18], [sflag:$0x1] =	stream.indirect.gather [hbm4b:s4+s17], $0x80, s30, s17, $0xb8;
	[tilespmem:$0x1E400] =	vst v63  }
0x3c: {  	_ =	swait.ge [sflag:s23], $0x4000  }
0x3d: {  	[sflag:s23] =	ssyncset.done $0x0  }
.Ltmp0:
0x3e: {  	s30 =	sadd.s32 $0x15080, s29;
	[sflag:s23] =	ssyncadd.s32 $0xFFFFC000;
	(pc) =	sbr.rel @p0 .LBB2_2-.Ltmp0, $4  }
0x3f: {  	[spmem:s1] =	stream.indirect.scatter.add.f32 [tilespmem:s20], [sflag:$0x3], $0x80, s30, s17, $0xb8;
	[tilespmem:$0x1E400] =	vst v63  }
0x40: {  	_ =	swait.ge [sflag:s22], $0x4000  }
0x41: {  	[sflag:s22] =	ssyncset.done $0x0  }
0x42: {  	s29 =	sadd.s32 $0x13D80, s29;
	[sflag:s22] =	ssyncadd.s32 $0xFFFFC000  }
0x43: {  	[tilespmem:s20], [sflag:$0x2] =	stream.indirect.gather [hbm4b:s4+s17], $0x80, s29, s17, $0xb8;
	[tilespmem:$0x1E400] =	vst v63  }
0x44: {  	_ =	swait.ge [sflag:s21], $0x4000  }
0x45: {  	[sflag:s21] =	ssyncset.done $0x0  }
0x46: {  	[sflag:s21] =	ssyncadd.s32 $0xFFFFC000  }
0x47: {  	[spmem:s1] =	stream.indirect.scatter.add.f32 [tilespmem:s18], [sflag:$0x3], $0x80, s24, s17, $0xb8;
	[tilespmem:$0x1E400] =	vst v63  }
0x48: {  	_ =	swait.ge [sflag:s22], $0x4000  }
0x49: {  	[sflag:s22] =	ssyncset.done $0x0  }
0x4a: {  	[sflag:s22] =	ssyncadd.s32 $0xFFFFC000  }
0x4b: {  	_ =	swait.ge [sflag:s23], $0x4000  }
0x4c: {  	[sflag:s23] =	ssyncset.done $0x0  }
0x4d: {  	[sflag:s23] =	ssyncadd.s32 $0xFFFFC000  }
0x4e: {  	[spmem:s1] =	stream.indirect.scatter.add.f32 [tilespmem:s20], [sflag:$0x3], $0x80, s25, s17, $0xb8;
	[tilespmem:$0x1E400] =	vst v63  }
0x4f: {  	_ =	swait.ge [sflag:s22], $0x4000  }
0x50: {  	[sflag:s22] =	ssyncset.done $0x0  }
0x51: {  	s28 =	simm.s32 $0x0;
	[sflag:s22] =	ssyncadd.s32 $0xFFFFC000  }
0x52: {  	[tilespmem:s15], [sflag:$0x4] =	stream.linear.gather [hbm4b:s9+s28], $0x1400, $0x38;
	[tilespmem:$0x1E400] =	vst v63  }
0x53: {  	_ =	swait.ge [sflag:s14], $0x1400  }
0x54: {  	[sflag:s14] =	ssyncset.done $0x0  }
0x55: {  	[sflag:s14] =	ssyncadd.s32 $0xFFFFEC00  }
0x56: {  	[tilespmem:s16], [sflag:$0x4] =	stream.linear.gather [hbm4b:s10+s28], $0x1400, $0x38;
	[tilespmem:$0x1E400] =	vst v63  }
0x57: {  	_ =	swait.ge [sflag:s14], $0x1400  }
0x58: {  	[sflag:s14] =	ssyncset.done $0x0  }
0x59: {  	[sflag:s14] =	ssyncadd.s32 $0xFFFFEC00  }
0x5a: {  	[tilespmem:s18], [sflag:$0x1] =	stream.indirect.gather [hbm4b:s4+s17], $0x80, s15, s17, $0xb8;
	[tilespmem:$0x1E400] =	vst v63  }
0x5b: {  	_ = 	snop  }
0x5c: {  	[tilespmem:s20], [sflag:$0x2] =	stream.indirect.gather [hbm4b:s4+s17], $0x80, s19, s17, $0xb8;
	[tilespmem:$0x1E400] =	vst v63  }
0x5d: {  	_ =	swait.ge [sflag:s21], $0x4000  }
0x5e: {  	[sflag:s21] =	ssyncset.done $0x0  }
0x5f: {  	s28 =	simm.s32 $0x15000;
	[sflag:s21] =	ssyncadd.s32 $0xFFFFC000  }
0x60: {  	[spmem:s1] =	stream.indirect.scatter.add.f32 [tilespmem:s18], [sflag:$0x3], $0x80, s28, s17, $0xb8;
	[tilespmem:$0x1E400] =	vst v63  }
0x61: {  	_ =	swait.ge [sflag:s22], $0x4000  }
0x62: {  	[sflag:s22] =	ssyncset.done $0x0  }
0x63: {  	s28 =	simm.s32 $0x13D00;
	[sflag:s22] =	ssyncadd.s32 $0xFFFFC000  }
0x64: {  	[tilespmem:s18], [sflag:$0x1] =	stream.indirect.gather [hbm4b:s4+s17], $0x80, s28, s17, $0xb8;
	[tilespmem:$0x1E400] =	vst v63  }
0x65: {  	_ =	swait.ge [sflag:s23], $0x4000  }
0x66: {  	[sflag:s23] =	ssyncset.done $0x0  }
0x67: {  	s28 =	simm.s32 $0x15080;
	[sflag:s23] =	ssyncadd.s32 $0xFFFFC000  }
0x68: {  	[spmem:s1] =	stream.indirect.scatter.add.f32 [tilespmem:s20], [sflag:$0x3], $0x80, s28, s17, $0xb8;
	[tilespmem:$0x1E400] =	vst v63  }
0x69: {  	_ =	swait.ge [sflag:s22], $0x4000  }
0x6a: {  	[sflag:s22] =	ssyncset.done $0x0  }
0x6b: {  	s29 =	simm.s32 $0x13D80;
	s28 =	simm.s32 $0x400;
	[sflag:s22] =	ssyncadd.s32 $0xFFFFC000  }
.LBB2_4:
0x6c: {  	[tilespmem:s20], [sflag:$0x2] =	stream.indirect.gather [hbm4b:s4+s17], $0x80, s29, s17, $0xb8;
	[tilespmem:$0x1E400] =	vst v63  }
0x6d: {  	s29 =	smov.u32 s28  }
0x6e: {  	p0 =	sne.s32 s28, $0x4800;
	s28 =	sadd.s32 $0x400, s28;
	_ =	swait.ge [sflag:s21], $0x4000  }
0x6f: {  	s29 =	sshra.s32 s29, $0x2;
	[sflag:s21] =	ssyncset.done $0x0  }
0x70: {  	s30 =	sadd.s32 $0x15000, s29;
	[sflag:s21] =	ssyncadd.s32 $0xFFFFC000  }
0x71: {  	[spmem:s1] =	stream.indirect.scatter.add.f32 [tilespmem:s18], [sflag:$0x3], $0x80, s30, s17, $0xb8;
	[tilespmem:$0x1E400] =	vst v63  }
0x72: {  	_ =	swait.ge [sflag:s22], $0x4000  }
0x73: {  	[sflag:s22] =	ssyncset.done $0x0  }
0x74: {  	s30 =	sadd.s32 $0x13D00, s29;
	[sflag:s22] =	ssyncadd.s32 $0xFFFFC000  }
0x75: {  	[tilespmem:s18], [sflag:$0x1] =	stream.indirect.gather [hbm4b:s4+s17], $0x80, s30, s17, $0xb8;
	[tilespmem:$0x1E400] =	vst v63  }
0x76: {  	_ =	swait.ge [sflag:s23], $0x4000  }
0x77: {  	[sflag:s23] =	ssyncset.done $0x0  }
.Ltmp1:
0x78: {  	s30 =	sadd.s32 $0x15080, s29;
	[sflag:s23] =	ssyncadd.s32 $0xFFFFC000;
	(pc) =	sbr.rel @p0 .LBB2_4-.Ltmp1, $4  }
0x79: {  	[spmem:s1] =	stream.indirect.scatter.add.f32 [tilespmem:s20], [sflag:$0x3], $0x80, s30, s17, $0xb8;
	[tilespmem:$0x1E400] =	vst v63  }
0x7a: {  	_ =	swait.ge [sflag:s22], $0x4000  }
0x7b: {  	[sflag:s22] =	ssyncset.done $0x0  }
0x7c: {  	s29 =	sadd.s32 $0x13D80, s29;
	[sflag:s22] =	ssyncadd.s32 $0xFFFFC000  }
0x7d: {  	[tilespmem:s20], [sflag:$0x2] =	stream.indirect.gather [hbm4b:s4+s17], $0x80, s29, s17, $0xb8;
	[tilespmem:$0x1E400] =	vst v63  }
0x7e: {  	_ =	swait.ge [sflag:s21], $0x4000  }
0x7f: {  	[sflag:s21] =	ssyncset.done $0x0  }
0x80: {  	[sflag:s21] =	ssyncadd.s32 $0xFFFFC000  }
0x81: {  	[spmem:s1] =	stream.indirect.scatter.add.f32 [tilespmem:s18], [sflag:$0x3], $0x80, s24, s17, $0xb8;
	[tilespmem:$0x1E400] =	vst v63  }
0x82: {  	_ =	swait.ge [sflag:s22], $0x4000  }
0x83: {  	[sflag:s22] =	ssyncset.done $0x0  }
0x84: {  	[sflag:s22] =	ssyncadd.s32 $0xFFFFC000  }
0x85: {  	_ =	swait.ge [sflag:s23], $0x4000  }
0x86: {  	[sflag:s23] =	ssyncset.done $0x0  }
0x87: {  	[sflag:s23] =	ssyncadd.s32 $0xFFFFC000  }
0x88: {  	[spmem:s1] =	stream.indirect.scatter.add.f32 [tilespmem:s20], [sflag:$0x3], $0x80, s25, s17, $0xb8;
	[tilespmem:$0x1E400] =	vst v63  }
0x89: {  	_ =	swait.ge [sflag:s22], $0x4000  }
0x8a: {  	s26 =	sadd.s32 $0x1, s26;
	[sflag:s22] =	ssyncset.done $0x0  }
0x8b: {  	p0 =	sne.s32 s26, s12;
	[sflag:s22] =	ssyncadd.s32 $0xFFFFC000  }
.Ltmp2:
0x8c: {  	[bflag:$0x0] =	sbarrier.arrive $0xFFFF;
	(pc) =	sbr.rel @p0 .LBB2_1-.Ltmp2, $4  }
0x8d: {  	[hbm:s11], [sflag:s6] =	dma.local [spmem:s13], $0x2780  }
0x8e: {  	_ =	swait.ge [sflag:s14], $0x2780  }
0x8f: {  	[sflag:s14] =	ssyncset.done $0x0  }
0x90: {  	[sflag:s14] =	ssyncadd.s32 $0xFFFFD880  }
0x91: {  	_ =	sfence.sel $0x180000  }
0x92: {  	[bflag:$0x0] =	sbarrier.arrive $0xFFFF  }
0x93: {  	p0 =	sne.s32 s2, $0x0;
	_ =	strace $0x9000004D  }
0x94: {  	s0 =	sadd.s32 @!p0 $0x100000, s0;
	[bflag:$0x2] =	sbarrier.arrive $0xFFFF  }
0x95: {  	[sflag:s0] =	ssyncadd.tile.s32 @!p0 $0x1;
	_ =	shalt  }
.Lfunc_end2:
_tile_overlayer_lowered:
.L_overlay_start_2:
0x96: {  	(tag) =	ssettag $0x2  }
0x97: {  	s0 =	rddreg [dreg:$0x0];
	s2 =	stileid.u32  }
0x98: {  	s1 =	rddreg [dreg:$0x1];
	p0 =	sne.s32 s2, $0x0  }
0x99: {  	s3 =	rddreg [dreg:$0x2];
	[bflag:$0x3] =	sbarrier.arrive $0xFFFF;
	s2 =	simm.s32 @!p0 $0x1C04  }
0x9a: {  	[timem:s3], [sflag:s2] =	dma.local @!p0 [hbm:s0], s1  }
0x9b: {  	s0 =	simm.s32 @!p0 $0x4  }
0x9c: {  	_ =	swait.ge @!p0 [sflag:s0], s1  }
0x9d: {  	s1 =	ssub.s32 @!p0 $0x0, s1;
	[sflag:s0] =	ssyncset.done @!p0 $0x0  }
0x9e: {  	[sflag:s0] =	ssyncadd.s32 @!p0 s1  }
0x9f: {  	[bflag:$0x3] =	sbarrier.arrive $0xFFFF  }
0xa0: {  	_ =	shalt  }

// kernel: kernel.8.cloned.1.call-start
scs
__scs_entry_jumppad:
0x0: {  	(pc) =	sbr.rel $0x88, $3  }
0x1: {  	(tag) =	ssettag $0x0;
	lr =	simm.s32 $0x1  }
0x2: {  	[smem:$0x3F9C] =	sst lr;
	_ =	strace $0xD0000000  }
0x3: {  	_ = 	snop  }
0x4: {  	_ = 	snop  }
0x5: {  	_ = 	snop  }
0x6: {  	_ = 	snop  }
0x7: {  	_ = 	snop  }
__scs_overlays_trampoline_lowered:
0x8: {  	[smem:$0x3FAB] =	sst s0  }
0x9: {  	[smem:$0x3FAC] =	sst s1  }
0xa: {  	[smem:$0x3FAD] =	sst s2  }
0xb: {  	[smem:$0x3FAE] =	sst s3  }
0xc: {  	[smem:$0x3FAF] =	sst s4  }
0xd: {  	[smem:$0x3FB0] =	sst s5  }
0xe: {  	[smem:$0x3FB1] =	sst s6  }
0xf: {  	[smem:$0x3FB2] =	sst s7  }
0x10: {  	[smem:$0x3FB3] =	sst s8  }
0x11: {  	[smem:$0x3FB4] =	sst s9;
	s0 =	simm.s32 @!p0 $0x0  }
0x12: {  	s1 =	sld [smem:$0x3F9A];
	s0 =	simm.s32 @p0 $0x1  }
0x13: {  	[smem:$0x3FB5] =	sst s0;
	s0 =	simm.s32 @!p1 $0x0  }
0x14: {  	s2 =	sld [smem:$0x3F99];
	s0 =	simm.s32 @p1 $0x1  }
0x15: {  	[smem:$0x3FB6] =	sst s0;
	s0 =	simm.s32 @!p2 $0x0  }
0x16: {  	s3 =	sld [smem:$0x3FDB];
	s0 =	simm.s32 @p2 $0x1  }
0x17: {  	s4 =	simm.s32 $0x1BF5;
	[smem:$0x3FB8] =	sst s0  }
0x18: {  	s0 =	sld [smem:$0x3F9B];
	_ =	swait.ge [sflag:s4], $0x0  }
0x19: {  	s7 =	sld [smem:$0x3F9C]  }
0x1a: {  	s8 =	sadd.s32 $0xFFFFE003, lr  }
0x1b: {  	s9 =	sadd.s32 $0xFFFFFEF7, lr;
	s5 =	simm.s32 $0xFFFFFFFF;
	p2 =	slt.u32 s8, $0xFFFFF086  }
0x1c: {  	p1 =	slt.u32 s9, $0xF7A;
	s5 =	simm.s32 @!p2 $0x0  }
0x1d: {  	s5 =	simm.s32 @p1 $0x1;
	p0 =	seq.s32 s7, s2  }
0x1e: {  	s7 =	smul.u32 @!p0 $0xF7A, s2;
	p2 =	seq.s32 @!p0 s5, $0x0  }
0x1f: {  	s9 =	smul.u32 $0xF7A, s1;
	s8 =	simm.s32 @!p0 $0x1BF5;
	p2 =	por !p2, p0  }
0x20: {  	[sflag:s8] =	ssyncset.s32 @!p0 $0xFFFFF086;
	s6 =	sadd.s32 @!p0 s3, s7;
	s7 =	simm.s32 @!p0 $0x108  }
0x21: {  	s3 =	sadd.s32 s3, s9;
	s6 =	sadd.s32 @!p0 $0x88, s6;
	s7 =	simm.s32 @p2 $0x1082  }
0x22: {  	[simem:s7], [sflag:s8] =	dma.local @!p0 [hbm:s6], $0xF7A  }
0x23: {  	s9 =	sor.u32 $0xD0000000, s2;
	s6 =	simm.s32 $0x108;
	_ =	swait.ge @!p0 [sflag:s8], $0x0  }
0x24: {  	s3 =	sadd.s32 $0x88, s3;
	s6 =	simm.s32 @!p1 $0x1082;
	[sflag:s4] =	ssyncset.s32 $0xFFFFF086  }
0x25: {  	[simem:s6], [sflag:s4] =	dma.local [hbm:s3], $0xF7A  }
0x26: {  	[smem:$0x3F9C] =	sst s1;
	(tag) =	ssettag s2;
	_ =	strace s9  }
0x27: {  	s1 =	sld [smem:$0x3FAC]  }
0x28: {  	s2 =	sld [smem:$0x3FAD]  }
0x29: {  	s4 =	sld [smem:$0x3FAF]  }
0x2a: {  	p0 =	seq.s32 s5, $0x0;
	s5 =	sld [smem:$0x3FB0]  }
0x2b: {  	s6 =	sld [smem:$0x3FB1]  }
0x2c: {  	s7 =	sld [smem:$0x3FB2]  }
0x2d: {  	s3 =	simm.s32 $0x108;
	s8 =	sld [smem:$0x3FB3]  }
0x2e: {  	s3 =	simm.s32 @!p0 $0x1082;
	s9 =	sld [smem:$0x3FB4]  }
0x2f: {  	lr =	sadd.s32 s0, s3;
	s0 =	sld [smem:$0x3FAB]  }
0x30: {  	s3 =	sld [smem:$0x3FAE]  }
0x31: {  	[smem:$0x3FB7] =	sst s10  }
0x32: {  	s10 =	sld [smem:$0x3FB5];
	_ =	sdelay $0x3  }
0x33: {  	p0 =	seq.s32 s10, $0x1;
	s10 =	sld [smem:$0x3FB7];
	_ =	sdelay $0x3  }
0x34: {  	[smem:$0x3FB7] =	sst s10  }
0x35: {  	s10 =	sld [smem:$0x3FB6];
	_ =	sdelay $0x3  }
0x36: {  	p1 =	seq.s32 s10, $0x1;
	s10 =	sld [smem:$0x3FB7];
	_ =	sdelay $0x3  }
0x37: {  	[smem:$0x3FB7] =	sst s10  }
0x38: {  	s10 =	sld [smem:$0x3FB8]  }
0x39: {  	_ = 	snop;
	(pc) =	sbr.ind lr, $3  }
0x3a: {  	_ = 	snop  }
0x3b: {  	_ = 	snop  }
0x3c: {  	p2 =	seq.s32 s10, $0x1;
	s10 =	sld [smem:$0x3FB7]  }
0x3d: {  	_ =	shalt  }
0x3e: {  	_ =	shalt  }
0x3f: {  	_ =	shalt  }
0x40: {  	_ =	shalt  }
0x41: {  	_ =	shalt  }
0x42: {  	_ =	shalt  }
0x43: {  	_ =	shalt  }
0x44: {  	_ =	shalt  }
0x45: {  	_ =	shalt  }
0x46: {  	_ =	shalt  }
0x47: {  	_ =	shalt  }
0x48: {  	_ =	shalt  }
0x49: {  	_ =	shalt  }
0x4a: {  	_ =	shalt  }
0x4b: {  	_ =	shalt  }
0x4c: {  	_ =	shalt  }
0x4d: {  	_ =	shalt  }
0x4e: {  	_ =	shalt  }
0x4f: {  	_ =	shalt  }
0x50: {  	_ =	shalt  }
0x51: {  	_ =	shalt  }
0x52: {  	_ =	shalt  }
0x53: {  	_ =	shalt  }
0x54: {  	_ =	shalt  }
0x55: {  	_ =	shalt  }
0x56: {  	_ =	shalt  }
0x57: {  	_ =	shalt  }
0x58: {  	_ =	shalt  }
0x59: {  	_ =	shalt  }
0x5a: {  	_ =	shalt  }
0x5b: {  	_ =	shalt  }
0x5c: {  	_ =	shalt  }
0x5d: {  	_ =	shalt  }
0x5e: {  	_ =	shalt  }
0x5f: {  	_ =	shalt  }
0x60: {  	_ =	shalt  }
0x61: {  	_ =	shalt  }
0x62: {  	_ =	shalt  }
0x63: {  	_ =	shalt  }
0x64: {  	_ =	shalt  }
0x65: {  	_ =	shalt  }
0x66: {  	_ =	shalt  }
0x67: {  	_ =	shalt  }
0x68: {  	_ =	shalt  }
0x69: {  	_ =	shalt  }
0x6a: {  	_ =	shalt  }
0x6b: {  	_ =	shalt  }
0x6c: {  	_ =	shalt  }
0x6d: {  	_ =	shalt  }
0x6e: {  	_ =	shalt  }
0x6f: {  	_ =	shalt  }
0x70: {  	_ =	shalt  }
0x71: {  	_ =	shalt  }
0x72: {  	_ =	shalt  }
0x73: {  	_ =	shalt  }
0x74: {  	_ =	shalt  }
0x75: {  	_ =	shalt  }
0x76: {  	_ =	shalt  }
0x77: {  	_ =	shalt  }
0x78: {  	_ =	shalt  }
0x79: {  	_ =	shalt  }
0x7a: {  	_ =	shalt  }
0x7b: {  	_ =	shalt  }
0x7c: {  	_ =	shalt  }
0x7d: {  	_ =	shalt  }
0x7e: {  	_ =	shalt  }
0x7f: {  	_ =	shalt  }
0x80: {  	_ =	shalt  }
0x81: {  	_ =	shalt  }
0x82: {  	_ =	shalt  }
0x83: {  	_ =	shalt  }
0x84: {  	_ =	shalt  }
0x85: {  	_ =	shalt  }
0x86: {  	_ =	shalt  }
0x87: {  	_ =	shalt  }
.Lfunc_end0:
.L_simem_size_0:
called_computation_lowered:
.L_overlay_start_0:
0x88: {  	s2 =	sld [smem:$0x3FD9]  }
0x89: {  	s3 =	sld [smem:$0x3FFE];
	_ =	sdelay $0x1  }
0x8a: {  	s1 =	srdreg.scid  }
0x8b: {  	s0 =	sand.u32 $0x1, s1  }
0x8c: {  	s16 =	sshll.u32 s0, $0xA;
	s2 =	sadd.s32 s3, s2  }
0x8d: {  	s2 =	sadd.s32 s2, s16  }
0x8e: {  	[smem:$0x3FC3] =	sst s2  }
0x8f: {  	_ = 	snop  }
0x90: {  	(tm) =	ssettm $0x1  }
0x91: {  	s17 =	sld [smem:$0x3FFB];
	_ =	sdelay $0x3  }
0x92: {  	_ =	strace s17  }
0x93: {  	s2 =	sld [smem:$0x3FFC];
	_ =	sdelay $0x3  }
0x94: {  	_ =	strace s2  }
0x95: {  	s2 =	sld [smem:$0x3FFD];
	_ =	sdelay $0x3  }
0x96: {  	_ =	strace s2  }
0x97: {  	_ =	strace $0x8FFFFFFF  }
0x98: {  	s18 =	sld [smem:$0x3FDB];
	_ =	sdelay $0x1  }
0x99: {  	s19 =	simm.s32 $_scs_section_size  }
0x9a: {  	s4 =	simm.s32 $_size__tile_overlayer_lowered;
	s5 =	simm.s32 $_tile_overlayer_lowered  }
0x9b: {  	s22 =	simm.s32 $0x1BFF;
	s21 =	sshll.u32 s5, $0x1;
	s2 =	sadd.s32 s19, s18  }
0x9c: {  	s6 =	simm.s32 $0x0;
	s20 =	sshll.u32 s4, $0x1;
	s4 =	sadd.s32 s21, s2  }
0x9d: {  	[timem:s6], [sflag:s22] =	dma.local [hbm:s4], s20  }
0x9e: {  	_ =	swait.ge [sflag:s22], s20  }
0x9f: {  	s3 =	ssub.s32 $0x0, s20;
	[sflag:s22] =	ssyncset.done $0x0  }
0xa0: {  	[sflag:s22] =	ssyncadd.s32 s3;
	_ =	sdelay $0x1  }
0xa1: {  	s23 =	simm.s32 $0x1B8B  }
0xa2: {  	_ =	swait.ge [sflag:s23], $0x1  }
0xa3: {  	[sflag:s23] =	ssyncset.done $0x0  }
0xa4: {  	s25 =	simm.s32 $0x1B8E;
	s24 =	sld [smem:$0x3FFE];
	[sflag:s23] =	ssyncadd.s32 $0xFFFFFFFF  }
0xa5: {  	s26 =	simm.s32 $execute0_lowered;
	[smem:$0x3FD2] =	sst s25  }
0xa6: {  	s4 =	sshll.u32 s26, $0x1;
	_ =	strace $0x80000046;
	[dreg:$0x1] =	wrdreg $0xFFFFFFFF  }
0xa7: {  	s28 =	simm.s32 $_size_execute0_lowered;
	s2 =	sadd.s32 s2, s4;
	[dreg:$0x0] =	wrdreg $0x0  }
0xa8: {  	s4 =	sshll.u32 s28, $0x1;
	[dreg:$0x2] =	wrdreg s2  }
0xa9: {  	[dreg:$0x3] =	wrdreg s4  }
0xaa: {  	[dreg:$0x4] =	wrdreg $0xC0  }
0xab: {  	_ =	task [dreg:s6], $0x5FFFF  }
0xac: {  	[dreg:$0x1] =	wrdreg $0xFFFFFFFF  }
0xad: {  	[dreg:$0x0] =	wrdreg $0x60  }
0xae: {  	[dreg:$0x2] =	wrdreg s24  }
0xaf: {  	[dreg:$0x3] =	wrdreg $0x0  }
0xb0: {  	[dreg:$0x4] =	wrdreg $0x9  }
0xb1: {  	_ =	task.clear_ibuf [dreg:s6], $0x5FFFF;
	_ =	strace $0x90000046  }
0xb2: {  	s29 =	simm.s32 $0x9;
	_ =	strace $0x80000048  }
0xb3: {  	_ =	swait.ge [sflag:s29], $0x1  }
0xb4: {  	[sflag:s29] =	ssyncadd.s32 $0xFFFFFFFF  }
0xb5: {  	_ =	strace $0x90000048  }
0xb6: {  	_ =	sfence  }
0xb7: {  	s30 =	sld [smem:$0x0];
	_ =	sdelay $0x2  }
0xb8: {  	s31 =	sshll.u32 s1, $0xD;
	s1 =	sshrl.u32 s1, $0x2  }
0xb9: {  	s3 =	sand.u32 $0x4000, s31;
	s1 =	sadd.s32 s1, s30  }
0xba: {  	s0 =	sor.u32 s3, s0;
	s1 =	sshll.u32 s1, $0x11  }
0xbb: {  	s0 =	sor.u32 s1, s0  }
0xbc: {  	s0 =	sadd.s32 $0x8F2B, s0  }
0xbd: {  	[sflag:s0] =	ssyncadd.remote.s32 $0x1  }
0xbe: {  	_ =	sfence.sel $0xFFFF  }
0xbf: {  	[dreg:$0x0] =	wrdreg $0xFFFFFFFF;
	(pc) =	sbr.abs _section_cstart, $3  }
0xc0: {  	[dreg:$0x1] =	wrdreg $0xFFFFFFFF  }
0xc1: {  	_ =	task.clear_ibuf [dreg:s6], $0x2FFFF;
	_ =	strace $0x9FFFFFFF  }
0xc2: {  	(tm) =	ssettm $0x7FFFFFFF  }
0xc3: {  	_ =	shalt  }
tec
execute0_lowered:
.L_overlay_start_1:
0x0: {  	(tag) =	ssettag $0x1  }
0x1: {  	s7 =	rddreg [dreg:$0x0]  }
0x2: {  	s0 =	srdreg.scid;
	s2 =	rddreg [dreg:$0x1]  }
0x3: {  	s3 =	simm.s32 $0x0;
	s12 =	simm.s32 $0x3BC0;
	s13 =	simm.s32 $0x13C0  }
0x4: {  	s14 =	simm.s32 $0x80;
	s15 =	simm.s32 $0x1;
	s16 =	simm.s32 $0x2  }
0x5: {  	s17 =	simm.s32 $0x0;
	s6 =	sand.u32 $0x1, s0;
	s0 =	stileid.u32  }
0x6: {  	[smem:$0x7FF] =	sst s3;
	s1 =	sshll.u32 s6, $0x4;
	s10 =	smul.u32 $0x4F000, s0  }
0x7: {  	s6 =	ssub.s32 $0x2, s6;
	s31 =	sshll.u32 s0, $0x6;
	s4 =	sor.u32 s0, s1  }
0x8: {  	s1 =	rddreg [dreg:$0x2];
	_ =	strace $0x80000047;
	s5 =	smul.u32 $0x500, s4  }
0x9: {  	s30 =	sshrl.u32 s6, $0x1;
	s8 =	smul.u32 $0x2780, s4;
	s4 =	sadd.s32 $0xDA00, s7  }
0xa: {  	s10 =	sshrl.u32 s10, $0x2;
	s11 =	ssub.s32 s6, s30;
	s6 =	sor.u32 $0x1C03, s31  }
0xb: {  	s10 =	sadd.s32 s10, s2;
	s9 =	sadd.s32 s5, s7;
	s5 =	sadd.s32 $0xD200, s7  }
0xc: {  	s8 =	sadd.s32 s8, s7;
	s10 =	sshrl.u32 s10, $0x3;
	s7 =	sadd.s32 $0x3200, s9  }
0xd: {  	s8 =	sadd.s32 $0x10200, s8;
	s9 =	smax.u32 s11, $0x1;
	s11 =	simm.s32 $0x3  }
.LBB2_1:
0xe: {  	[spmem:s10], [sflag:s6] =	dma.local [hbm:s4], $0x2780  }
0xf: {  	_ =	swait.ge [sflag:s11], $0x2780  }
0x10: {  	[sflag:s11] =	ssyncset.done $0x0  }
0x11: {  	[sflag:s11] =	ssyncadd.s32 $0xFFFFD880  }
0x12: {  	[tilespmem:s12], [sflag:$0x3] =	stream.linear.gather [hbm4b:s5+s3], $0x4000, $0x38;
	[tilespmem:$0x7BC0] =	vst v63  }
0x13: {  	_ =	swait.ge [sflag:s11], $0x4000  }
0x14: {  	[sflag:s11] =	ssyncset.done $0x0  }
0x15: {  	[sflag:s11] =	ssyncadd.s32 $0xFFFFC000  }
0x16: {  	[tilespmem:s13], [sflag:$0x3] =	stream.linear.gather [hbm4b:s7+s3], $0x2800, $0x38;
	[tilespmem:$0x7BC0] =	vst v63  }
0x17: {  	_ =	swait.ge [sflag:s11], $0x2800  }
0x18: {  	[sflag:s11] =	ssyncset.done $0x0  }
0x19: {  	[sflag:s11] =	ssyncadd.s32 $0xFFFFD800  }
0x1a: {  	s18 =	simm.s32 $0x13C0;
	[bflag:$0x0] =	sbarrier.arrive $0xFFFF  }
0x1b: {  	[spmem:s2] =	stream.indirect.scatter.add.f32 [tilespmem:s12], [sflag:$0x1], $0x8, s18, s14, $0xb8;
	[tilespmem:$0x7BC0] =	vst v63  }
0x1c: {  	s31 =	simm.s32 $0x1440  }
0x1d: {  	[spmem:s2] =	stream.indirect.scatter.add.f32 [tilespmem:s12], [sflag:$0x2], $0x8, s31, s14, $0xb8;
	[tilespmem:$0x7BC0] =	vst v63  }
0x1e: {  	_ =	swait.ge [sflag:s15], $0x400  }
0x1f: {  	[sflag:s15] =	ssyncset.done $0x0  }
0x20: {  	[sflag:s15] =	ssyncadd.s32 $0xFFFFFC00  }
0x21: {  	_ =	swait.ge [sflag:s16], $0x400  }
0x22: {  	s19 =	simm.s32 $0x800;
	s18 =	simm.s32 $0x100;
	[sflag:s16] =	ssyncset.done $0x0  }
.LBB2_2:
0x23: {  	s20 =	sadd.s32 $0x13C0, s18  }
0x24: {  	[sflag:s16] =	ssyncadd.s32 $0xFFFFFC00;
	s21 =	smov.u32 s19;
	s22 =	sadd.s32 $0x400, s19  }
0x25: {  	[spmem:s2] =	stream.indirect.scatter.add.f32 [tilespmem:s12], [sflag:$0x1], $0x8, s20, s14, $0xb8;
	[tilespmem:$0x7BC0] =	vst v63  }
0x26: {  	p0 =	sne.s32 s19, $0x9C00;
	s18 =	sadd.s32 $0x1440, s18  }
0x27: {  	[spmem:s2] =	stream.indirect.scatter.add.f32 [tilespmem:s12], [sflag:$0x2], $0x8, s18, s14, $0xb8;
	[tilespmem:$0x7BC0] =	vst v63  }
.Ltmp0:
0x28: {  	_ =	swait.ge [sflag:s15], $0x400;
	(pc) =	sbr.rel @p0 .LBB2_2-.Ltmp0, $4  }
0x29: {  	[sflag:s15] =	ssyncset.done $0x0  }
0x2a: {  	[sflag:s15] =	ssyncadd.s32 $0xFFFFFC00  }
0x2b: {  	_ =	swait.ge [sflag:s16], $0x400  }
0x2c: {  	s19 =	smov.u32 s22;
	s18 =	sshra.s32 s21, $0x2;
	[sflag:s16] =	ssyncset.done $0x0  }
0x2d: {  	s19 =	sadd.s32 $0x13C0, s18;
	[sflag:s16] =	ssyncadd.s32 $0xFFFFFC00  }
0x2e: {  	[spmem:s2] =	stream.indirect.scatter.add.f32 [tilespmem:s12], [sflag:$0x1], $0x8, s19, s14, $0xb8;
	[tilespmem:$0x7BC0] =	vst v63  }
0x2f: {  	s31 =	sadd.s32 $0x1440, s18  }
0x30: {  	[spmem:s2] =	stream.indirect.scatter.add.f32 [tilespmem:s12], [sflag:$0x2], $0x8, s31, s14, $0xb8;
	[tilespmem:$0x7BC0] =	vst v63  }
0x31: {  	_ =	swait.ge [sflag:s15], $0x400  }
0x32: {  	[sflag:s15] =	ssyncset.done $0x0  }
0x33: {  	[sflag:s15] =	ssyncadd.s32 $0xFFFFFC00  }
0x34: {  	_ =	swait.ge [sflag:s16], $0x400  }
0x35: {  	s17 =	sadd.s32 $0x1, s17;
	[sflag:s16] =	ssyncset.done $0x0  }
0x36: {  	p0 =	sne.s32 s17, s9;
	[sflag:s16] =	ssyncadd.s32 $0xFFFFFC00  }
.Ltmp1:
0x37: {  	[bflag:$0x0] =	sbarrier.arrive $0xFFFF;
	(pc) =	sbr.rel @p0 .LBB2_1-.Ltmp1, $4  }
0x38: {  	[hbm:s8], [sflag:s6] =	dma.local [spmem:s10], $0x2780  }
0x39: {  	_ =	swait.ge [sflag:s11], $0x2780  }
0x3a: {  	[sflag:s11] =	ssyncset.done $0x0  }
0x3b: {  	[sflag:s11] =	ssyncadd.s32 $0xFFFFD880  }
0x3c: {  	_ =	sfence.sel $0x180000  }
0x3d: {  	[bflag:$0x0] =	sbarrier.arrive $0xFFFF  }
0x3e: {  	p0 =	sne.s32 s0, $0x0;
	_ =	strace $0x90000047  }
0x3f: {  	s0 =	sadd.s32 @!p0 $0x100000, s1;
	[bflag:$0x2] =	sbarrier.arrive $0xFFFF  }
0x40: {  	[sflag:s0] =	ssyncadd.tile.s32 @!p0 $0x1;
	_ =	shalt  }
.Lfunc_end2:
_tile_overlayer_lowered:
.L_overlay_start_2:
0x41: {  	(tag) =	ssettag $0x2  }
0x42: {  	s0 =	rddreg [dreg:$0x0];
	s2 =	stileid.u32  }
0x43: {  	s1 =	rddreg [dreg:$0x1];
	p0 =	sne.s32 s2, $0x0  }
0x44: {  	s3 =	rddreg [dreg:$0x2];
	[bflag:$0x3] =	sbarrier.arrive $0xFFFF;
	s2 =	simm.s32 @!p0 $0x1C03  }
0x45: {  	[timem:s3], [sflag:s2] =	dma.local @!p0 [hbm:s0], s1  }
0x46: {  	s0 =	simm.s32 @!p0 $0x3  }
0x47: {  	_ =	swait.ge @!p0 [sflag:s0], s1  }
0x48: {  	s1 =	ssub.s32 @!p0 $0x0, s1;
	[sflag:s0] =	ssyncset.done @!p0 $0x0  }
0x49: {  	[sflag:s0] =	ssyncadd.s32 @!p0 s1  }
0x4a: {  	[bflag:$0x3] =	sbarrier.arrive $0xFFFF  }
0x4b: {  	_ =	shalt  }

</sc_bundles>
